<compile_context>
chip_gen: v7x
topology: tpu7x:2x2x1
jax: 0.10.2.dev20260603
libtpu: 0.0.44.dev20260713+nightly
codegen_flags: <defaults>
</compile_context>

<pallas_src>
import functools

import jax
import jax.numpy as jnp
from jax import lax
from jax.experimental import pallas as pl
from jax.experimental.pallas import tpu as pltpu
from jax.experimental.pallas import tpu_sc as plsc

B, T, I, H, V, D = 8, 256, 1024, 8, 10000, 512

TT = 128
VT = 2560
NSUB = 16
VP = 10240
NV = VP // VT
IR = I // NSUB
VR = VP // NSUB
ZR = 64


def _head_kernel(ah_ref, enc_ref, dec_ref, tar_ref, tok_ref, w_ref, b_ref,
                 attnt_ref, pgen_ref, m_ref, z_ref, loss_ref):
    bi = pl.program_id(0)
    tj = pl.program_id(1)
    attn = jnp.mean(ah_ref[0], axis=0)
    attnt_ref[0] = jnp.swapaxes(attn, 0, 1)

    ctx = jnp.dot(attn, enc_ref[0], preferred_element_type=jnp.float32)
    cat = jnp.concatenate([ctx, dec_ref[0], tar_ref[0]], axis=1)
    logits = jnp.dot(cat, w_ref[...], preferred_element_type=jnp.float32)
    pg = jax.nn.sigmoid(logits + b_ref[0, 0])
    pgen_ref[...] = pg.reshape(1, 1, TT)

    tok = tok_ref[0]
    eq = (tok.reshape(I, 1) == tok.reshape(1, I)).astype(jnp.float32)
    g = jnp.dot(attn, eq, preferred_element_type=jnp.float32)
    cnt = jnp.sum(eq, axis=0, keepdims=True)
    recip = 1.0 / cnt
    uniq = jnp.sum(recip)
    m = jnp.max(g, axis=1, keepdims=True)
    zt = jnp.sum(jnp.exp(g - m) * recip, axis=1, keepdims=True)
    z = zt + (V - uniq) * jnp.exp(-m)
    m_ref[...] = m.reshape(1, 1, TT)
    z_ref[...] = z.reshape(1, 1, TT)

    partial = jnp.sum(10.0 * jax.nn.relu(jnp.abs(pg - 0.5) - 0.45))

    @pl.when(jnp.logical_and(bi == 0, tj == 0))
    def _():
        loss_ref[...] = jnp.zeros((1, 1), jnp.float32)

    loss_ref[...] += partial.reshape(1, 1) / (B * T)


def _run_head(attn_heads, enc, dec, tar, tok3, w, bvec):
    return pl.pallas_call(
        _head_kernel,
        grid=(B, T // TT),
        in_specs=[
            pl.BlockSpec((1, H, TT, I), lambda b, t: (b, 0, t, 0)),
            pl.BlockSpec((1, I, D), lambda b, t: (b, 0, 0)),
            pl.BlockSpec((1, TT, D), lambda b, t: (b, t, 0)),
            pl.BlockSpec((1, TT, D), lambda b, t: (b, t, 0)),
            pl.BlockSpec((1, 1, I), lambda b, t: (b, 0, 0)),
            pl.BlockSpec((3 * D, 1), lambda b, t: (0, 0)),
            pl.BlockSpec((1, 1), lambda b, t: (0, 0)),
        ],
        out_specs=[
            pl.BlockSpec((1, I, TT), lambda b, t: (b, 0, t)),
            pl.BlockSpec((1, 1, TT), lambda b, t: (b, 0, t)),
            pl.BlockSpec((1, 1, TT), lambda b, t: (b, 0, t)),
            pl.BlockSpec((1, 1, TT), lambda b, t: (b, 0, t)),
            pl.BlockSpec((1, 1), lambda b, t: (0, 0)),
        ],
        out_shape=[
            jax.ShapeDtypeStruct((B, I, T), jnp.float32),
            jax.ShapeDtypeStruct((B, 1, T), jnp.float32),
            jax.ShapeDtypeStruct((B, 1, T), jnp.float32),
            jax.ShapeDtypeStruct((B, 1, T), jnp.float32),
            jax.ShapeDtypeStruct((1, 1), jnp.float32),
        ],
    )(attn_heads, enc, dec, tar, tok3, w, bvec.reshape(1, 1))


def _sc_scatter_body(attnt_hbm, tok_hbm, s_hbm, table, abuf, zbuf,
                     tbuf, seme, semo, semt):
    c = lax.axis_index("c")
    sid = lax.axis_index("s")

    tok_copies = [
        pltpu.make_async_copy(tok_hbm.at[b, pl.ds(sid * IR, IR)],
                              tbuf.at[b], semt)
        for b in range(B)
    ]
    for cp in tok_copies:
        cp.start()
    at_copies = [
        pltpu.make_async_copy(
            attnt_hbm.at[b, pl.ds(sid * IR, IR), pl.ds(c * TT, TT)],
            abuf.at[b % 2], seme if b % 2 == 0 else semo)
        for b in range(B)
    ]
    at_copies[0].start()

    def _zero_row(r, carry):
        for j in range(TT // 16):
            zbuf[r, pl.ds(j * 16, 16)] = jnp.zeros((16,), jnp.float32)
        return carry

    lax.fori_loop(0, ZR, _zero_row, 0)
    for k in range(VR // ZR):
        pltpu.sync_copy(zbuf, table.at[pl.ds(sid * VR + k * ZR, ZR)])
    for cp in tok_copies:
        cp.wait()
    plsc.subcore_barrier()

    for b in range(B):
        if b + 1 < B:
            at_copies[b + 1].start()
        at_copies[b].wait()
        pltpu.sync_copy(abuf.at[b % 2], table.at[tbuf.at[b]], add=True)
        plsc.subcore_barrier()
        pltpu.sync_copy(table.at[pl.ds(sid * VR, VR)],
                        s_hbm.at[b, c, pl.ds(sid * VR, VR)])
        if b != B - 1:
            plsc.subcore_barrier()
            pltpu.sync_copy(zbuf.at[pl.ds(0, IR)], table.at[tbuf.at[b]])
            plsc.subcore_barrier()


def _run_scatter(attnt, tok):
    mesh = plsc.VectorSubcoreMesh(core_axis_name="c", subcore_axis_name="s")
    f = pl.kernel(
        _sc_scatter_body,
        out_type=jax.ShapeDtypeStruct((B, 2, VP, TT), jnp.float32),
        mesh=mesh,
        scratch_types=[
            pltpu.VMEM_SHARED((VP, TT), jnp.float32),
            pltpu.VMEM((2, IR, TT), jnp.float32),
            pltpu.VMEM((ZR, TT), jnp.float32),
            pltpu.VMEM((B, IR), jnp.int32),
            pltpu.SemaphoreType.DMA,
            pltpu.SemaphoreType.DMA,
            pltpu.SemaphoreType.DMA,
        ],
        cost_estimate=pl.CostEstimate(
            flops=0, bytes_accessed=4 * B * (2 * VP * TT + I * T),
            transcendentals=0),
    )
    return f(attnt, tok)


def _mix_kernel(s_ref, gen_ref, pg_ref, m_ref, z_ref, ptr_ref, fin_ref):
    m = m_ref[0, 0].reshape(T, 1)
    zinv = 1.0 / z_ref[0, 0].reshape(T, 1)
    pg = pg_ref[0, 0].reshape(T, 1)
    st = jnp.concatenate(
        [jnp.swapaxes(s_ref[0, 0], 0, 1),
         jnp.swapaxes(s_ref[0, 1], 0, 1)], axis=0)
    ptr = jnp.exp(st - m) * zinv
    ptr_ref[0] = ptr
    fin_ref[0] = pg * gen_ref[0] + (1.0 - pg) * ptr


def _run_mix(s, gen, pg, m, z):
    return pl.pallas_call(
        _mix_kernel,
        grid=(B, NV),
        in_specs=[
            pl.BlockSpec((1, 2, VT, TT), lambda b, v: (b, 0, v, 0)),
            pl.BlockSpec((1, T, VT), lambda b, v: (b, 0, v)),
            pl.BlockSpec((1, 1, T), lambda b, v: (b, 0, 0)),
            pl.BlockSpec((1, 1, T), lambda b, v: (b, 0, 0)),
            pl.BlockSpec((1, 1, T), lambda b, v: (b, 0, 0)),
        ],
        out_specs=[
            pl.BlockSpec((1, T, VT), lambda b, v: (b, 0, v)),
            pl.BlockSpec((1, T, VT), lambda b, v: (b, 0, v)),
        ],
        out_shape=[
            jax.ShapeDtypeStruct((B, T, V), jnp.float32),
            jax.ShapeDtypeStruct((B, T, V), jnp.float32),
        ],
    )(s, gen, pg, m, z)


def kernel(inp_tokens, tar_embedded, generator_output, enc_output, dec_state,
           attn_heads, W_pgen, b_pgen):
    tok3 = inp_tokens.reshape(B, 1, I)
    attnt, pg, m, z, loss = _run_head(
        attn_heads, enc_output, dec_state, tar_embedded, tok3,
        W_pgen, b_pgen)
    s = _run_scatter(attnt, inp_tokens)
    ptr, fin = _run_mix(s, generator_output, pg, m, z)
    return fin, ptr, pg.reshape(B, T), loss.reshape(())

# --- scband reference (transcript-rebuilt; emitter-appended) ---
"""Pipeline reference for scband-pointer-net-69715909148893 (READ-ONLY COPY).

The authoritative reference and input builder live on the scoring server;
editing this copy changes nothing except your own understanding.
"""

import jax, jax.numpy as jnp
import numpy as np

B, T, I, H, V, D = 8, 256, 1024, 8, 10000, 512


def setup_inputs(seed: int = 0) -> dict:
    key = jax.random.key(seed)
    ks = jax.random.split(key, 8)
    inp_tokens = jax.random.randint(ks[0], (B, I), 0, V, dtype=jnp.int32)
    tar_embedded = jax.random.normal(ks[1], (B, T, D), dtype=jnp.float32)
    generator_output = jax.random.uniform(ks[2], (B, T, V), dtype=jnp.float32)
    enc_output = jax.random.normal(ks[3], (B, I, D), dtype=jnp.float32)
    dec_state = jax.random.normal(ks[4], (B, T, D), dtype=jnp.float32)
    attn_heads = jax.random.uniform(ks[5], (B, H, T, I), dtype=jnp.float32)
    # learned params of p_gen Dense(1): input dim = 3*D
    W_pgen = jax.random.normal(ks[6], (3 * D, 1), dtype=jnp.float32) * 0.02
    b_pgen = jnp.zeros((1,), dtype=jnp.float32)
    return {
        'inp_tokens': inp_tokens,
        'tar_embedded': tar_embedded,
        'generator_output': generator_output,
        'enc_output': enc_output,
        'dec_state': dec_state,
        'attn_heads': attn_heads,
        'W_pgen': W_pgen,
        'b_pgen': b_pgen,
    }


def reference(inp_tokens, tar_embedded, generator_output, enc_output, dec_state, attn_heads, W_pgen, b_pgen):
    # attn: mean over heads -> (B, T, I)
    attn = jnp.mean(attn_heads, axis=1)
    # context vector: (B, T, D)
    context = jnp.einsum('bti,bid->btd', attn, enc_output)
    p_gen_inputs = jnp.concatenate([context, dec_state, tar_embedded], axis=-1)
    logits = jnp.einsum('btd,do->bto', p_gen_inputs, W_pgen) + b_pgen
    p_gen = jax.nn.sigmoid(logits)  # (B, T, 1)
    # regularization loss / metrics (add_loss in original)
    p_gen_loss = 10.0 * jax.nn.relu(jnp.abs(p_gen - 0.5) - 0.45)
    p_gen_loss = jnp.mean(p_gen_loss)
    # pointer distribution: einsum('bti,biv->btv', attn, one_hot(inp_tokens))
    # == scatter-add of attention mass into vocab slots by token id (segment_sum)
    def scatter_one(a, toks):
        # a: (T, I), toks: (I,) -> (T, V)
        return jax.ops.segment_sum(a.T, toks, num_segments=V).T

    pointer_output = jax.vmap(scatter_one)(attn, inp_tokens)
    pointer_output = jax.nn.softmax(pointer_output, axis=-1)
    final_output = p_gen * generator_output + (1.0 - p_gen) * pointer_output
    return final_output, pointer_output, jnp.squeeze(p_gen, axis=-1), p_gen_loss

if __name__ == "__main__":
    import jax
    _d = setup_inputs()
    print(jax.jit(kernel)(*tuple(_d.values())))

</pallas_src>

<mosaic_0001>
#map = affine_map<(d0, d1) -> (0, 0, 0)>
#map1 = affine_map<(d0, d1) -> (0, 0)>
#map2 = affine_map<(d0, d1) -> (0, 0, 0, 0)>
module attributes {stable_mosaic.version = 14 : i64} {
  func.func @_sc_scatter_body(%arg0: i32, %arg1: i32, %arg2: memref<8x1024x256xf32, #tpu.memory_space<hbm>>, %arg3: memref<8x1024xi32, #tpu.memory_space<hbm>>, %arg4: memref<8x2x10240x128xf32, #tpu.memory_space<hbm>>, %arg5: memref<10240x128xf32, #tpu.memory_space<vmem_shared>>, %arg6: memref<2x64x128xf32, #tpu.memory_space<vmem>>, %arg7: memref<64x128xf32, #tpu.memory_space<vmem>>, %arg8: memref<8x64xi32, #tpu.memory_space<vmem>>, %arg9: memref<!tpu.dma_semaphore, #tpu.memory_space<semaphore_mem>>, %arg10: memref<!tpu.dma_semaphore, #tpu.memory_space<semaphore_mem>>, %arg11: memref<!tpu.dma_semaphore, #tpu.memory_space<semaphore_mem>>) attributes {dimension_semantics = [#tpu.dimension_semantics<core_parallel>, #tpu.dimension_semantics<subcore_parallel>], iteration_bounds = array<i64: 2, 16>, scalar_prefetch = 0 : i64, scratch_operands = 7 : i64, tpu.core_type = #tpu.core_type<sc_vector_subcore>, window_params = [{transform_indices = #map}, {transform_indices = #map1}, {transform_indices = #map2}]} {
    %mul3A = arith.constant 64 : i32
    %mul3A_0 = arith.muli %arg1, %mul3A : i32
    %mul3A_1 = arith.constant 64 : i32
    %mul3A_2 = arith.muli %arg1, %mul3A_1 : i32
    %mul3A_3 = arith.constant 64 : i32
    %mul3A_4 = arith.muli %arg1, %mul3A_3 : i32
    %mul3A_5 = arith.constant 64 : i32
    %mul3A_6 = arith.muli %arg1, %mul3A_5 : i32
    %mul3A_7 = arith.constant 64 : i32
    %mul3A_8 = arith.muli %arg1, %mul3A_7 : i32
    %mul3A_9 = arith.constant 64 : i32
    %mul3A_10 = arith.muli %arg1, %mul3A_9 : i32
    %mul3A_11 = arith.constant 64 : i32
    %mul3A_12 = arith.muli %arg1, %mul3A_11 : i32
    %mul3A_13 = arith.constant 64 : i32
    %mul3A_14 = arith.muli %arg1, %mul3A_13 : i32
    %dma_start3A = arith.constant 0 : i32
    %dma_start3A_15 = arith.constant 0 : i32
    %dma_start3A_16 = arith.constant 0 : i32
    %dma_start3A_17 = tpu.memref_slice %arg8[%dma_start3A_15, %dma_start3A_16] : memref<8x64xi32, #tpu.memory_space<vmem>> -> memref<1x64xi32, #tpu.memory_space<vmem>>
    %dma_start3A_18 = tpu.memref_squeeze %dma_start3A_17 : memref<1x64xi32, #tpu.memory_space<vmem>> -> memref<64xi32, #tpu.memory_space<vmem>>
    %dma_start3A_19 = tpu.memref_slice %arg3[%dma_start3A, %mul3A_0] : memref<8x1024xi32, #tpu.memory_space<hbm>> -> memref<1x64xi32, #tpu.memory_space<hbm>>
    %dma_start3A_20 = tpu.memref_squeeze %dma_start3A_19 : memref<1x64xi32, #tpu.memory_space<hbm>> -> memref<64xi32, #tpu.memory_space<hbm>>
    %dma_start3A_21 = arith.constant 0 : i32
    %dma_start3A_22 = tpu.memref_slice %arg8[%dma_start3A_15, %dma_start3A_21] : memref<8x64xi32, #tpu.memory_space<vmem>> -> memref<1x64xi32, #tpu.memory_space<vmem>>
    %dma_start3A_23 = tpu.memref_squeeze %dma_start3A_22 : memref<1x64xi32, #tpu.memory_space<vmem>> -> memref<64xi32, #tpu.memory_space<vmem>>
    %dma_start3A_24 = tpu.memref_slice %arg3[%dma_start3A, %mul3A_0] : memref<8x1024xi32, #tpu.memory_space<hbm>> -> memref<1x64xi32, #tpu.memory_space<hbm>>
    %dma_start3A_25 = tpu.memref_squeeze %dma_start3A_24 : memref<1x64xi32, #tpu.memory_space<hbm>> -> memref<64xi32, #tpu.memory_space<hbm>>
    tpu.enqueue_dma source(%dma_start3A_25 : memref<64xi32, #tpu.memory_space<hbm>>) target(%dma_start3A_23 : memref<64xi32, #tpu.memory_space<vmem>>) target_semaphore(%arg11 : memref<!tpu.dma_semaphore, #tpu.memory_space<semaphore_mem>>)
    %dma_start3A_26 = arith.constant 1 : i32
    %dma_start3A_27 = arith.constant 1 : i32
    %dma_start3A_28 = arith.constant 0 : i32
    %dma_start3A_29 = tpu.memref_slice %arg8[%dma_start3A_27, %dma_start3A_28] : memref<8x64xi32, #tpu.memory_space<vmem>> -> memref<1x64xi32, #tpu.memory_space<vmem>>
    %dma_start3A_30 = tpu.memref_squeeze %dma_start3A_29 : memref<1x64xi32, #tpu.memory_space<vmem>> -> memref<64xi32, #tpu.memory_space<vmem>>
    %dma_start3A_31 = tpu.memref_slice %arg3[%dma_start3A_26, %mul3A_2] : memref<8x1024xi32, #tpu.memory_space<hbm>> -> memref<1x64xi32, #tpu.memory_space<hbm>>
    %dma_start3A_32 = tpu.memref_squeeze %dma_start3A_31 : memref<1x64xi32, #tpu.memory_space<hbm>> -> memref<64xi32, #tpu.memory_space<hbm>>
    %dma_start3A_33 = arith.constant 0 : i32
    %dma_start3A_34 = tpu.memref_slice %arg8[%dma_start3A_27, %dma_start3A_33] : memref<8x64xi32, #tpu.memory_space<vmem>> -> memref<1x64xi32, #tpu.memory_space<vmem>>
    %dma_start3A_35 = tpu.memref_squeeze %dma_start3A_34 : memref<1x64xi32, #tpu.memory_space<vmem>> -> memref<64xi32, #tpu.memory_space<vmem>>
    %dma_start3A_36 = tpu.memref_slice %arg3[%dma_start3A_26, %mul3A_2] : memref<8x1024xi32, #tpu.memory_space<hbm>> -> memref<1x64xi32, #tpu.memory_space<hbm>>
    %dma_start3A_37 = tpu.memref_squeeze %dma_start3A_36 : memref<1x64xi32, #tpu.memory_space<hbm>> -> memref<64xi32, #tpu.memory_space<hbm>>
    tpu.enqueue_dma source(%dma_start3A_37 : memref<64xi32, #tpu.memory_space<hbm>>) target(%dma_start3A_35 : memref<64xi32, #tpu.memory_space<vmem>>) target_semaphore(%arg11 : memref<!tpu.dma_semaphore, #tpu.memory_space<semaphore_mem>>)
    %dma_start3A_38 = arith.constant 2 : i32
    %dma_start3A_39 = arith.constant 2 : i32
    %dma_start3A_40 = arith.constant 0 : i32
    %dma_start3A_41 = tpu.memref_slice %arg8[%dma_start3A_39, %dma_start3A_40] : memref<8x64xi32, #tpu.memory_space<vmem>> -> memref<1x64xi32, #tpu.memory_space<vmem>>
    %dma_start3A_42 = tpu.memref_squeeze %dma_start3A_41 : memref<1x64xi32, #tpu.memory_space<vmem>> -> memref<64xi32, #tpu.memory_space<vmem>>
    %dma_start3A_43 = tpu.memref_slice %arg3[%dma_start3A_38, %mul3A_4] : memref<8x1024xi32, #tpu.memory_space<hbm>> -> memref<1x64xi32, #tpu.memory_space<hbm>>
    %dma_start3A_44 = tpu.memref_squeeze %dma_start3A_43 : memref<1x64xi32, #tpu.memory_space<hbm>> -> memref<64xi32, #tpu.memory_space<hbm>>
    %dma_start3A_45 = arith.constant 0 : i32
    %dma_start3A_46 = tpu.memref_slice %arg8[%dma_start3A_39, %dma_start3A_45] : memref<8x64xi32, #tpu.memory_space<vmem>> -> memref<1x64xi32, #tpu.memory_space<vmem>>
    %dma_start3A_47 = tpu.memref_squeeze %dma_start3A_46 : memref<1x64xi32, #tpu.memory_space<vmem>> -> memref<64xi32, #tpu.memory_space<vmem>>
    %dma_start3A_48 = tpu.memref_slice %arg3[%dma_start3A_38, %mul3A_4] : memref<8x1024xi32, #tpu.memory_space<hbm>> -> memref<1x64xi32, #tpu.memory_space<hbm>>
    %dma_start3A_49 = tpu.memref_squeeze %dma_start3A_48 : memref<1x64xi32, #tpu.memory_space<hbm>> -> memref<64xi32, #tpu.memory_space<hbm>>
    tpu.enqueue_dma source(%dma_start3A_49 : memref<64xi32, #tpu.memory_space<hbm>>) target(%dma_start3A_47 : memref<64xi32, #tpu.memory_space<vmem>>) target_semaphore(%arg11 : memref<!tpu.dma_semaphore, #tpu.memory_space<semaphore_mem>>)
    %dma_start3A_50 = arith.constant 3 : i32
    %dma_start3A_51 = arith.constant 3 : i32
    %dma_start3A_52 = arith.constant 0 : i32
    %dma_start3A_53 = tpu.memref_slice %arg8[%dma_start3A_51, %dma_start3A_52] : memref<8x64xi32, #tpu.memory_space<vmem>> -> memref<1x64xi32, #tpu.memory_space<vmem>>
    %dma_start3A_54 = tpu.memref_squeeze %dma_start3A_53 : memref<1x64xi32, #tpu.memory_space<vmem>> -> memref<64xi32, #tpu.memory_space<vmem>>
    %dma_start3A_55 = tpu.memref_slice %arg3[%dma_start3A_50, %mul3A_6] : memref<8x1024xi32, #tpu.memory_space<hbm>> -> memref<1x64xi32, #tpu.memory_space<hbm>>
    %dma_start3A_56 = tpu.memref_squeeze %dma_start3A_55 : memref<1x64xi32, #tpu.memory_space<hbm>> -> memref<64xi32, #tpu.memory_space<hbm>>
    %dma_start3A_57 = arith.constant 0 : i32
    %dma_start3A_58 = tpu.memref_slice %arg8[%dma_start3A_51, %dma_start3A_57] : memref<8x64xi32, #tpu.memory_space<vmem>> -> memref<1x64xi32, #tpu.memory_space<vmem>>
    %dma_start3A_59 = tpu.memref_squeeze %dma_start3A_58 : memref<1x64xi32, #tpu.memory_space<vmem>> -> memref<64xi32, #tpu.memory_space<vmem>>
    %dma_start3A_60 = tpu.memref_slice %arg3[%dma_start3A_50, %mul3A_6] : memref<8x1024xi32, #tpu.memory_space<hbm>> -> memref<1x64xi32, #tpu.memory_space<hbm>>
    %dma_start3A_61 = tpu.memref_squeeze %dma_start3A_60 : memref<1x64xi32, #tpu.memory_space<hbm>> -> memref<64xi32, #tpu.memory_space<hbm>>
    tpu.enqueue_dma source(%dma_start3A_61 : memref<64xi32, #tpu.memory_space<hbm>>) target(%dma_start3A_59 : memref<64xi32, #tpu.memory_space<vmem>>) target_semaphore(%arg11 : memref<!tpu.dma_semaphore, #tpu.memory_space<semaphore_mem>>)
    %dma_start3A_62 = arith.constant 4 : i32
    %dma_start3A_63 = arith.constant 4 : i32
    %dma_start3A_64 = arith.constant 0 : i32
    %dma_start3A_65 = tpu.memref_slice %arg8[%dma_start3A_63, %dma_start3A_64] : memref<8x64xi32, #tpu.memory_space<vmem>> -> memref<1x64xi32, #tpu.memory_space<vmem>>
    %dma_start3A_66 = tpu.memref_squeeze %dma_start3A_65 : memref<1x64xi32, #tpu.memory_space<vmem>> -> memref<64xi32, #tpu.memory_space<vmem>>
    %dma_start3A_67 = tpu.memref_slice %arg3[%dma_start3A_62, %mul3A_8] : memref<8x1024xi32, #tpu.memory_space<hbm>> -> memref<1x64xi32, #tpu.memory_space<hbm>>
    %dma_start3A_68 = tpu.memref_squeeze %dma_start3A_67 : memref<1x64xi32, #tpu.memory_space<hbm>> -> memref<64xi32, #tpu.memory_space<hbm>>
    %dma_start3A_69 = arith.constant 0 : i32
    %dma_start3A_70 = tpu.memref_slice %arg8[%dma_start3A_63, %dma_start3A_69] : memref<8x64xi32, #tpu.memory_space<vmem>> -> memref<1x64xi32, #tpu.memory_space<vmem>>
    %dma_start3A_71 = tpu.memref_squeeze %dma_start3A_70 : memref<1x64xi32, #tpu.memory_space<vmem>> -> memref<64xi32, #tpu.memory_space<vmem>>
    %dma_start3A_72 = tpu.memref_slice %arg3[%dma_start3A_62, %mul3A_8] : memref<8x1024xi32, #tpu.memory_space<hbm>> -> memref<1x64xi32, #tpu.memory_space<hbm>>
    %dma_start3A_73 = tpu.memref_squeeze %dma_start3A_72 : memref<1x64xi32, #tpu.memory_space<hbm>> -> memref<64xi32, #tpu.memory_space<hbm>>
    tpu.enqueue_dma source(%dma_start3A_73 : memref<64xi32, #tpu.memory_space<hbm>>) target(%dma_start3A_71 : memref<64xi32, #tpu.memory_space<vmem>>) target_semaphore(%arg11 : memref<!tpu.dma_semaphore, #tpu.memory_space<semaphore_mem>>)
    %dma_start3A_74 = arith.constant 5 : i32
    %dma_start3A_75 = arith.constant 5 : i32
    %dma_start3A_76 = arith.constant 0 : i32
    %dma_start3A_77 = tpu.memref_slice %arg8[%dma_start3A_75, %dma_start3A_76] : memref<8x64xi32, #tpu.memory_space<vmem>> -> memref<1x64xi32, #tpu.memory_space<vmem>>
    %dma_start3A_78 = tpu.memref_squeeze %dma_start3A_77 : memref<1x64xi32, #tpu.memory_space<vmem>> -> memref<64xi32, #tpu.memory_space<vmem>>
    %dma_start3A_79 = tpu.memref_slice %arg3[%dma_start3A_74, %mul3A_10] : memref<8x1024xi32, #tpu.memory_space<hbm>> -> memref<1x64xi32, #tpu.memory_space<hbm>>
    %dma_start3A_80 = tpu.memref_squeeze %dma_start3A_79 : memref<1x64xi32, #tpu.memory_space<hbm>> -> memref<64xi32, #tpu.memory_space<hbm>>
    %dma_start3A_81 = arith.constant 0 : i32
    %dma_start3A_82 = tpu.memref_slice %arg8[%dma_start3A_75, %dma_start3A_81] : memref<8x64xi32, #tpu.memory_space<vmem>> -> memref<1x64xi32, #tpu.memory_space<vmem>>
    %dma_start3A_83 = tpu.memref_squeeze %dma_start3A_82 : memref<1x64xi32, #tpu.memory_space<vmem>> -> memref<64xi32, #tpu.memory_space<vmem>>
    %dma_start3A_84 = tpu.memref_slice %arg3[%dma_start3A_74, %mul3A_10] : memref<8x1024xi32, #tpu.memory_space<hbm>> -> memref<1x64xi32, #tpu.memory_space<hbm>>
    %dma_start3A_85 = tpu.memref_squeeze %dma_start3A_84 : memref<1x64xi32, #tpu.memory_space<hbm>> -> memref<64xi32, #tpu.memory_space<hbm>>
    tpu.enqueue_dma source(%dma_start3A_85 : memref<64xi32, #tpu.memory_space<hbm>>) target(%dma_start3A_83 : memref<64xi32, #tpu.memory_space<vmem>>) target_semaphore(%arg11 : memref<!tpu.dma_semaphore, #tpu.memory_space<semaphore_mem>>)
    %dma_start3A_86 = arith.constant 6 : i32
    %dma_start3A_87 = arith.constant 6 : i32
    %dma_start3A_88 = arith.constant 0 : i32
    %dma_start3A_89 = tpu.memref_slice %arg8[%dma_start3A_87, %dma_start3A_88] : memref<8x64xi32, #tpu.memory_space<vmem>> -> memref<1x64xi32, #tpu.memory_space<vmem>>
    %dma_start3A_90 = tpu.memref_squeeze %dma_start3A_89 : memref<1x64xi32, #tpu.memory_space<vmem>> -> memref<64xi32, #tpu.memory_space<vmem>>
    %dma_start3A_91 = tpu.memref_slice %arg3[%dma_start3A_86, %mul3A_12] : memref<8x1024xi32, #tpu.memory_space<hbm>> -> memref<1x64xi32, #tpu.memory_space<hbm>>
    %dma_start3A_92 = tpu.memref_squeeze %dma_start3A_91 : memref<1x64xi32, #tpu.memory_space<hbm>> -> memref<64xi32, #tpu.memory_space<hbm>>
    %dma_start3A_93 = arith.constant 0 : i32
    %dma_start3A_94 = tpu.memref_slice %arg8[%dma_start3A_87, %dma_start3A_93] : memref<8x64xi32, #tpu.memory_space<vmem>> -> memref<1x64xi32, #tpu.memory_space<vmem>>
    %dma_start3A_95 = tpu.memref_squeeze %dma_start3A_94 : memref<1x64xi32, #tpu.memory_space<vmem>> -> memref<64xi32, #tpu.memory_space<vmem>>
    %dma_start3A_96 = tpu.memref_slice %arg3[%dma_start3A_86, %mul3A_12] : memref<8x1024xi32, #tpu.memory_space<hbm>> -> memref<1x64xi32, #tpu.memory_space<hbm>>
    %dma_start3A_97 = tpu.memref_squeeze %dma_start3A_96 : memref<1x64xi32, #tpu.memory_space<hbm>> -> memref<64xi32, #tpu.memory_space<hbm>>
    tpu.enqueue_dma source(%dma_start3A_97 : memref<64xi32, #tpu.memory_space<hbm>>) target(%dma_start3A_95 : memref<64xi32, #tpu.memory_space<vmem>>) target_semaphore(%arg11 : memref<!tpu.dma_semaphore, #tpu.memory_space<semaphore_mem>>)
    %dma_start3A_98 = arith.constant 7 : i32
    %dma_start3A_99 = arith.constant 7 : i32
    %dma_start3A_100 = arith.constant 0 : i32
    %dma_start3A_101 = tpu.memref_slice %arg8[%dma_start3A_99, %dma_start3A_100] : memref<8x64xi32, #tpu.memory_space<vmem>> -> memref<1x64xi32, #tpu.memory_space<vmem>>
    %dma_start3A_102 = tpu.memref_squeeze %dma_start3A_101 : memref<1x64xi32, #tpu.memory_space<vmem>> -> memref<64xi32, #tpu.memory_space<vmem>>
    %dma_start3A_103 = tpu.memref_slice %arg3[%dma_start3A_98, %mul3A_14] : memref<8x1024xi32, #tpu.memory_space<hbm>> -> memref<1x64xi32, #tpu.memory_space<hbm>>
    %dma_start3A_104 = tpu.memref_squeeze %dma_start3A_103 : memref<1x64xi32, #tpu.memory_space<hbm>> -> memref<64xi32, #tpu.memory_space<hbm>>
    %dma_start3A_105 = arith.constant 0 : i32
    %dma_start3A_106 = tpu.memref_slice %arg8[%dma_start3A_99, %dma_start3A_105] : memref<8x64xi32, #tpu.memory_space<vmem>> -> memref<1x64xi32, #tpu.memory_space<vmem>>
    %dma_start3A_107 = tpu.memref_squeeze %dma_start3A_106 : memref<1x64xi32, #tpu.memory_space<vmem>> -> memref<64xi32, #tpu.memory_space<vmem>>
    %dma_start3A_108 = tpu.memref_slice %arg3[%dma_start3A_98, %mul3A_14] : memref<8x1024xi32, #tpu.memory_space<hbm>> -> memref<1x64xi32, #tpu.memory_space<hbm>>
    %dma_start3A_109 = tpu.memref_squeeze %dma_start3A_108 : memref<1x64xi32, #tpu.memory_space<hbm>> -> memref<64xi32, #tpu.memory_space<hbm>>
    tpu.enqueue_dma source(%dma_start3A_109 : memref<64xi32, #tpu.memory_space<hbm>>) target(%dma_start3A_107 : memref<64xi32, #tpu.memory_space<vmem>>) target_semaphore(%arg11 : memref<!tpu.dma_semaphore, #tpu.memory_space<semaphore_mem>>)
    %mul3A_110 = arith.constant 64 : i32
    %mul3A_111 = arith.muli %arg1, %mul3A_110 : i32
    %mul3A_112 = arith.constant 128 : i32
    %mul3A_113 = arith.muli %arg0, %mul3A_112 : i32
    %mul3A_114 = arith.constant 64 : i32
    %mul3A_115 = arith.muli %arg1, %mul3A_114 : i32
    %mul3A_116 = arith.constant 128 : i32
    %mul3A_117 = arith.muli %arg0, %mul3A_116 : i32
    %mul3A_118 = arith.constant 64 : i32
    %mul3A_119 = arith.muli %arg1, %mul3A_118 : i32
    %mul3A_120 = arith.constant 128 : i32
    %mul3A_121 = arith.muli %arg0, %mul3A_120 : i32
    %mul3A_122 = arith.constant 64 : i32
    %mul3A_123 = arith.muli %arg1, %mul3A_122 : i32
    %mul3A_124 = arith.constant 128 : i32
    %mul3A_125 = arith.muli %arg0, %mul3A_124 : i32
    %mul3A_126 = arith.constant 64 : i32
    %mul3A_127 = arith.muli %arg1, %mul3A_126 : i32
    %mul3A_128 = arith.constant 128 : i32
    %mul3A_129 = arith.muli %arg0, %mul3A_128 : i32
    %mul3A_130 = arith.constant 64 : i32
    %mul3A_131 = arith.muli %arg1, %mul3A_130 : i32
    %mul3A_132 = arith.constant 128 : i32
    %mul3A_133 = arith.muli %arg0, %mul3A_132 : i32
    %mul3A_134 = arith.constant 64 : i32
    %mul3A_135 = arith.muli %arg1, %mul3A_134 : i32
    %mul3A_136 = arith.constant 128 : i32
    %mul3A_137 = arith.muli %arg0, %mul3A_136 : i32
    %mul3A_138 = arith.constant 64 : i32
    %mul3A_139 = arith.muli %arg1, %mul3A_138 : i32
    %mul3A_140 = arith.constant 128 : i32
    %mul3A_141 = arith.muli %arg0, %mul3A_140 : i32
    %dma_start3A_142 = arith.constant 0 : i32
    %dma_start3A_143 = arith.constant 0 : i32
    %dma_start3A_144 = arith.constant 0 : i32
    %dma_start3A_145 = arith.constant 0 : i32
    %dma_start3A_146 = tpu.memref_slice %arg6[%dma_start3A_143, %dma_start3A_144, %dma_start3A_145] : memref<2x64x128xf32, #tpu.memory_space<vmem>> -> memref<1x64x128xf32, #tpu.memory_space<vmem>>
    %dma_start3A_147 = tpu.memref_squeeze %dma_start3A_146 : memref<1x64x128xf32, #tpu.memory_space<vmem>> -> memref<64x128xf32, #tpu.memory_space<vmem>>
    %dma_start3A_148 = tpu.memref_slice %arg2[%dma_start3A_142, %mul3A_111, %mul3A_113] : memref<8x1024x256xf32, #tpu.memory_space<hbm>> -> memref<1x64x128xf32, #tpu.memory_space<hbm>>
    %dma_start3A_149 = tpu.memref_squeeze %dma_start3A_148 : memref<1x64x128xf32, #tpu.memory_space<hbm>> -> memref<64x128xf32, #tpu.memory_space<hbm>>
    %dma_start3A_150 = arith.constant 0 : i32
    %dma_start3A_151 = arith.constant 0 : i32
    %dma_start3A_152 = tpu.memref_slice %arg6[%dma_start3A_143, %dma_start3A_150, %dma_start3A_151] : memref<2x64x128xf32, #tpu.memory_space<vmem>> -> memref<1x64x128xf32, #tpu.memory_space<vmem>>
    %dma_start3A_153 = tpu.memref_squeeze %dma_start3A_152 : memref<1x64x128xf32, #tpu.memory_space<vmem>> -> memref<64x128xf32, #tpu.memory_space<vmem>>
    %dma_start3A_154 = tpu.memref_slice %arg2[%dma_start3A_142, %mul3A_111, %mul3A_113] : memref<8x1024x256xf32, #tpu.memory_space<hbm>> -> memref<1x64x128xf32, #tpu.memory_space<hbm>>
    %dma_start3A_155 = tpu.memref_squeeze %dma_start3A_154 : memref<1x64x128xf32, #tpu.memory_space<hbm>> -> memref<64x128xf32, #tpu.memory_space<hbm>>
    tpu.enqueue_dma source(%dma_start3A_155 : memref<64x128xf32, #tpu.memory_space<hbm>>) target(%dma_start3A_153 : memref<64x128xf32, #tpu.memory_space<vmem>>) target_semaphore(%arg9 : memref<!tpu.dma_semaphore, #tpu.memory_space<semaphore_mem>>)
    %scan3A = arith.constant 0 : i32
    %scan3A_156 = arith.constant 0 : i32
    %scan3A_157 = arith.constant 64 : i32
    %scan3A_158 = arith.addi %scan3A_156, %scan3A_157 : i32
    %scan3A_159 = arith.constant 1 : i32
    scf.for %scan3A_589 = %scan3A_156 to %scan3A_158 step %scan3A_159  : i32 {
      %broadcast_in_dim3A = arith.constant 0.000000e+00 : f32
      %broadcast_in_dim3A_590 = vector.broadcast %broadcast_in_dim3A : f32 to vector<16xf32>
      %swap3A = arith.index_cast %scan3A_589 : i32 to index
      %swap3A_591 = arith.constant 0 : index
      %swap3A_592 = tpu.vector_load %arg7[%swap3A, %swap3A_591] {strides = array<i32>} : memref<64x128xf32, #tpu.memory_space<vmem>>, vector<1x16xf32>,
      %swap3A_593 = vector.shape_cast %swap3A_592 : vector<1x16xf32> to vector<16xf32>
      %swap3A_594 = vector.shape_cast %broadcast_in_dim3A_590 : vector<16xf32> to vector<1x16xf32>
      tpu.vector_store %arg7[%swap3A, %swap3A_591], %swap3A_594 {strides = array<i32>} : memref<64x128xf32, #tpu.memory_space<vmem>>, vector<1x16xf32>,
      %broadcast_in_dim3A_595 = arith.constant 0.000000e+00 : f32
      %broadcast_in_dim3A_596 = vector.broadcast %broadcast_in_dim3A_595 : f32 to vector<16xf32>
      %swap3A_597 = arith.index_cast %scan3A_589 : i32 to index
      %swap3A_598 = arith.constant 16 : index
      %swap3A_599 = tpu.vector_load %arg7[%swap3A_597, %swap3A_598] {strides = array<i32>} : memref<64x128xf32, #tpu.memory_space<vmem>>, vector<1x16xf32>,
      %swap3A_600 = vector.shape_cast %swap3A_599 : vector<1x16xf32> to vector<16xf32>
      %swap3A_601 = vector.shape_cast %broadcast_in_dim3A_596 : vector<16xf32> to vector<1x16xf32>
      tpu.vector_store %arg7[%swap3A_597, %swap3A_598], %swap3A_601 {strides = array<i32>} : memref<64x128xf32, #tpu.memory_space<vmem>>, vector<1x16xf32>,
      %broadcast_in_dim3A_602 = arith.constant 0.000000e+00 : f32
      %broadcast_in_dim3A_603 = vector.broadcast %broadcast_in_dim3A_602 : f32 to vector<16xf32>
      %swap3A_604 = arith.index_cast %scan3A_589 : i32 to index
      %swap3A_605 = arith.constant 32 : index
      %swap3A_606 = tpu.vector_load %arg7[%swap3A_604, %swap3A_605] {strides = array<i32>} : memref<64x128xf32, #tpu.memory_space<vmem>>, vector<1x16xf32>,
      %swap3A_607 = vector.shape_cast %swap3A_606 : vector<1x16xf32> to vector<16xf32>
      %swap3A_608 = vector.shape_cast %broadcast_in_dim3A_603 : vector<16xf32> to vector<1x16xf32>
      tpu.vector_store %arg7[%swap3A_604, %swap3A_605], %swap3A_608 {strides = array<i32>} : memref<64x128xf32, #tpu.memory_space<vmem>>, vector<1x16xf32>,
      %broadcast_in_dim3A_609 = arith.constant 0.000000e+00 : f32
      %broadcast_in_dim3A_610 = vector.broadcast %broadcast_in_dim3A_609 : f32 to vector<16xf32>
      %swap3A_611 = arith.index_cast %scan3A_589 : i32 to index
      %swap3A_612 = arith.constant 48 : index
      %swap3A_613 = tpu.vector_load %arg7[%swap3A_611, %swap3A_612] {strides = array<i32>} : memref<64x128xf32, #tpu.memory_space<vmem>>, vector<1x16xf32>,
      %swap3A_614 = vector.shape_cast %swap3A_613 : vector<1x16xf32> to vector<16xf32>
      %swap3A_615 = vector.shape_cast %broadcast_in_dim3A_610 : vector<16xf32> to vector<1x16xf32>
      tpu.vector_store %arg7[%swap3A_611, %swap3A_612], %swap3A_615 {strides = array<i32>} : memref<64x128xf32, #tpu.memory_space<vmem>>, vector<1x16xf32>,
      %broadcast_in_dim3A_616 = arith.constant 0.000000e+00 : f32
      %broadcast_in_dim3A_617 = vector.broadcast %broadcast_in_dim3A_616 : f32 to vector<16xf32>
      %swap3A_618 = arith.index_cast %scan3A_589 : i32 to index
      %swap3A_619 = arith.constant 64 : index
      %swap3A_620 = tpu.vector_load %arg7[%swap3A_618, %swap3A_619] {strides = array<i32>} : memref<64x128xf32, #tpu.memory_space<vmem>>, vector<1x16xf32>,
      %swap3A_621 = vector.shape_cast %swap3A_620 : vector<1x16xf32> to vector<16xf32>
      %swap3A_622 = vector.shape_cast %broadcast_in_dim3A_617 : vector<16xf32> to vector<1x16xf32>
      tpu.vector_store %arg7[%swap3A_618, %swap3A_619], %swap3A_622 {strides = array<i32>} : memref<64x128xf32, #tpu.memory_space<vmem>>, vector<1x16xf32>,
      %broadcast_in_dim3A_623 = arith.constant 0.000000e+00 : f32
      %broadcast_in_dim3A_624 = vector.broadcast %broadcast_in_dim3A_623 : f32 to vector<16xf32>
      %swap3A_625 = arith.index_cast %scan3A_589 : i32 to index
      %swap3A_626 = arith.constant 80 : index
      %swap3A_627 = tpu.vector_load %arg7[%swap3A_625, %swap3A_626] {strides = array<i32>} : memref<64x128xf32, #tpu.memory_space<vmem>>, vector<1x16xf32>,
      %swap3A_628 = vector.shape_cast %swap3A_627 : vector<1x16xf32> to vector<16xf32>
      %swap3A_629 = vector.shape_cast %broadcast_in_dim3A_624 : vector<16xf32> to vector<1x16xf32>
      tpu.vector_store %arg7[%swap3A_625, %swap3A_626], %swap3A_629 {strides = array<i32>} : memref<64x128xf32, #tpu.memory_space<vmem>>, vector<1x16xf32>,
      %broadcast_in_dim3A_630 = arith.constant 0.000000e+00 : f32
      %broadcast_in_dim3A_631 = vector.broadcast %broadcast_in_dim3A_630 : f32 to vector<16xf32>
      %swap3A_632 = arith.index_cast %scan3A_589 : i32 to index
      %swap3A_633 = arith.constant 96 : index
      %swap3A_634 = tpu.vector_load %arg7[%swap3A_632, %swap3A_633] {strides = array<i32>} : memref<64x128xf32, #tpu.memory_space<vmem>>, vector<1x16xf32>,
      %swap3A_635 = vector.shape_cast %swap3A_634 : vector<1x16xf32> to vector<16xf32>
      %swap3A_636 = vector.shape_cast %broadcast_in_dim3A_631 : vector<16xf32> to vector<1x16xf32>
      tpu.vector_store %arg7[%swap3A_632, %swap3A_633], %swap3A_636 {strides = array<i32>} : memref<64x128xf32, #tpu.memory_space<vmem>>, vector<1x16xf32>,
      %broadcast_in_dim3A_637 = arith.constant 0.000000e+00 : f32
      %broadcast_in_dim3A_638 = vector.broadcast %broadcast_in_dim3A_637 : f32 to vector<16xf32>
      %swap3A_639 = arith.index_cast %scan3A_589 : i32 to index
      %swap3A_640 = arith.constant 112 : index
      %swap3A_641 = tpu.vector_load %arg7[%swap3A_639, %swap3A_640] {strides = array<i32>} : memref<64x128xf32, #tpu.memory_space<vmem>>, vector<1x16xf32>,
      %swap3A_642 = vector.shape_cast %swap3A_641 : vector<1x16xf32> to vector<16xf32>
      %swap3A_643 = vector.shape_cast %broadcast_in_dim3A_638 : vector<16xf32> to vector<1x16xf32>
      tpu.vector_store %arg7[%swap3A_639, %swap3A_640], %swap3A_643 {strides = array<i32>} : memref<64x128xf32, #tpu.memory_space<vmem>>, vector<1x16xf32>,
    }
    %scan3A_160 = arith.constant 64 : i32
    %mul3A_161 = arith.constant 640 : i32
    %mul3A_162 = arith.muli %arg1, %mul3A_161 : i32
    %add3A = arith.constant 0 : i32
    %add3A_163 = arith.addi %mul3A_162, %add3A : i32
    "tpu.region"() ({
      %run_scoped3A_589 = tpu.sem_alloc : memref<!tpu.dma_semaphore, #tpu.memory_space<semaphore_mem>>
      %dma_start3A_590 = arith.constant 0 : i32
      %dma_start3A_591 = tpu.memref_slice %arg5[%add3A_163, %dma_start3A_590] : memref<10240x128xf32, #tpu.memory_space<vmem_shared>> -> memref<64x128xf32, #tpu.memory_space<vmem_shared>>
      %dma_start3A_592 = arith.constant 0 : i32
      %dma_start3A_593 = tpu.memref_slice %arg5[%add3A_163, %dma_start3A_592] : memref<10240x128xf32, #tpu.memory_space<vmem_shared>> -> memref<64x128xf32, #tpu.memory_space<vmem_shared>>
      tpu.enqueue_dma source(%arg7 : memref<64x128xf32, #tpu.memory_space<vmem>>) target(%dma_start3A_593 : memref<64x128xf32, #tpu.memory_space<vmem_shared>>) target_semaphore(%run_scoped3A_589 : memref<!tpu.dma_semaphore, #tpu.memory_space<semaphore_mem>>)
      %dma_wait3A_594 = arith.constant 0 : i32
      %dma_wait3A_595 = tpu.memref_slice %arg5[%add3A_163, %dma_wait3A_594] : memref<10240x128xf32, #tpu.memory_space<vmem_shared>> -> memref<64x128xf32, #tpu.memory_space<vmem_shared>>
      %dma_wait3A_596 = arith.constant 0 : i32
      %dma_wait3A_597 = tpu.memref_slice %arg5[%add3A_163, %dma_wait3A_596] : memref<10240x128xf32, #tpu.memory_space<vmem_shared>> -> memref<64x128xf32, #tpu.memory_space<vmem_shared>>
      tpu.wait_dma2 semaphore(%run_scoped3A_589 : memref<!tpu.dma_semaphore, #tpu.memory_space<semaphore_mem>>) src(%arg7 : memref<64x128xf32, #tpu.memory_space<vmem>>) dst(%dma_wait3A_597 : memref<64x128xf32, #tpu.memory_space<vmem_shared>>)
      tpu.yield
    }) : () -> ()
    %mul3A_164 = arith.constant 640 : i32
    %mul3A_165 = arith.muli %arg1, %mul3A_164 : i32
    %add3A_166 = arith.constant 64 : i32
    %add3A_167 = arith.addi %mul3A_165, %add3A_166 : i32
    "tpu.region"() ({
      %run_scoped3A_589 = tpu.sem_alloc : memref<!tpu.dma_semaphore, #tpu.memory_space<semaphore_mem>>
      %dma_start3A_590 = arith.constant 0 : i32
      %dma_start3A_591 = tpu.memref_slice %arg5[%add3A_167, %dma_start3A_590] : memref<10240x128xf32, #tpu.memory_space<vmem_shared>> -> memref<64x128xf32, #tpu.memory_space<vmem_shared>>
      %dma_start3A_592 = arith.constant 0 : i32
      %dma_start3A_593 = tpu.memref_slice %arg5[%add3A_167, %dma_start3A_592] : memref<10240x128xf32, #tpu.memory_space<vmem_shared>> -> memref<64x128xf32, #tpu.memory_space<vmem_shared>>
      tpu.enqueue_dma source(%arg7 : memref<64x128xf32, #tpu.memory_space<vmem>>) target(%dma_start3A_593 : memref<64x128xf32, #tpu.memory_space<vmem_shared>>) target_semaphore(%run_scoped3A_589 : memref<!tpu.dma_semaphore, #tpu.memory_space<semaphore_mem>>)
      %dma_wait3A_594 = arith.constant 0 : i32
      %dma_wait3A_595 = tpu.memref_slice %arg5[%add3A_167, %dma_wait3A_594] : memref<10240x128xf32, #tpu.memory_space<vmem_shared>> -> memref<64x128xf32, #tpu.memory_space<vmem_shared>>
      %dma_wait3A_596 = arith.constant 0 : i32
      %dma_wait3A_597 = tpu.memref_slice %arg5[%add3A_167, %dma_wait3A_596] : memref<10240x128xf32, #tpu.memory_space<vmem_shared>> -> memref<64x128xf32, #tpu.memory_space<vmem_shared>>
      tpu.wait_dma2 semaphore(%run_scoped3A_589 : memref<!tpu.dma_semaphore, #tpu.memory_space<semaphore_mem>>) src(%arg7 : memref<64x128xf32, #tpu.memory_space<vmem>>) dst(%dma_wait3A_597 : memref<64x128xf32, #tpu.memory_space<vmem_shared>>)
      tpu.yield
    }) : () -> ()
    %mul3A_168 = arith.constant 640 : i32
    %mul3A_169 = arith.muli %arg1, %mul3A_168 : i32
    %add3A_170 = arith.constant 128 : i32
    %add3A_171 = arith.addi %mul3A_169, %add3A_170 : i32
    "tpu.region"() ({
      %run_scoped3A_589 = tpu.sem_alloc : memref<!tpu.dma_semaphore, #tpu.memory_space<semaphore_mem>>
      %dma_start3A_590 = arith.constant 0 : i32
      %dma_start3A_591 = tpu.memref_slice %arg5[%add3A_171, %dma_start3A_590] : memref<10240x128xf32, #tpu.memory_space<vmem_shared>> -> memref<64x128xf32, #tpu.memory_space<vmem_shared>>
      %dma_start3A_592 = arith.constant 0 : i32
      %dma_start3A_593 = tpu.memref_slice %arg5[%add3A_171, %dma_start3A_592] : memref<10240x128xf32, #tpu.memory_space<vmem_shared>> -> memref<64x128xf32, #tpu.memory_space<vmem_shared>>
      tpu.enqueue_dma source(%arg7 : memref<64x128xf32, #tpu.memory_space<vmem>>) target(%dma_start3A_593 : memref<64x128xf32, #tpu.memory_space<vmem_shared>>) target_semaphore(%run_scoped3A_589 : memref<!tpu.dma_semaphore, #tpu.memory_space<semaphore_mem>>)
      %dma_wait3A_594 = arith.constant 0 : i32
      %dma_wait3A_595 = tpu.memref_slice %arg5[%add3A_171, %dma_wait3A_594] : memref<10240x128xf32, #tpu.memory_space<vmem_shared>> -> memref<64x128xf32, #tpu.memory_space<vmem_shared>>
      %dma_wait3A_596 = arith.constant 0 : i32
      %dma_wait3A_597 = tpu.memref_slice %arg5[%add3A_171, %dma_wait3A_596] : memref<10240x128xf32, #tpu.memory_space<vmem_shared>> -> memref<64x128xf32, #tpu.memory_space<vmem_shared>>
      tpu.wait_dma2 semaphore(%run_scoped3A_589 : memref<!tpu.dma_semaphore, #tpu.memory_space<semaphore_mem>>) src(%arg7 : memref<64x128xf32, #tpu.memory_space<vmem>>) dst(%dma_wait3A_597 : memref<64x128xf32, #tpu.memory_space<vmem_shared>>)
      tpu.yield
    }) : () -> ()
    %mul3A_172 = arith.constant 640 : i32
    %mul3A_173 = arith.muli %arg1, %mul3A_172 : i32
    %add3A_174 = arith.constant 192 : i32
    %add3A_175 = arith.addi %mul3A_173, %add3A_174 : i32
    "tpu.region"() ({
      %run_scoped3A_589 = tpu.sem_alloc : memref<!tpu.dma_semaphore, #tpu.memory_space<semaphore_mem>>
      %dma_start3A_590 = arith.constant 0 : i32
      %dma_start3A_591 = tpu.memref_slice %arg5[%add3A_175, %dma_start3A_590] : memref<10240x128xf32, #tpu.memory_space<vmem_shared>> -> memref<64x128xf32, #tpu.memory_space<vmem_shared>>
      %dma_start3A_592 = arith.constant 0 : i32
      %dma_start3A_593 = tpu.memref_slice %arg5[%add3A_175, %dma_start3A_592] : memref<10240x128xf32, #tpu.memory_space<vmem_shared>> -> memref<64x128xf32, #tpu.memory_space<vmem_shared>>
      tpu.enqueue_dma source(%arg7 : memref<64x128xf32, #tpu.memory_space<vmem>>) target(%dma_start3A_593 : memref<64x128xf32, #tpu.memory_space<vmem_shared>>) target_semaphore(%run_scoped3A_589 : memref<!tpu.dma_semaphore, #tpu.memory_space<semaphore_mem>>)
      %dma_wait3A_594 = arith.constant 0 : i32
      %dma_wait3A_595 = tpu.memref_slice %arg5[%add3A_175, %dma_wait3A_594] : memref<10240x128xf32, #tpu.memory_space<vmem_shared>> -> memref<64x128xf32, #tpu.memory_space<vmem_shared>>
      %dma_wait3A_596 = arith.constant 0 : i32
      %dma_wait3A_597 = tpu.memref_slice %arg5[%add3A_175, %dma_wait3A_596] : memref<10240x128xf32, #tpu.memory_space<vmem_shared>> -> memref<64x128xf32, #tpu.memory_space<vmem_shared>>
      tpu.wait_dma2 semaphore(%run_scoped3A_589 : memref<!tpu.dma_semaphore, #tpu.memory_space<semaphore_mem>>) src(%arg7 : memref<64x128xf32, #tpu.memory_space<vmem>>) dst(%dma_wait3A_597 : memref<64x128xf32, #tpu.memory_space<vmem_shared>>)
      tpu.yield
    }) : () -> ()
    %mul3A_176 = arith.constant 640 : i32
    %mul3A_177 = arith.muli %arg1, %mul3A_176 : i32
    %add3A_178 = arith.constant 256 : i32
    %add3A_179 = arith.addi %mul3A_177, %add3A_178 : i32
    "tpu.region"() ({
      %run_scoped3A_589 = tpu.sem_alloc : memref<!tpu.dma_semaphore, #tpu.memory_space<semaphore_mem>>
      %dma_start3A_590 = arith.constant 0 : i32
      %dma_start3A_591 = tpu.memref_slice %arg5[%add3A_179, %dma_start3A_590] : memref<10240x128xf32, #tpu.memory_space<vmem_shared>> -> memref<64x128xf32, #tpu.memory_space<vmem_shared>>
      %dma_start3A_592 = arith.constant 0 : i32
      %dma_start3A_593 = tpu.memref_slice %arg5[%add3A_179, %dma_start3A_592] : memref<10240x128xf32, #tpu.memory_space<vmem_shared>> -> memref<64x128xf32, #tpu.memory_space<vmem_shared>>
      tpu.enqueue_dma source(%arg7 : memref<64x128xf32, #tpu.memory_space<vmem>>) target(%dma_start3A_593 : memref<64x128xf32, #tpu.memory_space<vmem_shared>>) target_semaphore(%run_scoped3A_589 : memref<!tpu.dma_semaphore, #tpu.memory_space<semaphore_mem>>)
      %dma_wait3A_594 = arith.constant 0 : i32
      %dma_wait3A_595 = tpu.memref_slice %arg5[%add3A_179, %dma_wait3A_594] : memref<10240x128xf32, #tpu.memory_space<vmem_shared>> -> memref<64x128xf32, #tpu.memory_space<vmem_shared>>
      %dma_wait3A_596 = arith.constant 0 : i32
      %dma_wait3A_597 = tpu.memref_slice %arg5[%add3A_179, %dma_wait3A_596] : memref<10240x128xf32, #tpu.memory_space<vmem_shared>> -> memref<64x128xf32, #tpu.memory_space<vmem_shared>>
      tpu.wait_dma2 semaphore(%run_scoped3A_589 : memref<!tpu.dma_semaphore, #tpu.memory_space<semaphore_mem>>) src(%arg7 : memref<64x128xf32, #tpu.memory_space<vmem>>) dst(%dma_wait3A_597 : memref<64x128xf32, #tpu.memory_space<vmem_shared>>)
      tpu.yield
    }) : () -> ()
    %mul3A_180 = arith.constant 640 : i32
    %mul3A_181 = arith.muli %arg1, %mul3A_180 : i32
    %add3A_182 = arith.constant 320 : i32
    %add3A_183 = arith.addi %mul3A_181, %add3A_182 : i32
    "tpu.region"() ({
      %run_scoped3A_589 = tpu.sem_alloc : memref<!tpu.dma_semaphore, #tpu.memory_space<semaphore_mem>>
      %dma_start3A_590 = arith.constant 0 : i32
      %dma_start3A_591 = tpu.memref_slice %arg5[%add3A_183, %dma_start3A_590] : memref<10240x128xf32, #tpu.memory_space<vmem_shared>> -> memref<64x128xf32, #tpu.memory_space<vmem_shared>>
      %dma_start3A_592 = arith.constant 0 : i32
      %dma_start3A_593 = tpu.memref_slice %arg5[%add3A_183, %dma_start3A_592] : memref<10240x128xf32, #tpu.memory_space<vmem_shared>> -> memref<64x128xf32, #tpu.memory_space<vmem_shared>>
      tpu.enqueue_dma source(%arg7 : memref<64x128xf32, #tpu.memory_space<vmem>>) target(%dma_start3A_593 : memref<64x128xf32, #tpu.memory_space<vmem_shared>>) target_semaphore(%run_scoped3A_589 : memref<!tpu.dma_semaphore, #tpu.memory_space<semaphore_mem>>)
      %dma_wait3A_594 = arith.constant 0 : i32
      %dma_wait3A_595 = tpu.memref_slice %arg5[%add3A_183, %dma_wait3A_594] : memref<10240x128xf32, #tpu.memory_space<vmem_shared>> -> memref<64x128xf32, #tpu.memory_space<vmem_shared>>
      %dma_wait3A_596 = arith.constant 0 : i32
      %dma_wait3A_597 = tpu.memref_slice %arg5[%add3A_183, %dma_wait3A_596] : memref<10240x128xf32, #tpu.memory_space<vmem_shared>> -> memref<64x128xf32, #tpu.memory_space<vmem_shared>>
      tpu.wait_dma2 semaphore(%run_scoped3A_589 : memref<!tpu.dma_semaphore, #tpu.memory_space<semaphore_mem>>) src(%arg7 : memref<64x128xf32, #tpu.memory_space<vmem>>) dst(%dma_wait3A_597 : memref<64x128xf32, #tpu.memory_space<vmem_shared>>)
      tpu.yield
    }) : () -> ()
    %mul3A_184 = arith.constant 640 : i32
    %mul3A_185 = arith.muli %arg1, %mul3A_184 : i32
    %add3A_186 = arith.constant 384 : i32
    %add3A_187 = arith.addi %mul3A_185, %add3A_186 : i32
    "tpu.region"() ({
      %run_scoped3A_589 = tpu.sem_alloc : memref<!tpu.dma_semaphore, #tpu.memory_space<semaphore_mem>>
      %dma_start3A_590 = arith.constant 0 : i32
      %dma_start3A_591 = tpu.memref_slice %arg5[%add3A_187, %dma_start3A_590] : memref<10240x128xf32, #tpu.memory_space<vmem_shared>> -> memref<64x128xf32, #tpu.memory_space<vmem_shared>>
      %dma_start3A_592 = arith.constant 0 : i32
      %dma_start3A_593 = tpu.memref_slice %arg5[%add3A_187, %dma_start3A_592] : memref<10240x128xf32, #tpu.memory_space<vmem_shared>> -> memref<64x128xf32, #tpu.memory_space<vmem_shared>>
      tpu.enqueue_dma source(%arg7 : memref<64x128xf32, #tpu.memory_space<vmem>>) target(%dma_start3A_593 : memref<64x128xf32, #tpu.memory_space<vmem_shared>>) target_semaphore(%run_scoped3A_589 : memref<!tpu.dma_semaphore, #tpu.memory_space<semaphore_mem>>)
      %dma_wait3A_594 = arith.constant 0 : i32
      %dma_wait3A_595 = tpu.memref_slice %arg5[%add3A_187, %dma_wait3A_594] : memref<10240x128xf32, #tpu.memory_space<vmem_shared>> -> memref<64x128xf32, #tpu.memory_space<vmem_shared>>
      %dma_wait3A_596 = arith.constant 0 : i32
      %dma_wait3A_597 = tpu.memref_slice %arg5[%add3A_187, %dma_wait3A_596] : memref<10240x128xf32, #tpu.memory_space<vmem_shared>> -> memref<64x128xf32, #tpu.memory_space<vmem_shared>>
      tpu.wait_dma2 semaphore(%run_scoped3A_589 : memref<!tpu.dma_semaphore, #tpu.memory_space<semaphore_mem>>) src(%arg7 : memref<64x128xf32, #tpu.memory_space<vmem>>) dst(%dma_wait3A_597 : memref<64x128xf32, #tpu.memory_space<vmem_shared>>)
      tpu.yield
    }) : () -> ()
    %mul3A_188 = arith.constant 640 : i32
    %mul3A_189 = arith.muli %arg1, %mul3A_188 : i32
    %add3A_190 = arith.constant 448 : i32
    %add3A_191 = arith.addi %mul3A_189, %add3A_190 : i32
    "tpu.region"() ({
      %run_scoped3A_589 = tpu.sem_alloc : memref<!tpu.dma_semaphore, #tpu.memory_space<semaphore_mem>>
      %dma_start3A_590 = arith.constant 0 : i32
      %dma_start3A_591 = tpu.memref_slice %arg5[%add3A_191, %dma_start3A_590] : memref<10240x128xf32, #tpu.memory_space<vmem_shared>> -> memref<64x128xf32, #tpu.memory_space<vmem_shared>>
      %dma_start3A_592 = arith.constant 0 : i32
      %dma_start3A_593 = tpu.memref_slice %arg5[%add3A_191, %dma_start3A_592] : memref<10240x128xf32, #tpu.memory_space<vmem_shared>> -> memref<64x128xf32, #tpu.memory_space<vmem_shared>>
      tpu.enqueue_dma source(%arg7 : memref<64x128xf32, #tpu.memory_space<vmem>>) target(%dma_start3A_593 : memref<64x128xf32, #tpu.memory_space<vmem_shared>>) target_semaphore(%run_scoped3A_589 : memref<!tpu.dma_semaphore, #tpu.memory_space<semaphore_mem>>)
      %dma_wait3A_594 = arith.constant 0 : i32
      %dma_wait3A_595 = tpu.memref_slice %arg5[%add3A_191, %dma_wait3A_594] : memref<10240x128xf32, #tpu.memory_space<vmem_shared>> -> memref<64x128xf32, #tpu.memory_space<vmem_shared>>
      %dma_wait3A_596 = arith.constant 0 : i32
      %dma_wait3A_597 = tpu.memref_slice %arg5[%add3A_191, %dma_wait3A_596] : memref<10240x128xf32, #tpu.memory_space<vmem_shared>> -> memref<64x128xf32, #tpu.memory_space<vmem_shared>>
      tpu.wait_dma2 semaphore(%run_scoped3A_589 : memref<!tpu.dma_semaphore, #tpu.memory_space<semaphore_mem>>) src(%arg7 : memref<64x128xf32, #tpu.memory_space<vmem>>) dst(%dma_wait3A_597 : memref<64x128xf32, #tpu.memory_space<vmem_shared>>)
      tpu.yield
    }) : () -> ()
    %mul3A_192 = arith.constant 640 : i32
    %mul3A_193 = arith.muli %arg1, %mul3A_192 : i32
    %add3A_194 = arith.constant 512 : i32
    %add3A_195 = arith.addi %mul3A_193, %add3A_194 : i32
    "tpu.region"() ({
      %run_scoped3A_589 = tpu.sem_alloc : memref<!tpu.dma_semaphore, #tpu.memory_space<semaphore_mem>>
      %dma_start3A_590 = arith.constant 0 : i32
      %dma_start3A_591 = tpu.memref_slice %arg5[%add3A_195, %dma_start3A_590] : memref<10240x128xf32, #tpu.memory_space<vmem_shared>> -> memref<64x128xf32, #tpu.memory_space<vmem_shared>>
      %dma_start3A_592 = arith.constant 0 : i32
      %dma_start3A_593 = tpu.memref_slice %arg5[%add3A_195, %dma_start3A_592] : memref<10240x128xf32, #tpu.memory_space<vmem_shared>> -> memref<64x128xf32, #tpu.memory_space<vmem_shared>>
      tpu.enqueue_dma source(%arg7 : memref<64x128xf32, #tpu.memory_space<vmem>>) target(%dma_start3A_593 : memref<64x128xf32, #tpu.memory_space<vmem_shared>>) target_semaphore(%run_scoped3A_589 : memref<!tpu.dma_semaphore, #tpu.memory_space<semaphore_mem>>)
      %dma_wait3A_594 = arith.constant 0 : i32
      %dma_wait3A_595 = tpu.memref_slice %arg5[%add3A_195, %dma_wait3A_594] : memref<10240x128xf32, #tpu.memory_space<vmem_shared>> -> memref<64x128xf32, #tpu.memory_space<vmem_shared>>
      %dma_wait3A_596 = arith.constant 0 : i32
      %dma_wait3A_597 = tpu.memref_slice %arg5[%add3A_195, %dma_wait3A_596] : memref<10240x128xf32, #tpu.memory_space<vmem_shared>> -> memref<64x128xf32, #tpu.memory_space<vmem_shared>>
      tpu.wait_dma2 semaphore(%run_scoped3A_589 : memref<!tpu.dma_semaphore, #tpu.memory_space<semaphore_mem>>) src(%arg7 : memref<64x128xf32, #tpu.memory_space<vmem>>) dst(%dma_wait3A_597 : memref<64x128xf32, #tpu.memory_space<vmem_shared>>)
      tpu.yield
    }) : () -> ()
    %mul3A_196 = arith.constant 640 : i32
    %mul3A_197 = arith.muli %arg1, %mul3A_196 : i32
    %add3A_198 = arith.constant 576 : i32
    %add3A_199 = arith.addi %mul3A_197, %add3A_198 : i32
    "tpu.region"() ({
      %run_scoped3A_589 = tpu.sem_alloc : memref<!tpu.dma_semaphore, #tpu.memory_space<semaphore_mem>>
      %dma_start3A_590 = arith.constant 0 : i32
      %dma_start3A_591 = tpu.memref_slice %arg5[%add3A_199, %dma_start3A_590] : memref<10240x128xf32, #tpu.memory_space<vmem_shared>> -> memref<64x128xf32, #tpu.memory_space<vmem_shared>>
      %dma_start3A_592 = arith.constant 0 : i32
      %dma_start3A_593 = tpu.memref_slice %arg5[%add3A_199, %dma_start3A_592] : memref<10240x128xf32, #tpu.memory_space<vmem_shared>> -> memref<64x128xf32, #tpu.memory_space<vmem_shared>>
      tpu.enqueue_dma source(%arg7 : memref<64x128xf32, #tpu.memory_space<vmem>>) target(%dma_start3A_593 : memref<64x128xf32, #tpu.memory_space<vmem_shared>>) target_semaphore(%run_scoped3A_589 : memref<!tpu.dma_semaphore, #tpu.memory_space<semaphore_mem>>)
      %dma_wait3A_594 = arith.constant 0 : i32
      %dma_wait3A_595 = tpu.memref_slice %arg5[%add3A_199, %dma_wait3A_594] : memref<10240x128xf32, #tpu.memory_space<vmem_shared>> -> memref<64x128xf32, #tpu.memory_space<vmem_shared>>
      %dma_wait3A_596 = arith.constant 0 : i32
      %dma_wait3A_597 = tpu.memref_slice %arg5[%add3A_199, %dma_wait3A_596] : memref<10240x128xf32, #tpu.memory_space<vmem_shared>> -> memref<64x128xf32, #tpu.memory_space<vmem_shared>>
      tpu.wait_dma2 semaphore(%run_scoped3A_589 : memref<!tpu.dma_semaphore, #tpu.memory_space<semaphore_mem>>) src(%arg7 : memref<64x128xf32, #tpu.memory_space<vmem>>) dst(%dma_wait3A_597 : memref<64x128xf32, #tpu.memory_space<vmem_shared>>)
      tpu.yield
    }) : () -> ()
    %dma_wait3A = arith.constant 0 : i32
    %dma_wait3A_200 = arith.constant 0 : i32
    %dma_wait3A_201 = arith.constant 0 : i32
    %dma_wait3A_202 = tpu.memref_slice %arg8[%dma_wait3A_200, %dma_wait3A_201] : memref<8x64xi32, #tpu.memory_space<vmem>> -> memref<1x64xi32, #tpu.memory_space<vmem>>
    %dma_wait3A_203 = tpu.memref_squeeze %dma_wait3A_202 : memref<1x64xi32, #tpu.memory_space<vmem>> -> memref<64xi32, #tpu.memory_space<vmem>>
    %dma_wait3A_204 = tpu.memref_slice %arg3[%dma_wait3A, %mul3A_0] : memref<8x1024xi32, #tpu.memory_space<hbm>> -> memref<1x64xi32, #tpu.memory_space<hbm>>
    %dma_wait3A_205 = tpu.memref_squeeze %dma_wait3A_204 : memref<1x64xi32, #tpu.memory_space<hbm>> -> memref<64xi32, #tpu.memory_space<hbm>>
    %dma_wait3A_206 = arith.constant 0 : i32
    %dma_wait3A_207 = tpu.memref_slice %arg8[%dma_wait3A_200, %dma_wait3A_206] : memref<8x64xi32, #tpu.memory_space<vmem>> -> memref<1x64xi32, #tpu.memory_space<vmem>>
    %dma_wait3A_208 = tpu.memref_squeeze %dma_wait3A_207 : memref<1x64xi32, #tpu.memory_space<vmem>> -> memref<64xi32, #tpu.memory_space<vmem>>
    %dma_wait3A_209 = tpu.memref_slice %arg3[%dma_wait3A, %mul3A_0] : memref<8x1024xi32, #tpu.memory_space<hbm>> -> memref<1x64xi32, #tpu.memory_space<hbm>>
    %dma_wait3A_210 = tpu.memref_squeeze %dma_wait3A_209 : memref<1x64xi32, #tpu.memory_space<hbm>> -> memref<64xi32, #tpu.memory_space<hbm>>
    tpu.wait_dma2 semaphore(%arg11 : memref<!tpu.dma_semaphore, #tpu.memory_space<semaphore_mem>>) src(%dma_wait3A_210 : memref<64xi32, #tpu.memory_space<hbm>>) dst(%dma_wait3A_208 : memref<64xi32, #tpu.memory_space<vmem>>)
    %dma_wait3A_211 = arith.constant 1 : i32
    %dma_wait3A_212 = arith.constant 1 : i32
    %dma_wait3A_213 = arith.constant 0 : i32
    %dma_wait3A_214 = tpu.memref_slice %arg8[%dma_wait3A_212, %dma_wait3A_213] : memref<8x64xi32, #tpu.memory_space<vmem>> -> memref<1x64xi32, #tpu.memory_space<vmem>>
    %dma_wait3A_215 = tpu.memref_squeeze %dma_wait3A_214 : memref<1x64xi32, #tpu.memory_space<vmem>> -> memref<64xi32, #tpu.memory_space<vmem>>
    %dma_wait3A_216 = tpu.memref_slice %arg3[%dma_wait3A_211, %mul3A_2] : memref<8x1024xi32, #tpu.memory_space<hbm>> -> memref<1x64xi32, #tpu.memory_space<hbm>>
    %dma_wait3A_217 = tpu.memref_squeeze %dma_wait3A_216 : memref<1x64xi32, #tpu.memory_space<hbm>> -> memref<64xi32, #tpu.memory_space<hbm>>
    %dma_wait3A_218 = arith.constant 0 : i32
    %dma_wait3A_219 = tpu.memref_slice %arg8[%dma_wait3A_212, %dma_wait3A_218] : memref<8x64xi32, #tpu.memory_space<vmem>> -> memref<1x64xi32, #tpu.memory_space<vmem>>
    %dma_wait3A_220 = tpu.memref_squeeze %dma_wait3A_219 : memref<1x64xi32, #tpu.memory_space<vmem>> -> memref<64xi32, #tpu.memory_space<vmem>>
    %dma_wait3A_221 = tpu.memref_slice %arg3[%dma_wait3A_211, %mul3A_2] : memref<8x1024xi32, #tpu.memory_space<hbm>> -> memref<1x64xi32, #tpu.memory_space<hbm>>
    %dma_wait3A_222 = tpu.memref_squeeze %dma_wait3A_221 : memref<1x64xi32, #tpu.memory_space<hbm>> -> memref<64xi32, #tpu.memory_space<hbm>>
    tpu.wait_dma2 semaphore(%arg11 : memref<!tpu.dma_semaphore, #tpu.memory_space<semaphore_mem>>) src(%dma_wait3A_222 : memref<64xi32, #tpu.memory_space<hbm>>) dst(%dma_wait3A_220 : memref<64xi32, #tpu.memory_space<vmem>>)
    %dma_wait3A_223 = arith.constant 2 : i32
    %dma_wait3A_224 = arith.constant 2 : i32
    %dma_wait3A_225 = arith.constant 0 : i32
    %dma_wait3A_226 = tpu.memref_slice %arg8[%dma_wait3A_224, %dma_wait3A_225] : memref<8x64xi32, #tpu.memory_space<vmem>> -> memref<1x64xi32, #tpu.memory_space<vmem>>
    %dma_wait3A_227 = tpu.memref_squeeze %dma_wait3A_226 : memref<1x64xi32, #tpu.memory_space<vmem>> -> memref<64xi32, #tpu.memory_space<vmem>>
    %dma_wait3A_228 = tpu.memref_slice %arg3[%dma_wait3A_223, %mul3A_4] : memref<8x1024xi32, #tpu.memory_space<hbm>> -> memref<1x64xi32, #tpu.memory_space<hbm>>
    %dma_wait3A_229 = tpu.memref_squeeze %dma_wait3A_228 : memref<1x64xi32, #tpu.memory_space<hbm>> -> memref<64xi32, #tpu.memory_space<hbm>>
    %dma_wait3A_230 = arith.constant 0 : i32
    %dma_wait3A_231 = tpu.memref_slice %arg8[%dma_wait3A_224, %dma_wait3A_230] : memref<8x64xi32, #tpu.memory_space<vmem>> -> memref<1x64xi32, #tpu.memory_space<vmem>>
    %dma_wait3A_232 = tpu.memref_squeeze %dma_wait3A_231 : memref<1x64xi32, #tpu.memory_space<vmem>> -> memref<64xi32, #tpu.memory_space<vmem>>
    %dma_wait3A_233 = tpu.memref_slice %arg3[%dma_wait3A_223, %mul3A_4] : memref<8x1024xi32, #tpu.memory_space<hbm>> -> memref<1x64xi32, #tpu.memory_space<hbm>>
    %dma_wait3A_234 = tpu.memref_squeeze %dma_wait3A_233 : memref<1x64xi32, #tpu.memory_space<hbm>> -> memref<64xi32, #tpu.memory_space<hbm>>
    tpu.wait_dma2 semaphore(%arg11 : memref<!tpu.dma_semaphore, #tpu.memory_space<semaphore_mem>>) src(%dma_wait3A_234 : memref<64xi32, #tpu.memory_space<hbm>>) dst(%dma_wait3A_232 : memref<64xi32, #tpu.memory_space<vmem>>)
    %dma_wait3A_235 = arith.constant 3 : i32
    %dma_wait3A_236 = arith.constant 3 : i32
    %dma_wait3A_237 = arith.constant 0 : i32
    %dma_wait3A_238 = tpu.memref_slice %arg8[%dma_wait3A_236, %dma_wait3A_237] : memref<8x64xi32, #tpu.memory_space<vmem>> -> memref<1x64xi32, #tpu.memory_space<vmem>>
    %dma_wait3A_239 = tpu.memref_squeeze %dma_wait3A_238 : memref<1x64xi32, #tpu.memory_space<vmem>> -> memref<64xi32, #tpu.memory_space<vmem>>
    %dma_wait3A_240 = tpu.memref_slice %arg3[%dma_wait3A_235, %mul3A_6] : memref<8x1024xi32, #tpu.memory_space<hbm>> -> memref<1x64xi32, #tpu.memory_space<hbm>>
    %dma_wait3A_241 = tpu.memref_squeeze %dma_wait3A_240 : memref<1x64xi32, #tpu.memory_space<hbm>> -> memref<64xi32, #tpu.memory_space<hbm>>
    %dma_wait3A_242 = arith.constant 0 : i32
    %dma_wait3A_243 = tpu.memref_slice %arg8[%dma_wait3A_236, %dma_wait3A_242] : memref<8x64xi32, #tpu.memory_space<vmem>> -> memref<1x64xi32, #tpu.memory_space<vmem>>
    %dma_wait3A_244 = tpu.memref_squeeze %dma_wait3A_243 : memref<1x64xi32, #tpu.memory_space<vmem>> -> memref<64xi32, #tpu.memory_space<vmem>>
    %dma_wait3A_245 = tpu.memref_slice %arg3[%dma_wait3A_235, %mul3A_6] : memref<8x1024xi32, #tpu.memory_space<hbm>> -> memref<1x64xi32, #tpu.memory_space<hbm>>
    %dma_wait3A_246 = tpu.memref_squeeze %dma_wait3A_245 : memref<1x64xi32, #tpu.memory_space<hbm>> -> memref<64xi32, #tpu.memory_space<hbm>>
    tpu.wait_dma2 semaphore(%arg11 : memref<!tpu.dma_semaphore, #tpu.memory_space<semaphore_mem>>) src(%dma_wait3A_246 : memref<64xi32, #tpu.memory_space<hbm>>) dst(%dma_wait3A_244 : memref<64xi32, #tpu.memory_space<vmem>>)
    %dma_wait3A_247 = arith.constant 4 : i32
    %dma_wait3A_248 = arith.constant 4 : i32
    %dma_wait3A_249 = arith.constant 0 : i32
    %dma_wait3A_250 = tpu.memref_slice %arg8[%dma_wait3A_248, %dma_wait3A_249] : memref<8x64xi32, #tpu.memory_space<vmem>> -> memref<1x64xi32, #tpu.memory_space<vmem>>
    %dma_wait3A_251 = tpu.memref_squeeze %dma_wait3A_250 : memref<1x64xi32, #tpu.memory_space<vmem>> -> memref<64xi32, #tpu.memory_space<vmem>>
    %dma_wait3A_252 = tpu.memref_slice %arg3[%dma_wait3A_247, %mul3A_8] : memref<8x1024xi32, #tpu.memory_space<hbm>> -> memref<1x64xi32, #tpu.memory_space<hbm>>
    %dma_wait3A_253 = tpu.memref_squeeze %dma_wait3A_252 : memref<1x64xi32, #tpu.memory_space<hbm>> -> memref<64xi32, #tpu.memory_space<hbm>>
    %dma_wait3A_254 = arith.constant 0 : i32
    %dma_wait3A_255 = tpu.memref_slice %arg8[%dma_wait3A_248, %dma_wait3A_254] : memref<8x64xi32, #tpu.memory_space<vmem>> -> memref<1x64xi32, #tpu.memory_space<vmem>>
    %dma_wait3A_256 = tpu.memref_squeeze %dma_wait3A_255 : memref<1x64xi32, #tpu.memory_space<vmem>> -> memref<64xi32, #tpu.memory_space<vmem>>
    %dma_wait3A_257 = tpu.memref_slice %arg3[%dma_wait3A_247, %mul3A_8] : memref<8x1024xi32, #tpu.memory_space<hbm>> -> memref<1x64xi32, #tpu.memory_space<hbm>>
    %dma_wait3A_258 = tpu.memref_squeeze %dma_wait3A_257 : memref<1x64xi32, #tpu.memory_space<hbm>> -> memref<64xi32, #tpu.memory_space<hbm>>
    tpu.wait_dma2 semaphore(%arg11 : memref<!tpu.dma_semaphore, #tpu.memory_space<semaphore_mem>>) src(%dma_wait3A_258 : memref<64xi32, #tpu.memory_space<hbm>>) dst(%dma_wait3A_256 : memref<64xi32, #tpu.memory_space<vmem>>)
    %dma_wait3A_259 = arith.constant 5 : i32
    %dma_wait3A_260 = arith.constant 5 : i32
    %dma_wait3A_261 = arith.constant 0 : i32
    %dma_wait3A_262 = tpu.memref_slice %arg8[%dma_wait3A_260, %dma_wait3A_261] : memref<8x64xi32, #tpu.memory_space<vmem>> -> memref<1x64xi32, #tpu.memory_space<vmem>>
    %dma_wait3A_263 = tpu.memref_squeeze %dma_wait3A_262 : memref<1x64xi32, #tpu.memory_space<vmem>> -> memref<64xi32, #tpu.memory_space<vmem>>
    %dma_wait3A_264 = tpu.memref_slice %arg3[%dma_wait3A_259, %mul3A_10] : memref<8x1024xi32, #tpu.memory_space<hbm>> -> memref<1x64xi32, #tpu.memory_space<hbm>>
    %dma_wait3A_265 = tpu.memref_squeeze %dma_wait3A_264 : memref<1x64xi32, #tpu.memory_space<hbm>> -> memref<64xi32, #tpu.memory_space<hbm>>
    %dma_wait3A_266 = arith.constant 0 : i32
    %dma_wait3A_267 = tpu.memref_slice %arg8[%dma_wait3A_260, %dma_wait3A_266] : memref<8x64xi32, #tpu.memory_space<vmem>> -> memref<1x64xi32, #tpu.memory_space<vmem>>
    %dma_wait3A_268 = tpu.memref_squeeze %dma_wait3A_267 : memref<1x64xi32, #tpu.memory_space<vmem>> -> memref<64xi32, #tpu.memory_space<vmem>>
    %dma_wait3A_269 = tpu.memref_slice %arg3[%dma_wait3A_259, %mul3A_10] : memref<8x1024xi32, #tpu.memory_space<hbm>> -> memref<1x64xi32, #tpu.memory_space<hbm>>
    %dma_wait3A_270 = tpu.memref_squeeze %dma_wait3A_269 : memref<1x64xi32, #tpu.memory_space<hbm>> -> memref<64xi32, #tpu.memory_space<hbm>>
    tpu.wait_dma2 semaphore(%arg11 : memref<!tpu.dma_semaphore, #tpu.memory_space<semaphore_mem>>) src(%dma_wait3A_270 : memref<64xi32, #tpu.memory_space<hbm>>) dst(%dma_wait3A_268 : memref<64xi32, #tpu.memory_space<vmem>>)
    %dma_wait3A_271 = arith.constant 6 : i32
    %dma_wait3A_272 = arith.constant 6 : i32
    %dma_wait3A_273 = arith.constant 0 : i32
    %dma_wait3A_274 = tpu.memref_slice %arg8[%dma_wait3A_272, %dma_wait3A_273] : memref<8x64xi32, #tpu.memory_space<vmem>> -> memref<1x64xi32, #tpu.memory_space<vmem>>
    %dma_wait3A_275 = tpu.memref_squeeze %dma_wait3A_274 : memref<1x64xi32, #tpu.memory_space<vmem>> -> memref<64xi32, #tpu.memory_space<vmem>>
    %dma_wait3A_276 = tpu.memref_slice %arg3[%dma_wait3A_271, %mul3A_12] : memref<8x1024xi32, #tpu.memory_space<hbm>> -> memref<1x64xi32, #tpu.memory_space<hbm>>
    %dma_wait3A_277 = tpu.memref_squeeze %dma_wait3A_276 : memref<1x64xi32, #tpu.memory_space<hbm>> -> memref<64xi32, #tpu.memory_space<hbm>>
    %dma_wait3A_278 = arith.constant 0 : i32
    %dma_wait3A_279 = tpu.memref_slice %arg8[%dma_wait3A_272, %dma_wait3A_278] : memref<8x64xi32, #tpu.memory_space<vmem>> -> memref<1x64xi32, #tpu.memory_space<vmem>>
    %dma_wait3A_280 = tpu.memref_squeeze %dma_wait3A_279 : memref<1x64xi32, #tpu.memory_space<vmem>> -> memref<64xi32, #tpu.memory_space<vmem>>
    %dma_wait3A_281 = tpu.memref_slice %arg3[%dma_wait3A_271, %mul3A_12] : memref<8x1024xi32, #tpu.memory_space<hbm>> -> memref<1x64xi32, #tpu.memory_space<hbm>>
    %dma_wait3A_282 = tpu.memref_squeeze %dma_wait3A_281 : memref<1x64xi32, #tpu.memory_space<hbm>> -> memref<64xi32, #tpu.memory_space<hbm>>
    tpu.wait_dma2 semaphore(%arg11 : memref<!tpu.dma_semaphore, #tpu.memory_space<semaphore_mem>>) src(%dma_wait3A_282 : memref<64xi32, #tpu.memory_space<hbm>>) dst(%dma_wait3A_280 : memref<64xi32, #tpu.memory_space<vmem>>)
    %dma_wait3A_283 = arith.constant 7 : i32
    %dma_wait3A_284 = arith.constant 7 : i32
    %dma_wait3A_285 = arith.constant 0 : i32
    %dma_wait3A_286 = tpu.memref_slice %arg8[%dma_wait3A_284, %dma_wait3A_285] : memref<8x64xi32, #tpu.memory_space<vmem>> -> memref<1x64xi32, #tpu.memory_space<vmem>>
    %dma_wait3A_287 = tpu.memref_squeeze %dma_wait3A_286 : memref<1x64xi32, #tpu.memory_space<vmem>> -> memref<64xi32, #tpu.memory_space<vmem>>
    %dma_wait3A_288 = tpu.memref_slice %arg3[%dma_wait3A_283, %mul3A_14] : memref<8x1024xi32, #tpu.memory_space<hbm>> -> memref<1x64xi32, #tpu.memory_space<hbm>>
    %dma_wait3A_289 = tpu.memref_squeeze %dma_wait3A_288 : memref<1x64xi32, #tpu.memory_space<hbm>> -> memref<64xi32, #tpu.memory_space<hbm>>
    %dma_wait3A_290 = arith.constant 0 : i32
    %dma_wait3A_291 = tpu.memref_slice %arg8[%dma_wait3A_284, %dma_wait3A_290] : memref<8x64xi32, #tpu.memory_space<vmem>> -> memref<1x64xi32, #tpu.memory_space<vmem>>
    %dma_wait3A_292 = tpu.memref_squeeze %dma_wait3A_291 : memref<1x64xi32, #tpu.memory_space<vmem>> -> memref<64xi32, #tpu.memory_space<vmem>>
    %dma_wait3A_293 = tpu.memref_slice %arg3[%dma_wait3A_283, %mul3A_14] : memref<8x1024xi32, #tpu.memory_space<hbm>> -> memref<1x64xi32, #tpu.memory_space<hbm>>
    %dma_wait3A_294 = tpu.memref_squeeze %dma_wait3A_293 : memref<1x64xi32, #tpu.memory_space<hbm>> -> memref<64xi32, #tpu.memory_space<hbm>>
    tpu.wait_dma2 semaphore(%arg11 : memref<!tpu.dma_semaphore, #tpu.memory_space<semaphore_mem>>) src(%dma_wait3A_294 : memref<64xi32, #tpu.memory_space<hbm>>) dst(%dma_wait3A_292 : memref<64xi32, #tpu.memory_space<vmem>>)
    %barrier3A = arith.constant 0 : index
    tpu.barrier barrier_id(%barrier3A)
    %dma_start3A_295 = arith.constant 1 : i32
    %dma_start3A_296 = arith.constant 1 : i32
    %dma_start3A_297 = arith.constant 0 : i32
    %dma_start3A_298 = arith.constant 0 : i32
    %dma_start3A_299 = tpu.memref_slice %arg6[%dma_start3A_296, %dma_start3A_297, %dma_start3A_298] : memref<2x64x128xf32, #tpu.memory_space<vmem>> -> memref<1x64x128xf32, #tpu.memory_space<vmem>>
    %dma_start3A_300 = tpu.memref_squeeze %dma_start3A_299 : memref<1x64x128xf32, #tpu.memory_space<vmem>> -> memref<64x128xf32, #tpu.memory_space<vmem>>
    %dma_start3A_301 = tpu.memref_slice %arg2[%dma_start3A_295, %mul3A_115, %mul3A_117] : memref<8x1024x256xf32, #tpu.memory_space<hbm>> -> memref<1x64x128xf32, #tpu.memory_space<hbm>>
    %dma_start3A_302 = tpu.memref_squeeze %dma_start3A_301 : memref<1x64x128xf32, #tpu.memory_space<hbm>> -> memref<64x128xf32, #tpu.memory_space<hbm>>
    %dma_start3A_303 = arith.constant 0 : i32
    %dma_start3A_304 = arith.constant 0 : i32
    %dma_start3A_305 = tpu.memref_slice %arg6[%dma_start3A_296, %dma_start3A_303, %dma_start3A_304] : memref<2x64x128xf32, #tpu.memory_space<vmem>> -> memref<1x64x128xf32, #tpu.memory_space<vmem>>
    %dma_start3A_306 = tpu.memref_squeeze %dma_start3A_305 : memref<1x64x128xf32, #tpu.memory_space<vmem>> -> memref<64x128xf32, #tpu.memory_space<vmem>>
    %dma_start3A_307 = tpu.memref_slice %arg2[%dma_start3A_295, %mul3A_115, %mul3A_117] : memref<8x1024x256xf32, #tpu.memory_space<hbm>> -> memref<1x64x128xf32, #tpu.memory_space<hbm>>
    %dma_start3A_308 = tpu.memref_squeeze %dma_start3A_307 : memref<1x64x128xf32, #tpu.memory_space<hbm>> -> memref<64x128xf32, #tpu.memory_space<hbm>>
    tpu.enqueue_dma source(%dma_start3A_308 : memref<64x128xf32, #tpu.memory_space<hbm>>) target(%dma_start3A_306 : memref<64x128xf32, #tpu.memory_space<vmem>>) target_semaphore(%arg10 : memref<!tpu.dma_semaphore, #tpu.memory_space<semaphore_mem>>)
    %dma_wait3A_309 = arith.constant 0 : i32
    %dma_wait3A_310 = arith.constant 0 : i32
    %dma_wait3A_311 = arith.constant 0 : i32
    %dma_wait3A_312 = arith.constant 0 : i32
    %dma_wait3A_313 = tpu.memref_slice %arg6[%dma_wait3A_310, %dma_wait3A_311, %dma_wait3A_312] : memref<2x64x128xf32, #tpu.memory_space<vmem>> -> memref<1x64x128xf32, #tpu.memory_space<vmem>>
    %dma_wait3A_314 = tpu.memref_squeeze %dma_wait3A_313 : memref<1x64x128xf32, #tpu.memory_space<vmem>> -> memref<64x128xf32, #tpu.memory_space<vmem>>
    %dma_wait3A_315 = tpu.memref_slice %arg2[%dma_wait3A_309, %mul3A_111, %mul3A_113] : memref<8x1024x256xf32, #tpu.memory_space<hbm>> -> memref<1x64x128xf32, #tpu.memory_space<hbm>>
    %dma_wait3A_316 = tpu.memref_squeeze %dma_wait3A_315 : memref<1x64x128xf32, #tpu.memory_space<hbm>> -> memref<64x128xf32, #tpu.memory_space<hbm>>
    %dma_wait3A_317 = arith.constant 0 : i32
    %dma_wait3A_318 = arith.constant 0 : i32
    %dma_wait3A_319 = tpu.memref_slice %arg6[%dma_wait3A_310, %dma_wait3A_317, %dma_wait3A_318] : memref<2x64x128xf32, #tpu.memory_space<vmem>> -> memref<1x64x128xf32, #tpu.memory_space<vmem>>
    %dma_wait3A_320 = tpu.memref_squeeze %dma_wait3A_319 : memref<1x64x128xf32, #tpu.memory_space<vmem>> -> memref<64x128xf32, #tpu.memory_space<vmem>>
    %dma_wait3A_321 = tpu.memref_slice %arg2[%dma_wait3A_309, %mul3A_111, %mul3A_113] : memref<8x1024x256xf32, #tpu.memory_space<hbm>> -> memref<1x64x128xf32, #tpu.memory_space<hbm>>
    %dma_wait3A_322 = tpu.memref_squeeze %dma_wait3A_321 : memref<1x64x128xf32, #tpu.memory_space<hbm>> -> memref<64x128xf32, #tpu.memory_space<hbm>>
    tpu.wait_dma2 semaphore(%arg9 : memref<!tpu.dma_semaphore, #tpu.memory_space<semaphore_mem>>) src(%dma_wait3A_322 : memref<64x128xf32, #tpu.memory_space<hbm>>) dst(%dma_wait3A_320 : memref<64x128xf32, #tpu.memory_space<vmem>>)
    %run_scoped3A = arith.constant 0 : i32
    %run_scoped3A_323 = arith.constant 0 : i32
    "tpu.region"() ({
      %run_scoped3A_589 = tpu.sem_alloc : memref<!tpu.dma_semaphore, #tpu.memory_space<semaphore_mem>>
      %dma_start3A_590 = arith.constant 0 : i32
      %dma_start3A_591 = arith.constant 0 : i32
      %dma_start3A_592 = tpu.memref_slice %arg6[%run_scoped3A, %dma_start3A_590, %dma_start3A_591] : memref<2x64x128xf32, #tpu.memory_space<vmem>> -> memref<1x64x128xf32, #tpu.memory_space<vmem>>
      %dma_start3A_593 = tpu.memref_squeeze %dma_start3A_592 : memref<1x64x128xf32, #tpu.memory_space<vmem>> -> memref<64x128xf32, #tpu.memory_space<vmem>>
      %dma_start3A_594 = arith.constant 0 : i32
      %dma_start3A_595 = tpu.memref_slice %arg8[%run_scoped3A_323, %dma_start3A_594] : memref<8x64xi32, #tpu.memory_space<vmem>> -> memref<1x64xi32, #tpu.memory_space<vmem>>
      %dma_start3A_596 = tpu.memref_squeeze %dma_start3A_595 : memref<1x64xi32, #tpu.memory_space<vmem>> -> memref<64xi32, #tpu.memory_space<vmem>>
      %dma_start3A_597 = arith.constant 0 : i32
      %dma_start3A_598 = arith.constant 0 : i32
      %dma_start3A_599 = tpu.memref_slice %arg5[%dma_start3A_597, %dma_start3A_598] : memref<10240x128xf32, #tpu.memory_space<vmem_shared>> -> memref<10240x128xf32, #tpu.memory_space<vmem_shared>>
      tpu.enqueue_indirect_dma source(%dma_start3A_593 : memref<64x128xf32, #tpu.memory_space<vmem>>) target(%dma_start3A_599 : memref<10240x128xf32, #tpu.memory_space<vmem_shared>>) offsets(%dma_start3A_596 : memref<64xi32, #tpu.memory_space<vmem>>) semaphore(%run_scoped3A_589 : memref<!tpu.dma_semaphore, #tpu.memory_space<semaphore_mem>>) {add = true}
      %dma_wait3A_600 = arith.constant 0 : i32
      %dma_wait3A_601 = arith.constant 0 : i32
      %dma_wait3A_602 = tpu.memref_slice %arg6[%run_scoped3A, %dma_wait3A_600, %dma_wait3A_601] : memref<2x64x128xf32, #tpu.memory_space<vmem>> -> memref<1x64x128xf32, #tpu.memory_space<vmem>>
      %dma_wait3A_603 = tpu.memref_squeeze %dma_wait3A_602 : memref<1x64x128xf32, #tpu.memory_space<vmem>> -> memref<64x128xf32, #tpu.memory_space<vmem>>
      %dma_wait3A_604 = arith.constant 0 : i32
      %dma_wait3A_605 = tpu.memref_slice %arg8[%run_scoped3A_323, %dma_wait3A_604] : memref<8x64xi32, #tpu.memory_space<vmem>> -> memref<1x64xi32, #tpu.memory_space<vmem>>
      %dma_wait3A_606 = tpu.memref_squeeze %dma_wait3A_605 : memref<1x64xi32, #tpu.memory_space<vmem>> -> memref<64xi32, #tpu.memory_space<vmem>>
      %dma_wait3A_607 = arith.constant 0 : i32
      %dma_wait3A_608 = arith.constant 0 : i32
      %dma_wait3A_609 = tpu.memref_slice %arg5[%dma_wait3A_607, %dma_wait3A_608] : memref<10240x128xf32, #tpu.memory_space<vmem_shared>> -> memref<10240x128xf32, #tpu.memory_space<vmem_shared>>
      tpu.wait_indirect_dma semaphore(%run_scoped3A_589 : memref<!tpu.dma_semaphore, #tpu.memory_space<semaphore_mem>>) src(%dma_wait3A_603 : memref<64x128xf32, #tpu.memory_space<vmem>>) dst(%dma_wait3A_609 : memref<10240x128xf32, #tpu.memory_space<vmem_shared>>)
      tpu.yield
    }) : () -> ()
    %barrier3A_324 = arith.constant 0 : index
    tpu.barrier barrier_id(%barrier3A_324)
    %mul3A_325 = arith.constant 640 : i32
    %mul3A_326 = arith.muli %arg1, %mul3A_325 : i32
    %mul3A_327 = arith.constant 640 : i32
    %mul3A_328 = arith.muli %arg1, %mul3A_327 : i32
    %run_scoped3A_329 = arith.constant 0 : i32
    "tpu.region"() ({
      %run_scoped3A_589 = tpu.sem_alloc : memref<!tpu.dma_semaphore, #tpu.memory_space<semaphore_mem>>
      %dma_start3A_590 = arith.constant 0 : i32
      %dma_start3A_591 = tpu.memref_slice %arg4[%run_scoped3A_329, %arg0, %mul3A_328, %dma_start3A_590] : memref<8x2x10240x128xf32, #tpu.memory_space<hbm>> -> memref<1x1x640x128xf32, #tpu.memory_space<hbm>>
      %dma_start3A_592 = tpu.memref_squeeze %dma_start3A_591 : memref<1x1x640x128xf32, #tpu.memory_space<hbm>> -> memref<640x128xf32, #tpu.memory_space<hbm>>
      %dma_start3A_593 = arith.constant 0 : i32
      %dma_start3A_594 = tpu.memref_slice %arg5[%mul3A_326, %dma_start3A_593] : memref<10240x128xf32, #tpu.memory_space<vmem_shared>> -> memref<640x128xf32, #tpu.memory_space<vmem_shared>>
      tpu.enqueue_dma source(%dma_start3A_594 : memref<640x128xf32, #tpu.memory_space<vmem_shared>>) target(%dma_start3A_592 : memref<640x128xf32, #tpu.memory_space<hbm>>) target_semaphore(%run_scoped3A_589 : memref<!tpu.dma_semaphore, #tpu.memory_space<semaphore_mem>>)
      %dma_wait3A_595 = arith.constant 0 : i32
      %dma_wait3A_596 = tpu.memref_slice %arg4[%run_scoped3A_329, %arg0, %mul3A_328, %dma_wait3A_595] : memref<8x2x10240x128xf32, #tpu.memory_space<hbm>> -> memref<1x1x640x128xf32, #tpu.memory_space<hbm>>
      %dma_wait3A_597 = tpu.memref_squeeze %dma_wait3A_596 : memref<1x1x640x128xf32, #tpu.memory_space<hbm>> -> memref<640x128xf32, #tpu.memory_space<hbm>>
      %dma_wait3A_598 = arith.constant 0 : i32
      %dma_wait3A_599 = tpu.memref_slice %arg5[%mul3A_326, %dma_wait3A_598] : memref<10240x128xf32, #tpu.memory_space<vmem_shared>> -> memref<640x128xf32, #tpu.memory_space<vmem_shared>>
      tpu.wait_dma2 semaphore(%run_scoped3A_589 : memref<!tpu.dma_semaphore, #tpu.memory_space<semaphore_mem>>) src(%dma_wait3A_599 : memref<640x128xf32, #tpu.memory_space<vmem_shared>>) dst(%dma_wait3A_597 : memref<640x128xf32, #tpu.memory_space<hbm>>)
      tpu.yield
    }) : () -> ()
    %barrier3A_330 = arith.constant 0 : index
    tpu.barrier barrier_id(%barrier3A_330)
    %run_scoped3A_331 = arith.constant 0 : i32
    "tpu.region"() ({
      %run_scoped3A_589 = tpu.sem_alloc : memref<!tpu.dma_semaphore, #tpu.memory_space<semaphore_mem>>
      %dma_start3A_590 = arith.constant 0 : i32
      %dma_start3A_591 = arith.constant 0 : i32
      %dma_start3A_592 = tpu.memref_slice %arg7[%dma_start3A_590, %dma_start3A_591] : memref<64x128xf32, #tpu.memory_space<vmem>> -> memref<64x128xf32, #tpu.memory_space<vmem>>
      %dma_start3A_593 = arith.constant 0 : i32
      %dma_start3A_594 = tpu.memref_slice %arg8[%run_scoped3A_331, %dma_start3A_593] : memref<8x64xi32, #tpu.memory_space<vmem>> -> memref<1x64xi32, #tpu.memory_space<vmem>>
      %dma_start3A_595 = tpu.memref_squeeze %dma_start3A_594 : memref<1x64xi32, #tpu.memory_space<vmem>> -> memref<64xi32, #tpu.memory_space<vmem>>
      %dma_start3A_596 = arith.constant 0 : i32
      %dma_start3A_597 = arith.constant 0 : i32
      %dma_start3A_598 = tpu.memref_slice %arg5[%dma_start3A_596, %dma_start3A_597] : memref<10240x128xf32, #tpu.memory_space<vmem_shared>> -> memref<10240x128xf32, #tpu.memory_space<vmem_shared>>
      tpu.enqueue_indirect_dma source(%dma_start3A_592 : memref<64x128xf32, #tpu.memory_space<vmem>>) target(%dma_start3A_598 : memref<10240x128xf32, #tpu.memory_space<vmem_shared>>) offsets(%dma_start3A_595 : memref<64xi32, #tpu.memory_space<vmem>>) semaphore(%run_scoped3A_589 : memref<!tpu.dma_semaphore, #tpu.memory_space<semaphore_mem>>)
      %dma_wait3A_599 = arith.constant 0 : i32
      %dma_wait3A_600 = arith.constant 0 : i32
      %dma_wait3A_601 = tpu.memref_slice %arg7[%dma_wait3A_599, %dma_wait3A_600] : memref<64x128xf32, #tpu.memory_space<vmem>> -> memref<64x128xf32, #tpu.memory_space<vmem>>
      %dma_wait3A_602 = arith.constant 0 : i32
      %dma_wait3A_603 = tpu.memref_slice %arg8[%run_scoped3A_331, %dma_wait3A_602] : memref<8x64xi32, #tpu.memory_space<vmem>> -> memref<1x64xi32, #tpu.memory_space<vmem>>
      %dma_wait3A_604 = tpu.memref_squeeze %dma_wait3A_603 : memref<1x64xi32, #tpu.memory_space<vmem>> -> memref<64xi32, #tpu.memory_space<vmem>>
      %dma_wait3A_605 = arith.constant 0 : i32
      %dma_wait3A_606 = arith.constant 0 : i32
      %dma_wait3A_607 = tpu.memref_slice %arg5[%dma_wait3A_605, %dma_wait3A_606] : memref<10240x128xf32, #tpu.memory_space<vmem_shared>> -> memref<10240x128xf32, #tpu.memory_space<vmem_shared>>
      tpu.wait_indirect_dma semaphore(%run_scoped3A_589 : memref<!tpu.dma_semaphore, #tpu.memory_space<semaphore_mem>>) src(%dma_wait3A_601 : memref<64x128xf32, #tpu.memory_space<vmem>>) dst(%dma_wait3A_607 : memref<10240x128xf32, #tpu.memory_space<vmem_shared>>)
      tpu.yield
    }) : () -> ()
    %barrier3A_332 = arith.constant 0 : index
    tpu.barrier barrier_id(%barrier3A_332)
    %dma_start3A_333 = arith.constant 2 : i32
    %dma_start3A_334 = arith.constant 0 : i32
    %dma_start3A_335 = arith.constant 0 : i32
    %dma_start3A_336 = arith.constant 0 : i32
    %dma_start3A_337 = tpu.memref_slice %arg6[%dma_start3A_334, %dma_start3A_335, %dma_start3A_336] : memref<2x64x128xf32, #tpu.memory_space<vmem>> -> memref<1x64x128xf32, #tpu.memory_space<vmem>>
    %dma_start3A_338 = tpu.memref_squeeze %dma_start3A_337 : memref<1x64x128xf32, #tpu.memory_space<vmem>> -> memref<64x128xf32, #tpu.memory_space<vmem>>
    %dma_start3A_339 = tpu.memref_slice %arg2[%dma_start3A_333, %mul3A_119, %mul3A_121] : memref<8x1024x256xf32, #tpu.memory_space<hbm>> -> memref<1x64x128xf32, #tpu.memory_space<hbm>>
    %dma_start3A_340 = tpu.memref_squeeze %dma_start3A_339 : memref<1x64x128xf32, #tpu.memory_space<hbm>> -> memref<64x128xf32, #tpu.memory_space<hbm>>
    %dma_start3A_341 = arith.constant 0 : i32
    %dma_start3A_342 = arith.constant 0 : i32
    %dma_start3A_343 = tpu.memref_slice %arg6[%dma_start3A_334, %dma_start3A_341, %dma_start3A_342] : memref<2x64x128xf32, #tpu.memory_space<vmem>> -> memref<1x64x128xf32, #tpu.memory_space<vmem>>
    %dma_start3A_344 = tpu.memref_squeeze %dma_start3A_343 : memref<1x64x128xf32, #tpu.memory_space<vmem>> -> memref<64x128xf32, #tpu.memory_space<vmem>>
    %dma_start3A_345 = tpu.memref_slice %arg2[%dma_start3A_333, %mul3A_119, %mul3A_121] : memref<8x1024x256xf32, #tpu.memory_space<hbm>> -> memref<1x64x128xf32, #tpu.memory_space<hbm>>
    %dma_start3A_346 = tpu.memref_squeeze %dma_start3A_345 : memref<1x64x128xf32, #tpu.memory_space<hbm>> -> memref<64x128xf32, #tpu.memory_space<hbm>>
    tpu.enqueue_dma source(%dma_start3A_346 : memref<64x128xf32, #tpu.memory_space<hbm>>) target(%dma_start3A_344 : memref<64x128xf32, #tpu.memory_space<vmem>>) target_semaphore(%arg9 : memref<!tpu.dma_semaphore, #tpu.memory_space<semaphore_mem>>)
    %dma_wait3A_347 = arith.constant 1 : i32
    %dma_wait3A_348 = arith.constant 1 : i32
    %dma_wait3A_349 = arith.constant 0 : i32
    %dma_wait3A_350 = arith.constant 0 : i32
    %dma_wait3A_351 = tpu.memref_slice %arg6[%dma_wait3A_348, %dma_wait3A_349, %dma_wait3A_350] : memref<2x64x128xf32, #tpu.memory_space<vmem>> -> memref<1x64x128xf32, #tpu.memory_space<vmem>>
    %dma_wait3A_352 = tpu.memref_squeeze %dma_wait3A_351 : memref<1x64x128xf32, #tpu.memory_space<vmem>> -> memref<64x128xf32, #tpu.memory_space<vmem>>
    %dma_wait3A_353 = tpu.memref_slice %arg2[%dma_wait3A_347, %mul3A_115, %mul3A_117] : memref<8x1024x256xf32, #tpu.memory_space<hbm>> -> memref<1x64x128xf32, #tpu.memory_space<hbm>>
    %dma_wait3A_354 = tpu.memref_squeeze %dma_wait3A_353 : memref<1x64x128xf32, #tpu.memory_space<hbm>> -> memref<64x128xf32, #tpu.memory_space<hbm>>
    %dma_wait3A_355 = arith.constant 0 : i32
    %dma_wait3A_356 = arith.constant 0 : i32
    %dma_wait3A_357 = tpu.memref_slice %arg6[%dma_wait3A_348, %dma_wait3A_355, %dma_wait3A_356] : memref<2x64x128xf32, #tpu.memory_space<vmem>> -> memref<1x64x128xf32, #tpu.memory_space<vmem>>
    %dma_wait3A_358 = tpu.memref_squeeze %dma_wait3A_357 : memref<1x64x128xf32, #tpu.memory_space<vmem>> -> memref<64x128xf32, #tpu.memory_space<vmem>>
    %dma_wait3A_359 = tpu.memref_slice %arg2[%dma_wait3A_347, %mul3A_115, %mul3A_117] : memref<8x1024x256xf32, #tpu.memory_space<hbm>> -> memref<1x64x128xf32, #tpu.memory_space<hbm>>
    %dma_wait3A_360 = tpu.memref_squeeze %dma_wait3A_359 : memref<1x64x128xf32, #tpu.memory_space<hbm>> -> memref<64x128xf32, #tpu.memory_space<hbm>>
    tpu.wait_dma2 semaphore(%arg10 : memref<!tpu.dma_semaphore, #tpu.memory_space<semaphore_mem>>) src(%dma_wait3A_360 : memref<64x128xf32, #tpu.memory_space<hbm>>) dst(%dma_wait3A_358 : memref<64x128xf32, #tpu.memory_space<vmem>>)
    %run_scoped3A_361 = arith.constant 1 : i32
    %run_scoped3A_362 = arith.constant 1 : i32
    "tpu.region"() ({
      %run_scoped3A_589 = tpu.sem_alloc : memref<!tpu.dma_semaphore, #tpu.memory_space<semaphore_mem>>
      %dma_start3A_590 = arith.constant 0 : i32
      %dma_start3A_591 = arith.constant 0 : i32
      %dma_start3A_592 = tpu.memref_slice %arg6[%run_scoped3A_361, %dma_start3A_590, %dma_start3A_591] : memref<2x64x128xf32, #tpu.memory_space<vmem>> -> memref<1x64x128xf32, #tpu.memory_space<vmem>>
      %dma_start3A_593 = tpu.memref_squeeze %dma_start3A_592 : memref<1x64x128xf32, #tpu.memory_space<vmem>> -> memref<64x128xf32, #tpu.memory_space<vmem>>
      %dma_start3A_594 = arith.constant 0 : i32
      %dma_start3A_595 = tpu.memref_slice %arg8[%run_scoped3A_362, %dma_start3A_594] : memref<8x64xi32, #tpu.memory_space<vmem>> -> memref<1x64xi32, #tpu.memory_space<vmem>>
      %dma_start3A_596 = tpu.memref_squeeze %dma_start3A_595 : memref<1x64xi32, #tpu.memory_space<vmem>> -> memref<64xi32, #tpu.memory_space<vmem>>
      %dma_start3A_597 = arith.constant 0 : i32
      %dma_start3A_598 = arith.constant 0 : i32
      %dma_start3A_599 = tpu.memref_slice %arg5[%dma_start3A_597, %dma_start3A_598] : memref<10240x128xf32, #tpu.memory_space<vmem_shared>> -> memref<10240x128xf32, #tpu.memory_space<vmem_shared>>
      tpu.enqueue_indirect_dma source(%dma_start3A_593 : memref<64x128xf32, #tpu.memory_space<vmem>>) target(%dma_start3A_599 : memref<10240x128xf32, #tpu.memory_space<vmem_shared>>) offsets(%dma_start3A_596 : memref<64xi32, #tpu.memory_space<vmem>>) semaphore(%run_scoped3A_589 : memref<!tpu.dma_semaphore, #tpu.memory_space<semaphore_mem>>) {add = true}
      %dma_wait3A_600 = arith.constant 0 : i32
      %dma_wait3A_601 = arith.constant 0 : i32
      %dma_wait3A_602 = tpu.memref_slice %arg6[%run_scoped3A_361, %dma_wait3A_600, %dma_wait3A_601] : memref<2x64x128xf32, #tpu.memory_space<vmem>> -> memref<1x64x128xf32, #tpu.memory_space<vmem>>
      %dma_wait3A_603 = tpu.memref_squeeze %dma_wait3A_602 : memref<1x64x128xf32, #tpu.memory_space<vmem>> -> memref<64x128xf32, #tpu.memory_space<vmem>>
      %dma_wait3A_604 = arith.constant 0 : i32
      %dma_wait3A_605 = tpu.memref_slice %arg8[%run_scoped3A_362, %dma_wait3A_604] : memref<8x64xi32, #tpu.memory_space<vmem>> -> memref<1x64xi32, #tpu.memory_space<vmem>>
      %dma_wait3A_606 = tpu.memref_squeeze %dma_wait3A_605 : memref<1x64xi32, #tpu.memory_space<vmem>> -> memref<64xi32, #tpu.memory_space<vmem>>
      %dma_wait3A_607 = arith.constant 0 : i32
      %dma_wait3A_608 = arith.constant 0 : i32
      %dma_wait3A_609 = tpu.memref_slice %arg5[%dma_wait3A_607, %dma_wait3A_608] : memref<10240x128xf32, #tpu.memory_space<vmem_shared>> -> memref<10240x128xf32, #tpu.memory_space<vmem_shared>>
      tpu.wait_indirect_dma semaphore(%run_scoped3A_589 : memref<!tpu.dma_semaphore, #tpu.memory_space<semaphore_mem>>) src(%dma_wait3A_603 : memref<64x128xf32, #tpu.memory_space<vmem>>) dst(%dma_wait3A_609 : memref<10240x128xf32, #tpu.memory_space<vmem_shared>>)
      tpu.yield
    }) : () -> ()
    %barrier3A_363 = arith.constant 0 : index
    tpu.barrier barrier_id(%barrier3A_363)
    %mul3A_364 = arith.constant 640 : i32
    %mul3A_365 = arith.muli %arg1, %mul3A_364 : i32
    %mul3A_366 = arith.constant 640 : i32
    %mul3A_367 = arith.muli %arg1, %mul3A_366 : i32
    %run_scoped3A_368 = arith.constant 1 : i32
    "tpu.region"() ({
      %run_scoped3A_589 = tpu.sem_alloc : memref<!tpu.dma_semaphore, #tpu.memory_space<semaphore_mem>>
      %dma_start3A_590 = arith.constant 0 : i32
      %dma_start3A_591 = tpu.memref_slice %arg4[%run_scoped3A_368, %arg0, %mul3A_367, %dma_start3A_590] : memref<8x2x10240x128xf32, #tpu.memory_space<hbm>> -> memref<1x1x640x128xf32, #tpu.memory_space<hbm>>
      %dma_start3A_592 = tpu.memref_squeeze %dma_start3A_591 : memref<1x1x640x128xf32, #tpu.memory_space<hbm>> -> memref<640x128xf32, #tpu.memory_space<hbm>>
      %dma_start3A_593 = arith.constant 0 : i32
      %dma_start3A_594 = tpu.memref_slice %arg5[%mul3A_365, %dma_start3A_593] : memref<10240x128xf32, #tpu.memory_space<vmem_shared>> -> memref<640x128xf32, #tpu.memory_space<vmem_shared>>
      tpu.enqueue_dma source(%dma_start3A_594 : memref<640x128xf32, #tpu.memory_space<vmem_shared>>) target(%dma_start3A_592 : memref<640x128xf32, #tpu.memory_space<hbm>>) target_semaphore(%run_scoped3A_589 : memref<!tpu.dma_semaphore, #tpu.memory_space<semaphore_mem>>)
      %dma_wait3A_595 = arith.constant 0 : i32
      %dma_wait3A_596 = tpu.memref_slice %arg4[%run_scoped3A_368, %arg0, %mul3A_367, %dma_wait3A_595] : memref<8x2x10240x128xf32, #tpu.memory_space<hbm>> -> memref<1x1x640x128xf32, #tpu.memory_space<hbm>>
      %dma_wait3A_597 = tpu.memref_squeeze %dma_wait3A_596 : memref<1x1x640x128xf32, #tpu.memory_space<hbm>> -> memref<640x128xf32, #tpu.memory_space<hbm>>
      %dma_wait3A_598 = arith.constant 0 : i32
      %dma_wait3A_599 = tpu.memref_slice %arg5[%mul3A_365, %dma_wait3A_598] : memref<10240x128xf32, #tpu.memory_space<vmem_shared>> -> memref<640x128xf32, #tpu.memory_space<vmem_shared>>
      tpu.wait_dma2 semaphore(%run_scoped3A_589 : memref<!tpu.dma_semaphore, #tpu.memory_space<semaphore_mem>>) src(%dma_wait3A_599 : memref<640x128xf32, #tpu.memory_space<vmem_shared>>) dst(%dma_wait3A_597 : memref<640x128xf32, #tpu.memory_space<hbm>>)
      tpu.yield
    }) : () -> ()
    %barrier3A_369 = arith.constant 0 : index
    tpu.barrier barrier_id(%barrier3A_369)
    %run_scoped3A_370 = arith.constant 1 : i32
    "tpu.region"() ({
      %run_scoped3A_589 = tpu.sem_alloc : memref<!tpu.dma_semaphore, #tpu.memory_space<semaphore_mem>>
      %dma_start3A_590 = arith.constant 0 : i32
      %dma_start3A_591 = arith.constant 0 : i32
      %dma_start3A_592 = tpu.memref_slice %arg7[%dma_start3A_590, %dma_start3A_591] : memref<64x128xf32, #tpu.memory_space<vmem>> -> memref<64x128xf32, #tpu.memory_space<vmem>>
      %dma_start3A_593 = arith.constant 0 : i32
      %dma_start3A_594 = tpu.memref_slice %arg8[%run_scoped3A_370, %dma_start3A_593] : memref<8x64xi32, #tpu.memory_space<vmem>> -> memref<1x64xi32, #tpu.memory_space<vmem>>
      %dma_start3A_595 = tpu.memref_squeeze %dma_start3A_594 : memref<1x64xi32, #tpu.memory_space<vmem>> -> memref<64xi32, #tpu.memory_space<vmem>>
      %dma_start3A_596 = arith.constant 0 : i32
      %dma_start3A_597 = arith.constant 0 : i32
      %dma_start3A_598 = tpu.memref_slice %arg5[%dma_start3A_596, %dma_start3A_597] : memref<10240x128xf32, #tpu.memory_space<vmem_shared>> -> memref<10240x128xf32, #tpu.memory_space<vmem_shared>>
      tpu.enqueue_indirect_dma source(%dma_start3A_592 : memref<64x128xf32, #tpu.memory_space<vmem>>) target(%dma_start3A_598 : memref<10240x128xf32, #tpu.memory_space<vmem_shared>>) offsets(%dma_start3A_595 : memref<64xi32, #tpu.memory_space<vmem>>) semaphore(%run_scoped3A_589 : memref<!tpu.dma_semaphore, #tpu.memory_space<semaphore_mem>>)
      %dma_wait3A_599 = arith.constant 0 : i32
      %dma_wait3A_600 = arith.constant 0 : i32
      %dma_wait3A_601 = tpu.memref_slice %arg7[%dma_wait3A_599, %dma_wait3A_600] : memref<64x128xf32, #tpu.memory_space<vmem>> -> memref<64x128xf32, #tpu.memory_space<vmem>>
      %dma_wait3A_602 = arith.constant 0 : i32
      %dma_wait3A_603 = tpu.memref_slice %arg8[%run_scoped3A_370, %dma_wait3A_602] : memref<8x64xi32, #tpu.memory_space<vmem>> -> memref<1x64xi32, #tpu.memory_space<vmem>>
      %dma_wait3A_604 = tpu.memref_squeeze %dma_wait3A_603 : memref<1x64xi32, #tpu.memory_space<vmem>> -> memref<64xi32, #tpu.memory_space<vmem>>
      %dma_wait3A_605 = arith.constant 0 : i32
      %dma_wait3A_606 = arith.constant 0 : i32
      %dma_wait3A_607 = tpu.memref_slice %arg5[%dma_wait3A_605, %dma_wait3A_606] : memref<10240x128xf32, #tpu.memory_space<vmem_shared>> -> memref<10240x128xf32, #tpu.memory_space<vmem_shared>>
      tpu.wait_indirect_dma semaphore(%run_scoped3A_589 : memref<!tpu.dma_semaphore, #tpu.memory_space<semaphore_mem>>) src(%dma_wait3A_601 : memref<64x128xf32, #tpu.memory_space<vmem>>) dst(%dma_wait3A_607 : memref<10240x128xf32, #tpu.memory_space<vmem_shared>>)
      tpu.yield
    }) : () -> ()
    %barrier3A_371 = arith.constant 0 : index
    tpu.barrier barrier_id(%barrier3A_371)
    %dma_start3A_372 = arith.constant 3 : i32
    %dma_start3A_373 = arith.constant 1 : i32
    %dma_start3A_374 = arith.constant 0 : i32
    %dma_start3A_375 = arith.constant 0 : i32
    %dma_start3A_376 = tpu.memref_slice %arg6[%dma_start3A_373, %dma_start3A_374, %dma_start3A_375] : memref<2x64x128xf32, #tpu.memory_space<vmem>> -> memref<1x64x128xf32, #tpu.memory_space<vmem>>
    %dma_start3A_377 = tpu.memref_squeeze %dma_start3A_376 : memref<1x64x128xf32, #tpu.memory_space<vmem>> -> memref<64x128xf32, #tpu.memory_space<vmem>>
    %dma_start3A_378 = tpu.memref_slice %arg2[%dma_start3A_372, %mul3A_123, %mul3A_125] : memref<8x1024x256xf32, #tpu.memory_space<hbm>> -> memref<1x64x128xf32, #tpu.memory_space<hbm>>
    %dma_start3A_379 = tpu.memref_squeeze %dma_start3A_378 : memref<1x64x128xf32, #tpu.memory_space<hbm>> -> memref<64x128xf32, #tpu.memory_space<hbm>>
    %dma_start3A_380 = arith.constant 0 : i32
    %dma_start3A_381 = arith.constant 0 : i32
    %dma_start3A_382 = tpu.memref_slice %arg6[%dma_start3A_373, %dma_start3A_380, %dma_start3A_381] : memref<2x64x128xf32, #tpu.memory_space<vmem>> -> memref<1x64x128xf32, #tpu.memory_space<vmem>>
    %dma_start3A_383 = tpu.memref_squeeze %dma_start3A_382 : memref<1x64x128xf32, #tpu.memory_space<vmem>> -> memref<64x128xf32, #tpu.memory_space<vmem>>
    %dma_start3A_384 = tpu.memref_slice %arg2[%dma_start3A_372, %mul3A_123, %mul3A_125] : memref<8x1024x256xf32, #tpu.memory_space<hbm>> -> memref<1x64x128xf32, #tpu.memory_space<hbm>>
    %dma_start3A_385 = tpu.memref_squeeze %dma_start3A_384 : memref<1x64x128xf32, #tpu.memory_space<hbm>> -> memref<64x128xf32, #tpu.memory_space<hbm>>
    tpu.enqueue_dma source(%dma_start3A_385 : memref<64x128xf32, #tpu.memory_space<hbm>>) target(%dma_start3A_383 : memref<64x128xf32, #tpu.memory_space<vmem>>) target_semaphore(%arg10 : memref<!tpu.dma_semaphore, #tpu.memory_space<semaphore_mem>>)
    %dma_wait3A_386 = arith.constant 2 : i32
    %dma_wait3A_387 = arith.constant 0 : i32
    %dma_wait3A_388 = arith.constant 0 : i32
    %dma_wait3A_389 = arith.constant 0 : i32
    %dma_wait3A_390 = tpu.memref_slice %arg6[%dma_wait3A_387, %dma_wait3A_388, %dma_wait3A_389] : memref<2x64x128xf32, #tpu.memory_space<vmem>> -> memref<1x64x128xf32, #tpu.memory_space<vmem>>
    %dma_wait3A_391 = tpu.memref_squeeze %dma_wait3A_390 : memref<1x64x128xf32, #tpu.memory_space<vmem>> -> memref<64x128xf32, #tpu.memory_space<vmem>>
    %dma_wait3A_392 = tpu.memref_slice %arg2[%dma_wait3A_386, %mul3A_119, %mul3A_121] : memref<8x1024x256xf32, #tpu.memory_space<hbm>> -> memref<1x64x128xf32, #tpu.memory_space<hbm>>
    %dma_wait3A_393 = tpu.memref_squeeze %dma_wait3A_392 : memref<1x64x128xf32, #tpu.memory_space<hbm>> -> memref<64x128xf32, #tpu.memory_space<hbm>>
    %dma_wait3A_394 = arith.constant 0 : i32
    %dma_wait3A_395 = arith.constant 0 : i32
    %dma_wait3A_396 = tpu.memref_slice %arg6[%dma_wait3A_387, %dma_wait3A_394, %dma_wait3A_395] : memref<2x64x128xf32, #tpu.memory_space<vmem>> -> memref<1x64x128xf32, #tpu.memory_space<vmem>>
    %dma_wait3A_397 = tpu.memref_squeeze %dma_wait3A_396 : memref<1x64x128xf32, #tpu.memory_space<vmem>> -> memref<64x128xf32, #tpu.memory_space<vmem>>
    %dma_wait3A_398 = tpu.memref_slice %arg2[%dma_wait3A_386, %mul3A_119, %mul3A_121] : memref<8x1024x256xf32, #tpu.memory_space<hbm>> -> memref<1x64x128xf32, #tpu.memory_space<hbm>>
    %dma_wait3A_399 = tpu.memref_squeeze %dma_wait3A_398 : memref<1x64x128xf32, #tpu.memory_space<hbm>> -> memref<64x128xf32, #tpu.memory_space<hbm>>
    tpu.wait_dma2 semaphore(%arg9 : memref<!tpu.dma_semaphore, #tpu.memory_space<semaphore_mem>>) src(%dma_wait3A_399 : memref<64x128xf32, #tpu.memory_space<hbm>>) dst(%dma_wait3A_397 : memref<64x128xf32, #tpu.memory_space<vmem>>)
    %run_scoped3A_400 = arith.constant 0 : i32
    %run_scoped3A_401 = arith.constant 2 : i32
    "tpu.region"() ({
      %run_scoped3A_589 = tpu.sem_alloc : memref<!tpu.dma_semaphore, #tpu.memory_space<semaphore_mem>>
      %dma_start3A_590 = arith.constant 0 : i32
      %dma_start3A_591 = arith.constant 0 : i32
      %dma_start3A_592 = tpu.memref_slice %arg6[%run_scoped3A_400, %dma_start3A_590, %dma_start3A_591] : memref<2x64x128xf32, #tpu.memory_space<vmem>> -> memref<1x64x128xf32, #tpu.memory_space<vmem>>
      %dma_start3A_593 = tpu.memref_squeeze %dma_start3A_592 : memref<1x64x128xf32, #tpu.memory_space<vmem>> -> memref<64x128xf32, #tpu.memory_space<vmem>>
      %dma_start3A_594 = arith.constant 0 : i32
      %dma_start3A_595 = tpu.memref_slice %arg8[%run_scoped3A_401, %dma_start3A_594] : memref<8x64xi32, #tpu.memory_space<vmem>> -> memref<1x64xi32, #tpu.memory_space<vmem>>
      %dma_start3A_596 = tpu.memref_squeeze %dma_start3A_595 : memref<1x64xi32, #tpu.memory_space<vmem>> -> memref<64xi32, #tpu.memory_space<vmem>>
      %dma_start3A_597 = arith.constant 0 : i32
      %dma_start3A_598 = arith.constant 0 : i32
      %dma_start3A_599 = tpu.memref_slice %arg5[%dma_start3A_597, %dma_start3A_598] : memref<10240x128xf32, #tpu.memory_space<vmem_shared>> -> memref<10240x128xf32, #tpu.memory_space<vmem_shared>>
      tpu.enqueue_indirect_dma source(%dma_start3A_593 : memref<64x128xf32, #tpu.memory_space<vmem>>) target(%dma_start3A_599 : memref<10240x128xf32, #tpu.memory_space<vmem_shared>>) offsets(%dma_start3A_596 : memref<64xi32, #tpu.memory_space<vmem>>) semaphore(%run_scoped3A_589 : memref<!tpu.dma_semaphore, #tpu.memory_space<semaphore_mem>>) {add = true}
      %dma_wait3A_600 = arith.constant 0 : i32
      %dma_wait3A_601 = arith.constant 0 : i32
      %dma_wait3A_602 = tpu.memref_slice %arg6[%run_scoped3A_400, %dma_wait3A_600, %dma_wait3A_601] : memref<2x64x128xf32, #tpu.memory_space<vmem>> -> memref<1x64x128xf32, #tpu.memory_space<vmem>>
      %dma_wait3A_603 = tpu.memref_squeeze %dma_wait3A_602 : memref<1x64x128xf32, #tpu.memory_space<vmem>> -> memref<64x128xf32, #tpu.memory_space<vmem>>
      %dma_wait3A_604 = arith.constant 0 : i32
      %dma_wait3A_605 = tpu.memref_slice %arg8[%run_scoped3A_401, %dma_wait3A_604] : memref<8x64xi32, #tpu.memory_space<vmem>> -> memref<1x64xi32, #tpu.memory_space<vmem>>
      %dma_wait3A_606 = tpu.memref_squeeze %dma_wait3A_605 : memref<1x64xi32, #tpu.memory_space<vmem>> -> memref<64xi32, #tpu.memory_space<vmem>>
      %dma_wait3A_607 = arith.constant 0 : i32
      %dma_wait3A_608 = arith.constant 0 : i32
      %dma_wait3A_609 = tpu.memref_slice %arg5[%dma_wait3A_607, %dma_wait3A_608] : memref<10240x128xf32, #tpu.memory_space<vmem_shared>> -> memref<10240x128xf32, #tpu.memory_space<vmem_shared>>
      tpu.wait_indirect_dma semaphore(%run_scoped3A_589 : memref<!tpu.dma_semaphore, #tpu.memory_space<semaphore_mem>>) src(%dma_wait3A_603 : memref<64x128xf32, #tpu.memory_space<vmem>>) dst(%dma_wait3A_609 : memref<10240x128xf32, #tpu.memory_space<vmem_shared>>)
      tpu.yield
    }) : () -> ()
    %barrier3A_402 = arith.constant 0 : index
    tpu.barrier barrier_id(%barrier3A_402)
    %mul3A_403 = arith.constant 640 : i32
    %mul3A_404 = arith.muli %arg1, %mul3A_403 : i32
    %mul3A_405 = arith.constant 640 : i32
    %mul3A_406 = arith.muli %arg1, %mul3A_405 : i32
    %run_scoped3A_407 = arith.constant 2 : i32
    "tpu.region"() ({
      %run_scoped3A_589 = tpu.sem_alloc : memref<!tpu.dma_semaphore, #tpu.memory_space<semaphore_mem>>
      %dma_start3A_590 = arith.constant 0 : i32
      %dma_start3A_591 = tpu.memref_slice %arg4[%run_scoped3A_407, %arg0, %mul3A_406, %dma_start3A_590] : memref<8x2x10240x128xf32, #tpu.memory_space<hbm>> -> memref<1x1x640x128xf32, #tpu.memory_space<hbm>>
      %dma_start3A_592 = tpu.memref_squeeze %dma_start3A_591 : memref<1x1x640x128xf32, #tpu.memory_space<hbm>> -> memref<640x128xf32, #tpu.memory_space<hbm>>
      %dma_start3A_593 = arith.constant 0 : i32
      %dma_start3A_594 = tpu.memref_slice %arg5[%mul3A_404, %dma_start3A_593] : memref<10240x128xf32, #tpu.memory_space<vmem_shared>> -> memref<640x128xf32, #tpu.memory_space<vmem_shared>>
      tpu.enqueue_dma source(%dma_start3A_594 : memref<640x128xf32, #tpu.memory_space<vmem_shared>>) target(%dma_start3A_592 : memref<640x128xf32, #tpu.memory_space<hbm>>) target_semaphore(%run_scoped3A_589 : memref<!tpu.dma_semaphore, #tpu.memory_space<semaphore_mem>>)
      %dma_wait3A_595 = arith.constant 0 : i32
      %dma_wait3A_596 = tpu.memref_slice %arg4[%run_scoped3A_407, %arg0, %mul3A_406, %dma_wait3A_595] : memref<8x2x10240x128xf32, #tpu.memory_space<hbm>> -> memref<1x1x640x128xf32, #tpu.memory_space<hbm>>
      %dma_wait3A_597 = tpu.memref_squeeze %dma_wait3A_596 : memref<1x1x640x128xf32, #tpu.memory_space<hbm>> -> memref<640x128xf32, #tpu.memory_space<hbm>>
      %dma_wait3A_598 = arith.constant 0 : i32
      %dma_wait3A_599 = tpu.memref_slice %arg5[%mul3A_404, %dma_wait3A_598] : memref<10240x128xf32, #tpu.memory_space<vmem_shared>> -> memref<640x128xf32, #tpu.memory_space<vmem_shared>>
      tpu.wait_dma2 semaphore(%run_scoped3A_589 : memref<!tpu.dma_semaphore, #tpu.memory_space<semaphore_mem>>) src(%dma_wait3A_599 : memref<640x128xf32, #tpu.memory_space<vmem_shared>>) dst(%dma_wait3A_597 : memref<640x128xf32, #tpu.memory_space<hbm>>)
      tpu.yield
    }) : () -> ()
    %barrier3A_408 = arith.constant 0 : index
    tpu.barrier barrier_id(%barrier3A_408)
    %run_scoped3A_409 = arith.constant 2 : i32
    "tpu.region"() ({
      %run_scoped3A_589 = tpu.sem_alloc : memref<!tpu.dma_semaphore, #tpu.memory_space<semaphore_mem>>
      %dma_start3A_590 = arith.constant 0 : i32
      %dma_start3A_591 = arith.constant 0 : i32
      %dma_start3A_592 = tpu.memref_slice %arg7[%dma_start3A_590, %dma_start3A_591] : memref<64x128xf32, #tpu.memory_space<vmem>> -> memref<64x128xf32, #tpu.memory_space<vmem>>
      %dma_start3A_593 = arith.constant 0 : i32
      %dma_start3A_594 = tpu.memref_slice %arg8[%run_scoped3A_409, %dma_start3A_593] : memref<8x64xi32, #tpu.memory_space<vmem>> -> memref<1x64xi32, #tpu.memory_space<vmem>>
      %dma_start3A_595 = tpu.memref_squeeze %dma_start3A_594 : memref<1x64xi32, #tpu.memory_space<vmem>> -> memref<64xi32, #tpu.memory_space<vmem>>
      %dma_start3A_596 = arith.constant 0 : i32
      %dma_start3A_597 = arith.constant 0 : i32
      %dma_start3A_598 = tpu.memref_slice %arg5[%dma_start3A_596, %dma_start3A_597] : memref<10240x128xf32, #tpu.memory_space<vmem_shared>> -> memref<10240x128xf32, #tpu.memory_space<vmem_shared>>
      tpu.enqueue_indirect_dma source(%dma_start3A_592 : memref<64x128xf32, #tpu.memory_space<vmem>>) target(%dma_start3A_598 : memref<10240x128xf32, #tpu.memory_space<vmem_shared>>) offsets(%dma_start3A_595 : memref<64xi32, #tpu.memory_space<vmem>>) semaphore(%run_scoped3A_589 : memref<!tpu.dma_semaphore, #tpu.memory_space<semaphore_mem>>)
      %dma_wait3A_599 = arith.constant 0 : i32
      %dma_wait3A_600 = arith.constant 0 : i32
      %dma_wait3A_601 = tpu.memref_slice %arg7[%dma_wait3A_599, %dma_wait3A_600] : memref<64x128xf32, #tpu.memory_space<vmem>> -> memref<64x128xf32, #tpu.memory_space<vmem>>
      %dma_wait3A_602 = arith.constant 0 : i32
      %dma_wait3A_603 = tpu.memref_slice %arg8[%run_scoped3A_409, %dma_wait3A_602] : memref<8x64xi32, #tpu.memory_space<vmem>> -> memref<1x64xi32, #tpu.memory_space<vmem>>
      %dma_wait3A_604 = tpu.memref_squeeze %dma_wait3A_603 : memref<1x64xi32, #tpu.memory_space<vmem>> -> memref<64xi32, #tpu.memory_space<vmem>>
      %dma_wait3A_605 = arith.constant 0 : i32
      %dma_wait3A_606 = arith.constant 0 : i32
      %dma_wait3A_607 = tpu.memref_slice %arg5[%dma_wait3A_605, %dma_wait3A_606] : memref<10240x128xf32, #tpu.memory_space<vmem_shared>> -> memref<10240x128xf32, #tpu.memory_space<vmem_shared>>
      tpu.wait_indirect_dma semaphore(%run_scoped3A_589 : memref<!tpu.dma_semaphore, #tpu.memory_space<semaphore_mem>>) src(%dma_wait3A_601 : memref<64x128xf32, #tpu.memory_space<vmem>>) dst(%dma_wait3A_607 : memref<10240x128xf32, #tpu.memory_space<vmem_shared>>)
      tpu.yield
    }) : () -> ()
    %barrier3A_410 = arith.constant 0 : index
    tpu.barrier barrier_id(%barrier3A_410)
    %dma_start3A_411 = arith.constant 4 : i32
    %dma_start3A_412 = arith.constant 0 : i32
    %dma_start3A_413 = arith.constant 0 : i32
    %dma_start3A_414 = arith.constant 0 : i32
    %dma_start3A_415 = tpu.memref_slice %arg6[%dma_start3A_412, %dma_start3A_413, %dma_start3A_414] : memref<2x64x128xf32, #tpu.memory_space<vmem>> -> memref<1x64x128xf32, #tpu.memory_space<vmem>>
    %dma_start3A_416 = tpu.memref_squeeze %dma_start3A_415 : memref<1x64x128xf32, #tpu.memory_space<vmem>> -> memref<64x128xf32, #tpu.memory_space<vmem>>
    %dma_start3A_417 = tpu.memref_slice %arg2[%dma_start3A_411, %mul3A_127, %mul3A_129] : memref<8x1024x256xf32, #tpu.memory_space<hbm>> -> memref<1x64x128xf32, #tpu.memory_space<hbm>>
    %dma_start3A_418 = tpu.memref_squeeze %dma_start3A_417 : memref<1x64x128xf32, #tpu.memory_space<hbm>> -> memref<64x128xf32, #tpu.memory_space<hbm>>
    %dma_start3A_419 = arith.constant 0 : i32
    %dma_start3A_420 = arith.constant 0 : i32
    %dma_start3A_421 = tpu.memref_slice %arg6[%dma_start3A_412, %dma_start3A_419, %dma_start3A_420] : memref<2x64x128xf32, #tpu.memory_space<vmem>> -> memref<1x64x128xf32, #tpu.memory_space<vmem>>
    %dma_start3A_422 = tpu.memref_squeeze %dma_start3A_421 : memref<1x64x128xf32, #tpu.memory_space<vmem>> -> memref<64x128xf32, #tpu.memory_space<vmem>>
    %dma_start3A_423 = tpu.memref_slice %arg2[%dma_start3A_411, %mul3A_127, %mul3A_129] : memref<8x1024x256xf32, #tpu.memory_space<hbm>> -> memref<1x64x128xf32, #tpu.memory_space<hbm>>
    %dma_start3A_424 = tpu.memref_squeeze %dma_start3A_423 : memref<1x64x128xf32, #tpu.memory_space<hbm>> -> memref<64x128xf32, #tpu.memory_space<hbm>>
    tpu.enqueue_dma source(%dma_start3A_424 : memref<64x128xf32, #tpu.memory_space<hbm>>) target(%dma_start3A_422 : memref<64x128xf32, #tpu.memory_space<vmem>>) target_semaphore(%arg9 : memref<!tpu.dma_semaphore, #tpu.memory_space<semaphore_mem>>)
    %dma_wait3A_425 = arith.constant 3 : i32
    %dma_wait3A_426 = arith.constant 1 : i32
    %dma_wait3A_427 = arith.constant 0 : i32
    %dma_wait3A_428 = arith.constant 0 : i32
    %dma_wait3A_429 = tpu.memref_slice %arg6[%dma_wait3A_426, %dma_wait3A_427, %dma_wait3A_428] : memref<2x64x128xf32, #tpu.memory_space<vmem>> -> memref<1x64x128xf32, #tpu.memory_space<vmem>>
    %dma_wait3A_430 = tpu.memref_squeeze %dma_wait3A_429 : memref<1x64x128xf32, #tpu.memory_space<vmem>> -> memref<64x128xf32, #tpu.memory_space<vmem>>
    %dma_wait3A_431 = tpu.memref_slice %arg2[%dma_wait3A_425, %mul3A_123, %mul3A_125] : memref<8x1024x256xf32, #tpu.memory_space<hbm>> -> memref<1x64x128xf32, #tpu.memory_space<hbm>>
    %dma_wait3A_432 = tpu.memref_squeeze %dma_wait3A_431 : memref<1x64x128xf32, #tpu.memory_space<hbm>> -> memref<64x128xf32, #tpu.memory_space<hbm>>
    %dma_wait3A_433 = arith.constant 0 : i32
    %dma_wait3A_434 = arith.constant 0 : i32
    %dma_wait3A_435 = tpu.memref_slice %arg6[%dma_wait3A_426, %dma_wait3A_433, %dma_wait3A_434] : memref<2x64x128xf32, #tpu.memory_space<vmem>> -> memref<1x64x128xf32, #tpu.memory_space<vmem>>
    %dma_wait3A_436 = tpu.memref_squeeze %dma_wait3A_435 : memref<1x64x128xf32, #tpu.memory_space<vmem>> -> memref<64x128xf32, #tpu.memory_space<vmem>>
    %dma_wait3A_437 = tpu.memref_slice %arg2[%dma_wait3A_425, %mul3A_123, %mul3A_125] : memref<8x1024x256xf32, #tpu.memory_space<hbm>> -> memref<1x64x128xf32, #tpu.memory_space<hbm>>
    %dma_wait3A_438 = tpu.memref_squeeze %dma_wait3A_437 : memref<1x64x128xf32, #tpu.memory_space<hbm>> -> memref<64x128xf32, #tpu.memory_space<hbm>>
    tpu.wait_dma2 semaphore(%arg10 : memref<!tpu.dma_semaphore, #tpu.memory_space<semaphore_mem>>) src(%dma_wait3A_438 : memref<64x128xf32, #tpu.memory_space<hbm>>) dst(%dma_wait3A_436 : memref<64x128xf32, #tpu.memory_space<vmem>>)
    %run_scoped3A_439 = arith.constant 1 : i32
    %run_scoped3A_440 = arith.constant 3 : i32
    "tpu.region"() ({
      %run_scoped3A_589 = tpu.sem_alloc : memref<!tpu.dma_semaphore, #tpu.memory_space<semaphore_mem>>
      %dma_start3A_590 = arith.constant 0 : i32
      %dma_start3A_591 = arith.constant 0 : i32
      %dma_start3A_592 = tpu.memref_slice %arg6[%run_scoped3A_439, %dma_start3A_590, %dma_start3A_591] : memref<2x64x128xf32, #tpu.memory_space<vmem>> -> memref<1x64x128xf32, #tpu.memory_space<vmem>>
      %dma_start3A_593 = tpu.memref_squeeze %dma_start3A_592 : memref<1x64x128xf32, #tpu.memory_space<vmem>> -> memref<64x128xf32, #tpu.memory_space<vmem>>
      %dma_start3A_594 = arith.constant 0 : i32
      %dma_start3A_595 = tpu.memref_slice %arg8[%run_scoped3A_440, %dma_start3A_594] : memref<8x64xi32, #tpu.memory_space<vmem>> -> memref<1x64xi32, #tpu.memory_space<vmem>>
      %dma_start3A_596 = tpu.memref_squeeze %dma_start3A_595 : memref<1x64xi32, #tpu.memory_space<vmem>> -> memref<64xi32, #tpu.memory_space<vmem>>
      %dma_start3A_597 = arith.constant 0 : i32
      %dma_start3A_598 = arith.constant 0 : i32
      %dma_start3A_599 = tpu.memref_slice %arg5[%dma_start3A_597, %dma_start3A_598] : memref<10240x128xf32, #tpu.memory_space<vmem_shared>> -> memref<10240x128xf32, #tpu.memory_space<vmem_shared>>
      tpu.enqueue_indirect_dma source(%dma_start3A_593 : memref<64x128xf32, #tpu.memory_space<vmem>>) target(%dma_start3A_599 : memref<10240x128xf32, #tpu.memory_space<vmem_shared>>) offsets(%dma_start3A_596 : memref<64xi32, #tpu.memory_space<vmem>>) semaphore(%run_scoped3A_589 : memref<!tpu.dma_semaphore, #tpu.memory_space<semaphore_mem>>) {add = true}
      %dma_wait3A_600 = arith.constant 0 : i32
      %dma_wait3A_601 = arith.constant 0 : i32
      %dma_wait3A_602 = tpu.memref_slice %arg6[%run_scoped3A_439, %dma_wait3A_600, %dma_wait3A_601] : memref<2x64x128xf32, #tpu.memory_space<vmem>> -> memref<1x64x128xf32, #tpu.memory_space<vmem>>
      %dma_wait3A_603 = tpu.memref_squeeze %dma_wait3A_602 : memref<1x64x128xf32, #tpu.memory_space<vmem>> -> memref<64x128xf32, #tpu.memory_space<vmem>>
      %dma_wait3A_604 = arith.constant 0 : i32
      %dma_wait3A_605 = tpu.memref_slice %arg8[%run_scoped3A_440, %dma_wait3A_604] : memref<8x64xi32, #tpu.memory_space<vmem>> -> memref<1x64xi32, #tpu.memory_space<vmem>>
      %dma_wait3A_606 = tpu.memref_squeeze %dma_wait3A_605 : memref<1x64xi32, #tpu.memory_space<vmem>> -> memref<64xi32, #tpu.memory_space<vmem>>
      %dma_wait3A_607 = arith.constant 0 : i32
      %dma_wait3A_608 = arith.constant 0 : i32
      %dma_wait3A_609 = tpu.memref_slice %arg5[%dma_wait3A_607, %dma_wait3A_608] : memref<10240x128xf32, #tpu.memory_space<vmem_shared>> -> memref<10240x128xf32, #tpu.memory_space<vmem_shared>>
      tpu.wait_indirect_dma semaphore(%run_scoped3A_589 : memref<!tpu.dma_semaphore, #tpu.memory_space<semaphore_mem>>) src(%dma_wait3A_603 : memref<64x128xf32, #tpu.memory_space<vmem>>) dst(%dma_wait3A_609 : memref<10240x128xf32, #tpu.memory_space<vmem_shared>>)
      tpu.yield
    }) : () -> ()
    %barrier3A_441 = arith.constant 0 : index
    tpu.barrier barrier_id(%barrier3A_441)
    %mul3A_442 = arith.constant 640 : i32
    %mul3A_443 = arith.muli %arg1, %mul3A_442 : i32
    %mul3A_444 = arith.constant 640 : i32
    %mul3A_445 = arith.muli %arg1, %mul3A_444 : i32
    %run_scoped3A_446 = arith.constant 3 : i32
    "tpu.region"() ({
      %run_scoped3A_589 = tpu.sem_alloc : memref<!tpu.dma_semaphore, #tpu.memory_space<semaphore_mem>>
      %dma_start3A_590 = arith.constant 0 : i32
      %dma_start3A_591 = tpu.memref_slice %arg4[%run_scoped3A_446, %arg0, %mul3A_445, %dma_start3A_590] : memref<8x2x10240x128xf32, #tpu.memory_space<hbm>> -> memref<1x1x640x128xf32, #tpu.memory_space<hbm>>
      %dma_start3A_592 = tpu.memref_squeeze %dma_start3A_591 : memref<1x1x640x128xf32, #tpu.memory_space<hbm>> -> memref<640x128xf32, #tpu.memory_space<hbm>>
      %dma_start3A_593 = arith.constant 0 : i32
      %dma_start3A_594 = tpu.memref_slice %arg5[%mul3A_443, %dma_start3A_593] : memref<10240x128xf32, #tpu.memory_space<vmem_shared>> -> memref<640x128xf32, #tpu.memory_space<vmem_shared>>
      tpu.enqueue_dma source(%dma_start3A_594 : memref<640x128xf32, #tpu.memory_space<vmem_shared>>) target(%dma_start3A_592 : memref<640x128xf32, #tpu.memory_space<hbm>>) target_semaphore(%run_scoped3A_589 : memref<!tpu.dma_semaphore, #tpu.memory_space<semaphore_mem>>)
      %dma_wait3A_595 = arith.constant 0 : i32
      %dma_wait3A_596 = tpu.memref_slice %arg4[%run_scoped3A_446, %arg0, %mul3A_445, %dma_wait3A_595] : memref<8x2x10240x128xf32, #tpu.memory_space<hbm>> -> memref<1x1x640x128xf32, #tpu.memory_space<hbm>>
      %dma_wait3A_597 = tpu.memref_squeeze %dma_wait3A_596 : memref<1x1x640x128xf32, #tpu.memory_space<hbm>> -> memref<640x128xf32, #tpu.memory_space<hbm>>
      %dma_wait3A_598 = arith.constant 0 : i32
      %dma_wait3A_599 = tpu.memref_slice %arg5[%mul3A_443, %dma_wait3A_598] : memref<10240x128xf32, #tpu.memory_space<vmem_shared>> -> memref<640x128xf32, #tpu.memory_space<vmem_shared>>
      tpu.wait_dma2 semaphore(%run_scoped3A_589 : memref<!tpu.dma_semaphore, #tpu.memory_space<semaphore_mem>>) src(%dma_wait3A_599 : memref<640x128xf32, #tpu.memory_space<vmem_shared>>) dst(%dma_wait3A_597 : memref<640x128xf32, #tpu.memory_space<hbm>>)
      tpu.yield
    }) : () -> ()
    %barrier3A_447 = arith.constant 0 : index
    tpu.barrier barrier_id(%barrier3A_447)
    %run_scoped3A_448 = arith.constant 3 : i32
    "tpu.region"() ({
      %run_scoped3A_589 = tpu.sem_alloc : memref<!tpu.dma_semaphore, #tpu.memory_space<semaphore_mem>>
      %dma_start3A_590 = arith.constant 0 : i32
      %dma_start3A_591 = arith.constant 0 : i32
      %dma_start3A_592 = tpu.memref_slice %arg7[%dma_start3A_590, %dma_start3A_591] : memref<64x128xf32, #tpu.memory_space<vmem>> -> memref<64x128xf32, #tpu.memory_space<vmem>>
      %dma_start3A_593 = arith.constant 0 : i32
      %dma_start3A_594 = tpu.memref_slice %arg8[%run_scoped3A_448, %dma_start3A_593] : memref<8x64xi32, #tpu.memory_space<vmem>> -> memref<1x64xi32, #tpu.memory_space<vmem>>
      %dma_start3A_595 = tpu.memref_squeeze %dma_start3A_594 : memref<1x64xi32, #tpu.memory_space<vmem>> -> memref<64xi32, #tpu.memory_space<vmem>>
      %dma_start3A_596 = arith.constant 0 : i32
      %dma_start3A_597 = arith.constant 0 : i32
      %dma_start3A_598 = tpu.memref_slice %arg5[%dma_start3A_596, %dma_start3A_597] : memref<10240x128xf32, #tpu.memory_space<vmem_shared>> -> memref<10240x128xf32, #tpu.memory_space<vmem_shared>>
      tpu.enqueue_indirect_dma source(%dma_start3A_592 : memref<64x128xf32, #tpu.memory_space<vmem>>) target(%dma_start3A_598 : memref<10240x128xf32, #tpu.memory_space<vmem_shared>>) offsets(%dma_start3A_595 : memref<64xi32, #tpu.memory_space<vmem>>) semaphore(%run_scoped3A_589 : memref<!tpu.dma_semaphore, #tpu.memory_space<semaphore_mem>>)
      %dma_wait3A_599 = arith.constant 0 : i32
      %dma_wait3A_600 = arith.constant 0 : i32
      %dma_wait3A_601 = tpu.memref_slice %arg7[%dma_wait3A_599, %dma_wait3A_600] : memref<64x128xf32, #tpu.memory_space<vmem>> -> memref<64x128xf32, #tpu.memory_space<vmem>>
      %dma_wait3A_602 = arith.constant 0 : i32
      %dma_wait3A_603 = tpu.memref_slice %arg8[%run_scoped3A_448, %dma_wait3A_602] : memref<8x64xi32, #tpu.memory_space<vmem>> -> memref<1x64xi32, #tpu.memory_space<vmem>>
      %dma_wait3A_604 = tpu.memref_squeeze %dma_wait3A_603 : memref<1x64xi32, #tpu.memory_space<vmem>> -> memref<64xi32, #tpu.memory_space<vmem>>
      %dma_wait3A_605 = arith.constant 0 : i32
      %dma_wait3A_606 = arith.constant 0 : i32
      %dma_wait3A_607 = tpu.memref_slice %arg5[%dma_wait3A_605, %dma_wait3A_606] : memref<10240x128xf32, #tpu.memory_space<vmem_shared>> -> memref<10240x128xf32, #tpu.memory_space<vmem_shared>>
      tpu.wait_indirect_dma semaphore(%run_scoped3A_589 : memref<!tpu.dma_semaphore, #tpu.memory_space<semaphore_mem>>) src(%dma_wait3A_601 : memref<64x128xf32, #tpu.memory_space<vmem>>) dst(%dma_wait3A_607 : memref<10240x128xf32, #tpu.memory_space<vmem_shared>>)
      tpu.yield
    }) : () -> ()
    %barrier3A_449 = arith.constant 0 : index
    tpu.barrier barrier_id(%barrier3A_449)
    %dma_start3A_450 = arith.constant 5 : i32
    %dma_start3A_451 = arith.constant 1 : i32
    %dma_start3A_452 = arith.constant 0 : i32
    %dma_start3A_453 = arith.constant 0 : i32
    %dma_start3A_454 = tpu.memref_slice %arg6[%dma_start3A_451, %dma_start3A_452, %dma_start3A_453] : memref<2x64x128xf32, #tpu.memory_space<vmem>> -> memref<1x64x128xf32, #tpu.memory_space<vmem>>
    %dma_start3A_455 = tpu.memref_squeeze %dma_start3A_454 : memref<1x64x128xf32, #tpu.memory_space<vmem>> -> memref<64x128xf32, #tpu.memory_space<vmem>>
    %dma_start3A_456 = tpu.memref_slice %arg2[%dma_start3A_450, %mul3A_131, %mul3A_133] : memref<8x1024x256xf32, #tpu.memory_space<hbm>> -> memref<1x64x128xf32, #tpu.memory_space<hbm>>
    %dma_start3A_457 = tpu.memref_squeeze %dma_start3A_456 : memref<1x64x128xf32, #tpu.memory_space<hbm>> -> memref<64x128xf32, #tpu.memory_space<hbm>>
    %dma_start3A_458 = arith.constant 0 : i32
    %dma_start3A_459 = arith.constant 0 : i32
    %dma_start3A_460 = tpu.memref_slice %arg6[%dma_start3A_451, %dma_start3A_458, %dma_start3A_459] : memref<2x64x128xf32, #tpu.memory_space<vmem>> -> memref<1x64x128xf32, #tpu.memory_space<vmem>>
    %dma_start3A_461 = tpu.memref_squeeze %dma_start3A_460 : memref<1x64x128xf32, #tpu.memory_space<vmem>> -> memref<64x128xf32, #tpu.memory_space<vmem>>
    %dma_start3A_462 = tpu.memref_slice %arg2[%dma_start3A_450, %mul3A_131, %mul3A_133] : memref<8x1024x256xf32, #tpu.memory_space<hbm>> -> memref<1x64x128xf32, #tpu.memory_space<hbm>>
    %dma_start3A_463 = tpu.memref_squeeze %dma_start3A_462 : memref<1x64x128xf32, #tpu.memory_space<hbm>> -> memref<64x128xf32, #tpu.memory_space<hbm>>
    tpu.enqueue_dma source(%dma_start3A_463 : memref<64x128xf32, #tpu.memory_space<hbm>>) target(%dma_start3A_461 : memref<64x128xf32, #tpu.memory_space<vmem>>) target_semaphore(%arg10 : memref<!tpu.dma_semaphore, #tpu.memory_space<semaphore_mem>>)
    %dma_wait3A_464 = arith.constant 4 : i32
    %dma_wait3A_465 = arith.constant 0 : i32
    %dma_wait3A_466 = arith.constant 0 : i32
    %dma_wait3A_467 = arith.constant 0 : i32
    %dma_wait3A_468 = tpu.memref_slice %arg6[%dma_wait3A_465, %dma_wait3A_466, %dma_wait3A_467] : memref<2x64x128xf32, #tpu.memory_space<vmem>> -> memref<1x64x128xf32, #tpu.memory_space<vmem>>
    %dma_wait3A_469 = tpu.memref_squeeze %dma_wait3A_468 : memref<1x64x128xf32, #tpu.memory_space<vmem>> -> memref<64x128xf32, #tpu.memory_space<vmem>>
    %dma_wait3A_470 = tpu.memref_slice %arg2[%dma_wait3A_464, %mul3A_127, %mul3A_129] : memref<8x1024x256xf32, #tpu.memory_space<hbm>> -> memref<1x64x128xf32, #tpu.memory_space<hbm>>
    %dma_wait3A_471 = tpu.memref_squeeze %dma_wait3A_470 : memref<1x64x128xf32, #tpu.memory_space<hbm>> -> memref<64x128xf32, #tpu.memory_space<hbm>>
    %dma_wait3A_472 = arith.constant 0 : i32
    %dma_wait3A_473 = arith.constant 0 : i32
    %dma_wait3A_474 = tpu.memref_slice %arg6[%dma_wait3A_465, %dma_wait3A_472, %dma_wait3A_473] : memref<2x64x128xf32, #tpu.memory_space<vmem>> -> memref<1x64x128xf32, #tpu.memory_space<vmem>>
    %dma_wait3A_475 = tpu.memref_squeeze %dma_wait3A_474 : memref<1x64x128xf32, #tpu.memory_space<vmem>> -> memref<64x128xf32, #tpu.memory_space<vmem>>
    %dma_wait3A_476 = tpu.memref_slice %arg2[%dma_wait3A_464, %mul3A_127, %mul3A_129] : memref<8x1024x256xf32, #tpu.memory_space<hbm>> -> memref<1x64x128xf32, #tpu.memory_space<hbm>>
    %dma_wait3A_477 = tpu.memref_squeeze %dma_wait3A_476 : memref<1x64x128xf32, #tpu.memory_space<hbm>> -> memref<64x128xf32, #tpu.memory_space<hbm>>
    tpu.wait_dma2 semaphore(%arg9 : memref<!tpu.dma_semaphore, #tpu.memory_space<semaphore_mem>>) src(%dma_wait3A_477 : memref<64x128xf32, #tpu.memory_space<hbm>>) dst(%dma_wait3A_475 : memref<64x128xf32, #tpu.memory_space<vmem>>)
    %run_scoped3A_478 = arith.constant 0 : i32
    %run_scoped3A_479 = arith.constant 4 : i32
    "tpu.region"() ({
      %run_scoped3A_589 = tpu.sem_alloc : memref<!tpu.dma_semaphore, #tpu.memory_space<semaphore_mem>>
      %dma_start3A_590 = arith.constant 0 : i32
      %dma_start3A_591 = arith.constant 0 : i32
      %dma_start3A_592 = tpu.memref_slice %arg6[%run_scoped3A_478, %dma_start3A_590, %dma_start3A_591] : memref<2x64x128xf32, #tpu.memory_space<vmem>> -> memref<1x64x128xf32, #tpu.memory_space<vmem>>
      %dma_start3A_593 = tpu.memref_squeeze %dma_start3A_592 : memref<1x64x128xf32, #tpu.memory_space<vmem>> -> memref<64x128xf32, #tpu.memory_space<vmem>>
      %dma_start3A_594 = arith.constant 0 : i32
      %dma_start3A_595 = tpu.memref_slice %arg8[%run_scoped3A_479, %dma_start3A_594] : memref<8x64xi32, #tpu.memory_space<vmem>> -> memref<1x64xi32, #tpu.memory_space<vmem>>
      %dma_start3A_596 = tpu.memref_squeeze %dma_start3A_595 : memref<1x64xi32, #tpu.memory_space<vmem>> -> memref<64xi32, #tpu.memory_space<vmem>>
      %dma_start3A_597 = arith.constant 0 : i32
      %dma_start3A_598 = arith.constant 0 : i32
      %dma_start3A_599 = tpu.memref_slice %arg5[%dma_start3A_597, %dma_start3A_598] : memref<10240x128xf32, #tpu.memory_space<vmem_shared>> -> memref<10240x128xf32, #tpu.memory_space<vmem_shared>>
      tpu.enqueue_indirect_dma source(%dma_start3A_593 : memref<64x128xf32, #tpu.memory_space<vmem>>) target(%dma_start3A_599 : memref<10240x128xf32, #tpu.memory_space<vmem_shared>>) offsets(%dma_start3A_596 : memref<64xi32, #tpu.memory_space<vmem>>) semaphore(%run_scoped3A_589 : memref<!tpu.dma_semaphore, #tpu.memory_space<semaphore_mem>>) {add = true}
      %dma_wait3A_600 = arith.constant 0 : i32
      %dma_wait3A_601 = arith.constant 0 : i32
      %dma_wait3A_602 = tpu.memref_slice %arg6[%run_scoped3A_478, %dma_wait3A_600, %dma_wait3A_601] : memref<2x64x128xf32, #tpu.memory_space<vmem>> -> memref<1x64x128xf32, #tpu.memory_space<vmem>>
      %dma_wait3A_603 = tpu.memref_squeeze %dma_wait3A_602 : memref<1x64x128xf32, #tpu.memory_space<vmem>> -> memref<64x128xf32, #tpu.memory_space<vmem>>
      %dma_wait3A_604 = arith.constant 0 : i32
      %dma_wait3A_605 = tpu.memref_slice %arg8[%run_scoped3A_479, %dma_wait3A_604] : memref<8x64xi32, #tpu.memory_space<vmem>> -> memref<1x64xi32, #tpu.memory_space<vmem>>
      %dma_wait3A_606 = tpu.memref_squeeze %dma_wait3A_605 : memref<1x64xi32, #tpu.memory_space<vmem>> -> memref<64xi32, #tpu.memory_space<vmem>>
      %dma_wait3A_607 = arith.constant 0 : i32
      %dma_wait3A_608 = arith.constant 0 : i32
      %dma_wait3A_609 = tpu.memref_slice %arg5[%dma_wait3A_607, %dma_wait3A_608] : memref<10240x128xf32, #tpu.memory_space<vmem_shared>> -> memref<10240x128xf32, #tpu.memory_space<vmem_shared>>
      tpu.wait_indirect_dma semaphore(%run_scoped3A_589 : memref<!tpu.dma_semaphore, #tpu.memory_space<semaphore_mem>>) src(%dma_wait3A_603 : memref<64x128xf32, #tpu.memory_space<vmem>>) dst(%dma_wait3A_609 : memref<10240x128xf32, #tpu.memory_space<vmem_shared>>)
      tpu.yield
    }) : () -> ()
    %barrier3A_480 = arith.constant 0 : index
    tpu.barrier barrier_id(%barrier3A_480)
    %mul3A_481 = arith.constant 640 : i32
    %mul3A_482 = arith.muli %arg1, %mul3A_481 : i32
    %mul3A_483 = arith.constant 640 : i32
    %mul3A_484 = arith.muli %arg1, %mul3A_483 : i32
    %run_scoped3A_485 = arith.constant 4 : i32
    "tpu.region"() ({
      %run_scoped3A_589 = tpu.sem_alloc : memref<!tpu.dma_semaphore, #tpu.memory_space<semaphore_mem>>
      %dma_start3A_590 = arith.constant 0 : i32
      %dma_start3A_591 = tpu.memref_slice %arg4[%run_scoped3A_485, %arg0, %mul3A_484, %dma_start3A_590] : memref<8x2x10240x128xf32, #tpu.memory_space<hbm>> -> memref<1x1x640x128xf32, #tpu.memory_space<hbm>>
      %dma_start3A_592 = tpu.memref_squeeze %dma_start3A_591 : memref<1x1x640x128xf32, #tpu.memory_space<hbm>> -> memref<640x128xf32, #tpu.memory_space<hbm>>
      %dma_start3A_593 = arith.constant 0 : i32
      %dma_start3A_594 = tpu.memref_slice %arg5[%mul3A_482, %dma_start3A_593] : memref<10240x128xf32, #tpu.memory_space<vmem_shared>> -> memref<640x128xf32, #tpu.memory_space<vmem_shared>>
      tpu.enqueue_dma source(%dma_start3A_594 : memref<640x128xf32, #tpu.memory_space<vmem_shared>>) target(%dma_start3A_592 : memref<640x128xf32, #tpu.memory_space<hbm>>) target_semaphore(%run_scoped3A_589 : memref<!tpu.dma_semaphore, #tpu.memory_space<semaphore_mem>>)
      %dma_wait3A_595 = arith.constant 0 : i32
      %dma_wait3A_596 = tpu.memref_slice %arg4[%run_scoped3A_485, %arg0, %mul3A_484, %dma_wait3A_595] : memref<8x2x10240x128xf32, #tpu.memory_space<hbm>> -> memref<1x1x640x128xf32, #tpu.memory_space<hbm>>
      %dma_wait3A_597 = tpu.memref_squeeze %dma_wait3A_596 : memref<1x1x640x128xf32, #tpu.memory_space<hbm>> -> memref<640x128xf32, #tpu.memory_space<hbm>>
      %dma_wait3A_598 = arith.constant 0 : i32
      %dma_wait3A_599 = tpu.memref_slice %arg5[%mul3A_482, %dma_wait3A_598] : memref<10240x128xf32, #tpu.memory_space<vmem_shared>> -> memref<640x128xf32, #tpu.memory_space<vmem_shared>>
      tpu.wait_dma2 semaphore(%run_scoped3A_589 : memref<!tpu.dma_semaphore, #tpu.memory_space<semaphore_mem>>) src(%dma_wait3A_599 : memref<640x128xf32, #tpu.memory_space<vmem_shared>>) dst(%dma_wait3A_597 : memref<640x128xf32, #tpu.memory_space<hbm>>)
      tpu.yield
    }) : () -> ()
    %barrier3A_486 = arith.constant 0 : index
    tpu.barrier barrier_id(%barrier3A_486)
    %run_scoped3A_487 = arith.constant 4 : i32
    "tpu.region"() ({
      %run_scoped3A_589 = tpu.sem_alloc : memref<!tpu.dma_semaphore, #tpu.memory_space<semaphore_mem>>
      %dma_start3A_590 = arith.constant 0 : i32
      %dma_start3A_591 = arith.constant 0 : i32
      %dma_start3A_592 = tpu.memref_slice %arg7[%dma_start3A_590, %dma_start3A_591] : memref<64x128xf32, #tpu.memory_space<vmem>> -> memref<64x128xf32, #tpu.memory_space<vmem>>
      %dma_start3A_593 = arith.constant 0 : i32
      %dma_start3A_594 = tpu.memref_slice %arg8[%run_scoped3A_487, %dma_start3A_593] : memref<8x64xi32, #tpu.memory_space<vmem>> -> memref<1x64xi32, #tpu.memory_space<vmem>>
      %dma_start3A_595 = tpu.memref_squeeze %dma_start3A_594 : memref<1x64xi32, #tpu.memory_space<vmem>> -> memref<64xi32, #tpu.memory_space<vmem>>
      %dma_start3A_596 = arith.constant 0 : i32
      %dma_start3A_597 = arith.constant 0 : i32
      %dma_start3A_598 = tpu.memref_slice %arg5[%dma_start3A_596, %dma_start3A_597] : memref<10240x128xf32, #tpu.memory_space<vmem_shared>> -> memref<10240x128xf32, #tpu.memory_space<vmem_shared>>
      tpu.enqueue_indirect_dma source(%dma_start3A_592 : memref<64x128xf32, #tpu.memory_space<vmem>>) target(%dma_start3A_598 : memref<10240x128xf32, #tpu.memory_space<vmem_shared>>) offsets(%dma_start3A_595 : memref<64xi32, #tpu.memory_space<vmem>>) semaphore(%run_scoped3A_589 : memref<!tpu.dma_semaphore, #tpu.memory_space<semaphore_mem>>)
      %dma_wait3A_599 = arith.constant 0 : i32
      %dma_wait3A_600 = arith.constant 0 : i32
      %dma_wait3A_601 = tpu.memref_slice %arg7[%dma_wait3A_599, %dma_wait3A_600] : memref<64x128xf32, #tpu.memory_space<vmem>> -> memref<64x128xf32, #tpu.memory_space<vmem>>
      %dma_wait3A_602 = arith.constant 0 : i32
      %dma_wait3A_603 = tpu.memref_slice %arg8[%run_scoped3A_487, %dma_wait3A_602] : memref<8x64xi32, #tpu.memory_space<vmem>> -> memref<1x64xi32, #tpu.memory_space<vmem>>
      %dma_wait3A_604 = tpu.memref_squeeze %dma_wait3A_603 : memref<1x64xi32, #tpu.memory_space<vmem>> -> memref<64xi32, #tpu.memory_space<vmem>>
      %dma_wait3A_605 = arith.constant 0 : i32
      %dma_wait3A_606 = arith.constant 0 : i32
      %dma_wait3A_607 = tpu.memref_slice %arg5[%dma_wait3A_605, %dma_wait3A_606] : memref<10240x128xf32, #tpu.memory_space<vmem_shared>> -> memref<10240x128xf32, #tpu.memory_space<vmem_shared>>
      tpu.wait_indirect_dma semaphore(%run_scoped3A_589 : memref<!tpu.dma_semaphore, #tpu.memory_space<semaphore_mem>>) src(%dma_wait3A_601 : memref<64x128xf32, #tpu.memory_space<vmem>>) dst(%dma_wait3A_607 : memref<10240x128xf32, #tpu.memory_space<vmem_shared>>)
      tpu.yield
    }) : () -> ()
    %barrier3A_488 = arith.constant 0 : index
    tpu.barrier barrier_id(%barrier3A_488)
    %dma_start3A_489 = arith.constant 6 : i32
    %dma_start3A_490 = arith.constant 0 : i32
    %dma_start3A_491 = arith.constant 0 : i32
    %dma_start3A_492 = arith.constant 0 : i32
    %dma_start3A_493 = tpu.memref_slice %arg6[%dma_start3A_490, %dma_start3A_491, %dma_start3A_492] : memref<2x64x128xf32, #tpu.memory_space<vmem>> -> memref<1x64x128xf32, #tpu.memory_space<vmem>>
    %dma_start3A_494 = tpu.memref_squeeze %dma_start3A_493 : memref<1x64x128xf32, #tpu.memory_space<vmem>> -> memref<64x128xf32, #tpu.memory_space<vmem>>
    %dma_start3A_495 = tpu.memref_slice %arg2[%dma_start3A_489, %mul3A_135, %mul3A_137] : memref<8x1024x256xf32, #tpu.memory_space<hbm>> -> memref<1x64x128xf32, #tpu.memory_space<hbm>>
    %dma_start3A_496 = tpu.memref_squeeze %dma_start3A_495 : memref<1x64x128xf32, #tpu.memory_space<hbm>> -> memref<64x128xf32, #tpu.memory_space<hbm>>
    %dma_start3A_497 = arith.constant 0 : i32
    %dma_start3A_498 = arith.constant 0 : i32
    %dma_start3A_499 = tpu.memref_slice %arg6[%dma_start3A_490, %dma_start3A_497, %dma_start3A_498] : memref<2x64x128xf32, #tpu.memory_space<vmem>> -> memref<1x64x128xf32, #tpu.memory_space<vmem>>
    %dma_start3A_500 = tpu.memref_squeeze %dma_start3A_499 : memref<1x64x128xf32, #tpu.memory_space<vmem>> -> memref<64x128xf32, #tpu.memory_space<vmem>>
    %dma_start3A_501 = tpu.memref_slice %arg2[%dma_start3A_489, %mul3A_135, %mul3A_137] : memref<8x1024x256xf32, #tpu.memory_space<hbm>> -> memref<1x64x128xf32, #tpu.memory_space<hbm>>
    %dma_start3A_502 = tpu.memref_squeeze %dma_start3A_501 : memref<1x64x128xf32, #tpu.memory_space<hbm>> -> memref<64x128xf32, #tpu.memory_space<hbm>>
    tpu.enqueue_dma source(%dma_start3A_502 : memref<64x128xf32, #tpu.memory_space<hbm>>) target(%dma_start3A_500 : memref<64x128xf32, #tpu.memory_space<vmem>>) target_semaphore(%arg9 : memref<!tpu.dma_semaphore, #tpu.memory_space<semaphore_mem>>)
    %dma_wait3A_503 = arith.constant 5 : i32
    %dma_wait3A_504 = arith.constant 1 : i32
    %dma_wait3A_505 = arith.constant 0 : i32
    %dma_wait3A_506 = arith.constant 0 : i32
    %dma_wait3A_507 = tpu.memref_slice %arg6[%dma_wait3A_504, %dma_wait3A_505, %dma_wait3A_506] : memref<2x64x128xf32, #tpu.memory_space<vmem>> -> memref<1x64x128xf32, #tpu.memory_space<vmem>>
    %dma_wait3A_508 = tpu.memref_squeeze %dma_wait3A_507 : memref<1x64x128xf32, #tpu.memory_space<vmem>> -> memref<64x128xf32, #tpu.memory_space<vmem>>
    %dma_wait3A_509 = tpu.memref_slice %arg2[%dma_wait3A_503, %mul3A_131, %mul3A_133] : memref<8x1024x256xf32, #tpu.memory_space<hbm>> -> memref<1x64x128xf32, #tpu.memory_space<hbm>>
    %dma_wait3A_510 = tpu.memref_squeeze %dma_wait3A_509 : memref<1x64x128xf32, #tpu.memory_space<hbm>> -> memref<64x128xf32, #tpu.memory_space<hbm>>
    %dma_wait3A_511 = arith.constant 0 : i32
    %dma_wait3A_512 = arith.constant 0 : i32
    %dma_wait3A_513 = tpu.memref_slice %arg6[%dma_wait3A_504, %dma_wait3A_511, %dma_wait3A_512] : memref<2x64x128xf32, #tpu.memory_space<vmem>> -> memref<1x64x128xf32, #tpu.memory_space<vmem>>
    %dma_wait3A_514 = tpu.memref_squeeze %dma_wait3A_513 : memref<1x64x128xf32, #tpu.memory_space<vmem>> -> memref<64x128xf32, #tpu.memory_space<vmem>>
    %dma_wait3A_515 = tpu.memref_slice %arg2[%dma_wait3A_503, %mul3A_131, %mul3A_133] : memref<8x1024x256xf32, #tpu.memory_space<hbm>> -> memref<1x64x128xf32, #tpu.memory_space<hbm>>
    %dma_wait3A_516 = tpu.memref_squeeze %dma_wait3A_515 : memref<1x64x128xf32, #tpu.memory_space<hbm>> -> memref<64x128xf32, #tpu.memory_space<hbm>>
    tpu.wait_dma2 semaphore(%arg10 : memref<!tpu.dma_semaphore, #tpu.memory_space<semaphore_mem>>) src(%dma_wait3A_516 : memref<64x128xf32, #tpu.memory_space<hbm>>) dst(%dma_wait3A_514 : memref<64x128xf32, #tpu.memory_space<vmem>>)
    %run_scoped3A_517 = arith.constant 1 : i32
    %run_scoped3A_518 = arith.constant 5 : i32
    "tpu.region"() ({
      %run_scoped3A_589 = tpu.sem_alloc : memref<!tpu.dma_semaphore, #tpu.memory_space<semaphore_mem>>
      %dma_start3A_590 = arith.constant 0 : i32
      %dma_start3A_591 = arith.constant 0 : i32
      %dma_start3A_592 = tpu.memref_slice %arg6[%run_scoped3A_517, %dma_start3A_590, %dma_start3A_591] : memref<2x64x128xf32, #tpu.memory_space<vmem>> -> memref<1x64x128xf32, #tpu.memory_space<vmem>>
      %dma_start3A_593 = tpu.memref_squeeze %dma_start3A_592 : memref<1x64x128xf32, #tpu.memory_space<vmem>> -> memref<64x128xf32, #tpu.memory_space<vmem>>
      %dma_start3A_594 = arith.constant 0 : i32
      %dma_start3A_595 = tpu.memref_slice %arg8[%run_scoped3A_518, %dma_start3A_594] : memref<8x64xi32, #tpu.memory_space<vmem>> -> memref<1x64xi32, #tpu.memory_space<vmem>>
      %dma_start3A_596 = tpu.memref_squeeze %dma_start3A_595 : memref<1x64xi32, #tpu.memory_space<vmem>> -> memref<64xi32, #tpu.memory_space<vmem>>
      %dma_start3A_597 = arith.constant 0 : i32
      %dma_start3A_598 = arith.constant 0 : i32
      %dma_start3A_599 = tpu.memref_slice %arg5[%dma_start3A_597, %dma_start3A_598] : memref<10240x128xf32, #tpu.memory_space<vmem_shared>> -> memref<10240x128xf32, #tpu.memory_space<vmem_shared>>
      tpu.enqueue_indirect_dma source(%dma_start3A_593 : memref<64x128xf32, #tpu.memory_space<vmem>>) target(%dma_start3A_599 : memref<10240x128xf32, #tpu.memory_space<vmem_shared>>) offsets(%dma_start3A_596 : memref<64xi32, #tpu.memory_space<vmem>>) semaphore(%run_scoped3A_589 : memref<!tpu.dma_semaphore, #tpu.memory_space<semaphore_mem>>) {add = true}
      %dma_wait3A_600 = arith.constant 0 : i32
      %dma_wait3A_601 = arith.constant 0 : i32
      %dma_wait3A_602 = tpu.memref_slice %arg6[%run_scoped3A_517, %dma_wait3A_600, %dma_wait3A_601] : memref<2x64x128xf32, #tpu.memory_space<vmem>> -> memref<1x64x128xf32, #tpu.memory_space<vmem>>
      %dma_wait3A_603 = tpu.memref_squeeze %dma_wait3A_602 : memref<1x64x128xf32, #tpu.memory_space<vmem>> -> memref<64x128xf32, #tpu.memory_space<vmem>>
      %dma_wait3A_604 = arith.constant 0 : i32
      %dma_wait3A_605 = tpu.memref_slice %arg8[%run_scoped3A_518, %dma_wait3A_604] : memref<8x64xi32, #tpu.memory_space<vmem>> -> memref<1x64xi32, #tpu.memory_space<vmem>>
      %dma_wait3A_606 = tpu.memref_squeeze %dma_wait3A_605 : memref<1x64xi32, #tpu.memory_space<vmem>> -> memref<64xi32, #tpu.memory_space<vmem>>
      %dma_wait3A_607 = arith.constant 0 : i32
      %dma_wait3A_608 = arith.constant 0 : i32
      %dma_wait3A_609 = tpu.memref_slice %arg5[%dma_wait3A_607, %dma_wait3A_608] : memref<10240x128xf32, #tpu.memory_space<vmem_shared>> -> memref<10240x128xf32, #tpu.memory_space<vmem_shared>>
      tpu.wait_indirect_dma semaphore(%run_scoped3A_589 : memref<!tpu.dma_semaphore, #tpu.memory_space<semaphore_mem>>) src(%dma_wait3A_603 : memref<64x128xf32, #tpu.memory_space<vmem>>) dst(%dma_wait3A_609 : memref<10240x128xf32, #tpu.memory_space<vmem_shared>>)
      tpu.yield
    }) : () -> ()
    %barrier3A_519 = arith.constant 0 : index
    tpu.barrier barrier_id(%barrier3A_519)
    %mul3A_520 = arith.constant 640 : i32
    %mul3A_521 = arith.muli %arg1, %mul3A_520 : i32
    %mul3A_522 = arith.constant 640 : i32
    %mul3A_523 = arith.muli %arg1, %mul3A_522 : i32
    %run_scoped3A_524 = arith.constant 5 : i32
    "tpu.region"() ({
      %run_scoped3A_589 = tpu.sem_alloc : memref<!tpu.dma_semaphore, #tpu.memory_space<semaphore_mem>>
      %dma_start3A_590 = arith.constant 0 : i32
      %dma_start3A_591 = tpu.memref_slice %arg4[%run_scoped3A_524, %arg0, %mul3A_523, %dma_start3A_590] : memref<8x2x10240x128xf32, #tpu.memory_space<hbm>> -> memref<1x1x640x128xf32, #tpu.memory_space<hbm>>
      %dma_start3A_592 = tpu.memref_squeeze %dma_start3A_591 : memref<1x1x640x128xf32, #tpu.memory_space<hbm>> -> memref<640x128xf32, #tpu.memory_space<hbm>>
      %dma_start3A_593 = arith.constant 0 : i32
      %dma_start3A_594 = tpu.memref_slice %arg5[%mul3A_521, %dma_start3A_593] : memref<10240x128xf32, #tpu.memory_space<vmem_shared>> -> memref<640x128xf32, #tpu.memory_space<vmem_shared>>
      tpu.enqueue_dma source(%dma_start3A_594 : memref<640x128xf32, #tpu.memory_space<vmem_shared>>) target(%dma_start3A_592 : memref<640x128xf32, #tpu.memory_space<hbm>>) target_semaphore(%run_scoped3A_589 : memref<!tpu.dma_semaphore, #tpu.memory_space<semaphore_mem>>)
      %dma_wait3A_595 = arith.constant 0 : i32
      %dma_wait3A_596 = tpu.memref_slice %arg4[%run_scoped3A_524, %arg0, %mul3A_523, %dma_wait3A_595] : memref<8x2x10240x128xf32, #tpu.memory_space<hbm>> -> memref<1x1x640x128xf32, #tpu.memory_space<hbm>>
      %dma_wait3A_597 = tpu.memref_squeeze %dma_wait3A_596 : memref<1x1x640x128xf32, #tpu.memory_space<hbm>> -> memref<640x128xf32, #tpu.memory_space<hbm>>
      %dma_wait3A_598 = arith.constant 0 : i32
      %dma_wait3A_599 = tpu.memref_slice %arg5[%mul3A_521, %dma_wait3A_598] : memref<10240x128xf32, #tpu.memory_space<vmem_shared>> -> memref<640x128xf32, #tpu.memory_space<vmem_shared>>
      tpu.wait_dma2 semaphore(%run_scoped3A_589 : memref<!tpu.dma_semaphore, #tpu.memory_space<semaphore_mem>>) src(%dma_wait3A_599 : memref<640x128xf32, #tpu.memory_space<vmem_shared>>) dst(%dma_wait3A_597 : memref<640x128xf32, #tpu.memory_space<hbm>>)
      tpu.yield
    }) : () -> ()
    %barrier3A_525 = arith.constant 0 : index
    tpu.barrier barrier_id(%barrier3A_525)
    %run_scoped3A_526 = arith.constant 5 : i32
    "tpu.region"() ({
      %run_scoped3A_589 = tpu.sem_alloc : memref<!tpu.dma_semaphore, #tpu.memory_space<semaphore_mem>>
      %dma_start3A_590 = arith.constant 0 : i32
      %dma_start3A_591 = arith.constant 0 : i32
      %dma_start3A_592 = tpu.memref_slice %arg7[%dma_start3A_590, %dma_start3A_591] : memref<64x128xf32, #tpu.memory_space<vmem>> -> memref<64x128xf32, #tpu.memory_space<vmem>>
      %dma_start3A_593 = arith.constant 0 : i32
      %dma_start3A_594 = tpu.memref_slice %arg8[%run_scoped3A_526, %dma_start3A_593] : memref<8x64xi32, #tpu.memory_space<vmem>> -> memref<1x64xi32, #tpu.memory_space<vmem>>
      %dma_start3A_595 = tpu.memref_squeeze %dma_start3A_594 : memref<1x64xi32, #tpu.memory_space<vmem>> -> memref<64xi32, #tpu.memory_space<vmem>>
      %dma_start3A_596 = arith.constant 0 : i32
      %dma_start3A_597 = arith.constant 0 : i32
      %dma_start3A_598 = tpu.memref_slice %arg5[%dma_start3A_596, %dma_start3A_597] : memref<10240x128xf32, #tpu.memory_space<vmem_shared>> -> memref<10240x128xf32, #tpu.memory_space<vmem_shared>>
      tpu.enqueue_indirect_dma source(%dma_start3A_592 : memref<64x128xf32, #tpu.memory_space<vmem>>) target(%dma_start3A_598 : memref<10240x128xf32, #tpu.memory_space<vmem_shared>>) offsets(%dma_start3A_595 : memref<64xi32, #tpu.memory_space<vmem>>) semaphore(%run_scoped3A_589 : memref<!tpu.dma_semaphore, #tpu.memory_space<semaphore_mem>>)
      %dma_wait3A_599 = arith.constant 0 : i32
      %dma_wait3A_600 = arith.constant 0 : i32
      %dma_wait3A_601 = tpu.memref_slice %arg7[%dma_wait3A_599, %dma_wait3A_600] : memref<64x128xf32, #tpu.memory_space<vmem>> -> memref<64x128xf32, #tpu.memory_space<vmem>>
      %dma_wait3A_602 = arith.constant 0 : i32
      %dma_wait3A_603 = tpu.memref_slice %arg8[%run_scoped3A_526, %dma_wait3A_602] : memref<8x64xi32, #tpu.memory_space<vmem>> -> memref<1x64xi32, #tpu.memory_space<vmem>>
      %dma_wait3A_604 = tpu.memref_squeeze %dma_wait3A_603 : memref<1x64xi32, #tpu.memory_space<vmem>> -> memref<64xi32, #tpu.memory_space<vmem>>
      %dma_wait3A_605 = arith.constant 0 : i32
      %dma_wait3A_606 = arith.constant 0 : i32
      %dma_wait3A_607 = tpu.memref_slice %arg5[%dma_wait3A_605, %dma_wait3A_606] : memref<10240x128xf32, #tpu.memory_space<vmem_shared>> -> memref<10240x128xf32, #tpu.memory_space<vmem_shared>>
      tpu.wait_indirect_dma semaphore(%run_scoped3A_589 : memref<!tpu.dma_semaphore, #tpu.memory_space<semaphore_mem>>) src(%dma_wait3A_601 : memref<64x128xf32, #tpu.memory_space<vmem>>) dst(%dma_wait3A_607 : memref<10240x128xf32, #tpu.memory_space<vmem_shared>>)
      tpu.yield
    }) : () -> ()
    %barrier3A_527 = arith.constant 0 : index
    tpu.barrier barrier_id(%barrier3A_527)
    %dma_start3A_528 = arith.constant 7 : i32
    %dma_start3A_529 = arith.constant 1 : i32
    %dma_start3A_530 = arith.constant 0 : i32
    %dma_start3A_531 = arith.constant 0 : i32
    %dma_start3A_532 = tpu.memref_slice %arg6[%dma_start3A_529, %dma_start3A_530, %dma_start3A_531] : memref<2x64x128xf32, #tpu.memory_space<vmem>> -> memref<1x64x128xf32, #tpu.memory_space<vmem>>
    %dma_start3A_533 = tpu.memref_squeeze %dma_start3A_532 : memref<1x64x128xf32, #tpu.memory_space<vmem>> -> memref<64x128xf32, #tpu.memory_space<vmem>>
    %dma_start3A_534 = tpu.memref_slice %arg2[%dma_start3A_528, %mul3A_139, %mul3A_141] : memref<8x1024x256xf32, #tpu.memory_space<hbm>> -> memref<1x64x128xf32, #tpu.memory_space<hbm>>
    %dma_start3A_535 = tpu.memref_squeeze %dma_start3A_534 : memref<1x64x128xf32, #tpu.memory_space<hbm>> -> memref<64x128xf32, #tpu.memory_space<hbm>>
    %dma_start3A_536 = arith.constant 0 : i32
    %dma_start3A_537 = arith.constant 0 : i32
    %dma_start3A_538 = tpu.memref_slice %arg6[%dma_start3A_529, %dma_start3A_536, %dma_start3A_537] : memref<2x64x128xf32, #tpu.memory_space<vmem>> -> memref<1x64x128xf32, #tpu.memory_space<vmem>>
    %dma_start3A_539 = tpu.memref_squeeze %dma_start3A_538 : memref<1x64x128xf32, #tpu.memory_space<vmem>> -> memref<64x128xf32, #tpu.memory_space<vmem>>
    %dma_start3A_540 = tpu.memref_slice %arg2[%dma_start3A_528, %mul3A_139, %mul3A_141] : memref<8x1024x256xf32, #tpu.memory_space<hbm>> -> memref<1x64x128xf32, #tpu.memory_space<hbm>>
    %dma_start3A_541 = tpu.memref_squeeze %dma_start3A_540 : memref<1x64x128xf32, #tpu.memory_space<hbm>> -> memref<64x128xf32, #tpu.memory_space<hbm>>
    tpu.enqueue_dma source(%dma_start3A_541 : memref<64x128xf32, #tpu.memory_space<hbm>>) target(%dma_start3A_539 : memref<64x128xf32, #tpu.memory_space<vmem>>) target_semaphore(%arg10 : memref<!tpu.dma_semaphore, #tpu.memory_space<semaphore_mem>>)
    %dma_wait3A_542 = arith.constant 6 : i32
    %dma_wait3A_543 = arith.constant 0 : i32
    %dma_wait3A_544 = arith.constant 0 : i32
    %dma_wait3A_545 = arith.constant 0 : i32
    %dma_wait3A_546 = tpu.memref_slice %arg6[%dma_wait3A_543, %dma_wait3A_544, %dma_wait3A_545] : memref<2x64x128xf32, #tpu.memory_space<vmem>> -> memref<1x64x128xf32, #tpu.memory_space<vmem>>
    %dma_wait3A_547 = tpu.memref_squeeze %dma_wait3A_546 : memref<1x64x128xf32, #tpu.memory_space<vmem>> -> memref<64x128xf32, #tpu.memory_space<vmem>>
    %dma_wait3A_548 = tpu.memref_slice %arg2[%dma_wait3A_542, %mul3A_135, %mul3A_137] : memref<8x1024x256xf32, #tpu.memory_space<hbm>> -> memref<1x64x128xf32, #tpu.memory_space<hbm>>
    %dma_wait3A_549 = tpu.memref_squeeze %dma_wait3A_548 : memref<1x64x128xf32, #tpu.memory_space<hbm>> -> memref<64x128xf32, #tpu.memory_space<hbm>>
    %dma_wait3A_550 = arith.constant 0 : i32
    %dma_wait3A_551 = arith.constant 0 : i32
    %dma_wait3A_552 = tpu.memref_slice %arg6[%dma_wait3A_543, %dma_wait3A_550, %dma_wait3A_551] : memref<2x64x128xf32, #tpu.memory_space<vmem>> -> memref<1x64x128xf32, #tpu.memory_space<vmem>>
    %dma_wait3A_553 = tpu.memref_squeeze %dma_wait3A_552 : memref<1x64x128xf32, #tpu.memory_space<vmem>> -> memref<64x128xf32, #tpu.memory_space<vmem>>
    %dma_wait3A_554 = tpu.memref_slice %arg2[%dma_wait3A_542, %mul3A_135, %mul3A_137] : memref<8x1024x256xf32, #tpu.memory_space<hbm>> -> memref<1x64x128xf32, #tpu.memory_space<hbm>>
    %dma_wait3A_555 = tpu.memref_squeeze %dma_wait3A_554 : memref<1x64x128xf32, #tpu.memory_space<hbm>> -> memref<64x128xf32, #tpu.memory_space<hbm>>
    tpu.wait_dma2 semaphore(%arg9 : memref<!tpu.dma_semaphore, #tpu.memory_space<semaphore_mem>>) src(%dma_wait3A_555 : memref<64x128xf32, #tpu.memory_space<hbm>>) dst(%dma_wait3A_553 : memref<64x128xf32, #tpu.memory_space<vmem>>)
    %run_scoped3A_556 = arith.constant 0 : i32
    %run_scoped3A_557 = arith.constant 6 : i32
    "tpu.region"() ({
      %run_scoped3A_589 = tpu.sem_alloc : memref<!tpu.dma_semaphore, #tpu.memory_space<semaphore_mem>>
      %dma_start3A_590 = arith.constant 0 : i32
      %dma_start3A_591 = arith.constant 0 : i32
      %dma_start3A_592 = tpu.memref_slice %arg6[%run_scoped3A_556, %dma_start3A_590, %dma_start3A_591] : memref<2x64x128xf32, #tpu.memory_space<vmem>> -> memref<1x64x128xf32, #tpu.memory_space<vmem>>
      %dma_start3A_593 = tpu.memref_squeeze %dma_start3A_592 : memref<1x64x128xf32, #tpu.memory_space<vmem>> -> memref<64x128xf32, #tpu.memory_space<vmem>>
      %dma_start3A_594 = arith.constant 0 : i32
      %dma_start3A_595 = tpu.memref_slice %arg8[%run_scoped3A_557, %dma_start3A_594] : memref<8x64xi32, #tpu.memory_space<vmem>> -> memref<1x64xi32, #tpu.memory_space<vmem>>
      %dma_start3A_596 = tpu.memref_squeeze %dma_start3A_595 : memref<1x64xi32, #tpu.memory_space<vmem>> -> memref<64xi32, #tpu.memory_space<vmem>>
      %dma_start3A_597 = arith.constant 0 : i32
      %dma_start3A_598 = arith.constant 0 : i32
      %dma_start3A_599 = tpu.memref_slice %arg5[%dma_start3A_597, %dma_start3A_598] : memref<10240x128xf32, #tpu.memory_space<vmem_shared>> -> memref<10240x128xf32, #tpu.memory_space<vmem_shared>>
      tpu.enqueue_indirect_dma source(%dma_start3A_593 : memref<64x128xf32, #tpu.memory_space<vmem>>) target(%dma_start3A_599 : memref<10240x128xf32, #tpu.memory_space<vmem_shared>>) offsets(%dma_start3A_596 : memref<64xi32, #tpu.memory_space<vmem>>) semaphore(%run_scoped3A_589 : memref<!tpu.dma_semaphore, #tpu.memory_space<semaphore_mem>>) {add = true}
      %dma_wait3A_600 = arith.constant 0 : i32
      %dma_wait3A_601 = arith.constant 0 : i32
      %dma_wait3A_602 = tpu.memref_slice %arg6[%run_scoped3A_556, %dma_wait3A_600, %dma_wait3A_601] : memref<2x64x128xf32, #tpu.memory_space<vmem>> -> memref<1x64x128xf32, #tpu.memory_space<vmem>>
      %dma_wait3A_603 = tpu.memref_squeeze %dma_wait3A_602 : memref<1x64x128xf32, #tpu.memory_space<vmem>> -> memref<64x128xf32, #tpu.memory_space<vmem>>
      %dma_wait3A_604 = arith.constant 0 : i32
      %dma_wait3A_605 = tpu.memref_slice %arg8[%run_scoped3A_557, %dma_wait3A_604] : memref<8x64xi32, #tpu.memory_space<vmem>> -> memref<1x64xi32, #tpu.memory_space<vmem>>
      %dma_wait3A_606 = tpu.memref_squeeze %dma_wait3A_605 : memref<1x64xi32, #tpu.memory_space<vmem>> -> memref<64xi32, #tpu.memory_space<vmem>>
      %dma_wait3A_607 = arith.constant 0 : i32
      %dma_wait3A_608 = arith.constant 0 : i32
      %dma_wait3A_609 = tpu.memref_slice %arg5[%dma_wait3A_607, %dma_wait3A_608] : memref<10240x128xf32, #tpu.memory_space<vmem_shared>> -> memref<10240x128xf32, #tpu.memory_space<vmem_shared>>
      tpu.wait_indirect_dma semaphore(%run_scoped3A_589 : memref<!tpu.dma_semaphore, #tpu.memory_space<semaphore_mem>>) src(%dma_wait3A_603 : memref<64x128xf32, #tpu.memory_space<vmem>>) dst(%dma_wait3A_609 : memref<10240x128xf32, #tpu.memory_space<vmem_shared>>)
      tpu.yield
    }) : () -> ()
    %barrier3A_558 = arith.constant 0 : index
    tpu.barrier barrier_id(%barrier3A_558)
    %mul3A_559 = arith.constant 640 : i32
    %mul3A_560 = arith.muli %arg1, %mul3A_559 : i32
    %mul3A_561 = arith.constant 640 : i32
    %mul3A_562 = arith.muli %arg1, %mul3A_561 : i32
    %run_scoped3A_563 = arith.constant 6 : i32
    "tpu.region"() ({
      %run_scoped3A_589 = tpu.sem_alloc : memref<!tpu.dma_semaphore, #tpu.memory_space<semaphore_mem>>
      %dma_start3A_590 = arith.constant 0 : i32
      %dma_start3A_591 = tpu.memref_slice %arg4[%run_scoped3A_563, %arg0, %mul3A_562, %dma_start3A_590] : memref<8x2x10240x128xf32, #tpu.memory_space<hbm>> -> memref<1x1x640x128xf32, #tpu.memory_space<hbm>>
      %dma_start3A_592 = tpu.memref_squeeze %dma_start3A_591 : memref<1x1x640x128xf32, #tpu.memory_space<hbm>> -> memref<640x128xf32, #tpu.memory_space<hbm>>
      %dma_start3A_593 = arith.constant 0 : i32
      %dma_start3A_594 = tpu.memref_slice %arg5[%mul3A_560, %dma_start3A_593] : memref<10240x128xf32, #tpu.memory_space<vmem_shared>> -> memref<640x128xf32, #tpu.memory_space<vmem_shared>>
      tpu.enqueue_dma source(%dma_start3A_594 : memref<640x128xf32, #tpu.memory_space<vmem_shared>>) target(%dma_start3A_592 : memref<640x128xf32, #tpu.memory_space<hbm>>) target_semaphore(%run_scoped3A_589 : memref<!tpu.dma_semaphore, #tpu.memory_space<semaphore_mem>>)
      %dma_wait3A_595 = arith.constant 0 : i32
      %dma_wait3A_596 = tpu.memref_slice %arg4[%run_scoped3A_563, %arg0, %mul3A_562, %dma_wait3A_595] : memref<8x2x10240x128xf32, #tpu.memory_space<hbm>> -> memref<1x1x640x128xf32, #tpu.memory_space<hbm>>
      %dma_wait3A_597 = tpu.memref_squeeze %dma_wait3A_596 : memref<1x1x640x128xf32, #tpu.memory_space<hbm>> -> memref<640x128xf32, #tpu.memory_space<hbm>>
      %dma_wait3A_598 = arith.constant 0 : i32
      %dma_wait3A_599 = tpu.memref_slice %arg5[%mul3A_560, %dma_wait3A_598] : memref<10240x128xf32, #tpu.memory_space<vmem_shared>> -> memref<640x128xf32, #tpu.memory_space<vmem_shared>>
      tpu.wait_dma2 semaphore(%run_scoped3A_589 : memref<!tpu.dma_semaphore, #tpu.memory_space<semaphore_mem>>) src(%dma_wait3A_599 : memref<640x128xf32, #tpu.memory_space<vmem_shared>>) dst(%dma_wait3A_597 : memref<640x128xf32, #tpu.memory_space<hbm>>)
      tpu.yield
    }) : () -> ()
    %barrier3A_564 = arith.constant 0 : index
    tpu.barrier barrier_id(%barrier3A_564)
    %run_scoped3A_565 = arith.constant 6 : i32
    "tpu.region"() ({
      %run_scoped3A_589 = tpu.sem_alloc : memref<!tpu.dma_semaphore, #tpu.memory_space<semaphore_mem>>
      %dma_start3A_590 = arith.constant 0 : i32
      %dma_start3A_591 = arith.constant 0 : i32
      %dma_start3A_592 = tpu.memref_slice %arg7[%dma_start3A_590, %dma_start3A_591] : memref<64x128xf32, #tpu.memory_space<vmem>> -> memref<64x128xf32, #tpu.memory_space<vmem>>
      %dma_start3A_593 = arith.constant 0 : i32
      %dma_start3A_594 = tpu.memref_slice %arg8[%run_scoped3A_565, %dma_start3A_593] : memref<8x64xi32, #tpu.memory_space<vmem>> -> memref<1x64xi32, #tpu.memory_space<vmem>>
      %dma_start3A_595 = tpu.memref_squeeze %dma_start3A_594 : memref<1x64xi32, #tpu.memory_space<vmem>> -> memref<64xi32, #tpu.memory_space<vmem>>
      %dma_start3A_596 = arith.constant 0 : i32
      %dma_start3A_597 = arith.constant 0 : i32
      %dma_start3A_598 = tpu.memref_slice %arg5[%dma_start3A_596, %dma_start3A_597] : memref<10240x128xf32, #tpu.memory_space<vmem_shared>> -> memref<10240x128xf32, #tpu.memory_space<vmem_shared>>
      tpu.enqueue_indirect_dma source(%dma_start3A_592 : memref<64x128xf32, #tpu.memory_space<vmem>>) target(%dma_start3A_598 : memref<10240x128xf32, #tpu.memory_space<vmem_shared>>) offsets(%dma_start3A_595 : memref<64xi32, #tpu.memory_space<vmem>>) semaphore(%run_scoped3A_589 : memref<!tpu.dma_semaphore, #tpu.memory_space<semaphore_mem>>)
      %dma_wait3A_599 = arith.constant 0 : i32
      %dma_wait3A_600 = arith.constant 0 : i32
      %dma_wait3A_601 = tpu.memref_slice %arg7[%dma_wait3A_599, %dma_wait3A_600] : memref<64x128xf32, #tpu.memory_space<vmem>> -> memref<64x128xf32, #tpu.memory_space<vmem>>
      %dma_wait3A_602 = arith.constant 0 : i32
      %dma_wait3A_603 = tpu.memref_slice %arg8[%run_scoped3A_565, %dma_wait3A_602] : memref<8x64xi32, #tpu.memory_space<vmem>> -> memref<1x64xi32, #tpu.memory_space<vmem>>
      %dma_wait3A_604 = tpu.memref_squeeze %dma_wait3A_603 : memref<1x64xi32, #tpu.memory_space<vmem>> -> memref<64xi32, #tpu.memory_space<vmem>>
      %dma_wait3A_605 = arith.constant 0 : i32
      %dma_wait3A_606 = arith.constant 0 : i32
      %dma_wait3A_607 = tpu.memref_slice %arg5[%dma_wait3A_605, %dma_wait3A_606] : memref<10240x128xf32, #tpu.memory_space<vmem_shared>> -> memref<10240x128xf32, #tpu.memory_space<vmem_shared>>
      tpu.wait_indirect_dma semaphore(%run_scoped3A_589 : memref<!tpu.dma_semaphore, #tpu.memory_space<semaphore_mem>>) src(%dma_wait3A_601 : memref<64x128xf32, #tpu.memory_space<vmem>>) dst(%dma_wait3A_607 : memref<10240x128xf32, #tpu.memory_space<vmem_shared>>)
      tpu.yield
    }) : () -> ()
    %barrier3A_566 = arith.constant 0 : index
    tpu.barrier barrier_id(%barrier3A_566)
    %dma_wait3A_567 = arith.constant 7 : i32
    %dma_wait3A_568 = arith.constant 1 : i32
    %dma_wait3A_569 = arith.constant 0 : i32
    %dma_wait3A_570 = arith.constant 0 : i32
    %dma_wait3A_571 = tpu.memref_slice %arg6[%dma_wait3A_568, %dma_wait3A_569, %dma_wait3A_570] : memref<2x64x128xf32, #tpu.memory_space<vmem>> -> memref<1x64x128xf32, #tpu.memory_space<vmem>>
    %dma_wait3A_572 = tpu.memref_squeeze %dma_wait3A_571 : memref<1x64x128xf32, #tpu.memory_space<vmem>> -> memref<64x128xf32, #tpu.memory_space<vmem>>
    %dma_wait3A_573 = tpu.memref_slice %arg2[%dma_wait3A_567, %mul3A_139, %mul3A_141] : memref<8x1024x256xf32, #tpu.memory_space<hbm>> -> memref<1x64x128xf32, #tpu.memory_space<hbm>>
    %dma_wait3A_574 = tpu.memref_squeeze %dma_wait3A_573 : memref<1x64x128xf32, #tpu.memory_space<hbm>> -> memref<64x128xf32, #tpu.memory_space<hbm>>
    %dma_wait3A_575 = arith.constant 0 : i32
    %dma_wait3A_576 = arith.constant 0 : i32
    %dma_wait3A_577 = tpu.memref_slice %arg6[%dma_wait3A_568, %dma_wait3A_575, %dma_wait3A_576] : memref<2x64x128xf32, #tpu.memory_space<vmem>> -> memref<1x64x128xf32, #tpu.memory_space<vmem>>
    %dma_wait3A_578 = tpu.memref_squeeze %dma_wait3A_577 : memref<1x64x128xf32, #tpu.memory_space<vmem>> -> memref<64x128xf32, #tpu.memory_space<vmem>>
    %dma_wait3A_579 = tpu.memref_slice %arg2[%dma_wait3A_567, %mul3A_139, %mul3A_141] : memref<8x1024x256xf32, #tpu.memory_space<hbm>> -> memref<1x64x128xf32, #tpu.memory_space<hbm>>
    %dma_wait3A_580 = tpu.memref_squeeze %dma_wait3A_579 : memref<1x64x128xf32, #tpu.memory_space<hbm>> -> memref<64x128xf32, #tpu.memory_space<hbm>>
    tpu.wait_dma2 semaphore(%arg10 : memref<!tpu.dma_semaphore, #tpu.memory_space<semaphore_mem>>) src(%dma_wait3A_580 : memref<64x128xf32, #tpu.memory_space<hbm>>) dst(%dma_wait3A_578 : memref<64x128xf32, #tpu.memory_space<vmem>>)
    %run_scoped3A_581 = arith.constant 1 : i32
    %run_scoped3A_582 = arith.constant 7 : i32
    "tpu.region"() ({
      %run_scoped3A_589 = tpu.sem_alloc : memref<!tpu.dma_semaphore, #tpu.memory_space<semaphore_mem>>
      %dma_start3A_590 = arith.constant 0 : i32
      %dma_start3A_591 = arith.constant 0 : i32
      %dma_start3A_592 = tpu.memref_slice %arg6[%run_scoped3A_581, %dma_start3A_590, %dma_start3A_591] : memref<2x64x128xf32, #tpu.memory_space<vmem>> -> memref<1x64x128xf32, #tpu.memory_space<vmem>>
      %dma_start3A_593 = tpu.memref_squeeze %dma_start3A_592 : memref<1x64x128xf32, #tpu.memory_space<vmem>> -> memref<64x128xf32, #tpu.memory_space<vmem>>
      %dma_start3A_594 = arith.constant 0 : i32
      %dma_start3A_595 = tpu.memref_slice %arg8[%run_scoped3A_582, %dma_start3A_594] : memref<8x64xi32, #tpu.memory_space<vmem>> -> memref<1x64xi32, #tpu.memory_space<vmem>>
      %dma_start3A_596 = tpu.memref_squeeze %dma_start3A_595 : memref<1x64xi32, #tpu.memory_space<vmem>> -> memref<64xi32, #tpu.memory_space<vmem>>
      %dma_start3A_597 = arith.constant 0 : i32
      %dma_start3A_598 = arith.constant 0 : i32
      %dma_start3A_599 = tpu.memref_slice %arg5[%dma_start3A_597, %dma_start3A_598] : memref<10240x128xf32, #tpu.memory_space<vmem_shared>> -> memref<10240x128xf32, #tpu.memory_space<vmem_shared>>
      tpu.enqueue_indirect_dma source(%dma_start3A_593 : memref<64x128xf32, #tpu.memory_space<vmem>>) target(%dma_start3A_599 : memref<10240x128xf32, #tpu.memory_space<vmem_shared>>) offsets(%dma_start3A_596 : memref<64xi32, #tpu.memory_space<vmem>>) semaphore(%run_scoped3A_589 : memref<!tpu.dma_semaphore, #tpu.memory_space<semaphore_mem>>) {add = true}
      %dma_wait3A_600 = arith.constant 0 : i32
      %dma_wait3A_601 = arith.constant 0 : i32
      %dma_wait3A_602 = tpu.memref_slice %arg6[%run_scoped3A_581, %dma_wait3A_600, %dma_wait3A_601] : memref<2x64x128xf32, #tpu.memory_space<vmem>> -> memref<1x64x128xf32, #tpu.memory_space<vmem>>
      %dma_wait3A_603 = tpu.memref_squeeze %dma_wait3A_602 : memref<1x64x128xf32, #tpu.memory_space<vmem>> -> memref<64x128xf32, #tpu.memory_space<vmem>>
      %dma_wait3A_604 = arith.constant 0 : i32
      %dma_wait3A_605 = tpu.memref_slice %arg8[%run_scoped3A_582, %dma_wait3A_604] : memref<8x64xi32, #tpu.memory_space<vmem>> -> memref<1x64xi32, #tpu.memory_space<vmem>>
      %dma_wait3A_606 = tpu.memref_squeeze %dma_wait3A_605 : memref<1x64xi32, #tpu.memory_space<vmem>> -> memref<64xi32, #tpu.memory_space<vmem>>
      %dma_wait3A_607 = arith.constant 0 : i32
      %dma_wait3A_608 = arith.constant 0 : i32
      %dma_wait3A_609 = tpu.memref_slice %arg5[%dma_wait3A_607, %dma_wait3A_608] : memref<10240x128xf32, #tpu.memory_space<vmem_shared>> -> memref<10240x128xf32, #tpu.memory_space<vmem_shared>>
      tpu.wait_indirect_dma semaphore(%run_scoped3A_589 : memref<!tpu.dma_semaphore, #tpu.memory_space<semaphore_mem>>) src(%dma_wait3A_603 : memref<64x128xf32, #tpu.memory_space<vmem>>) dst(%dma_wait3A_609 : memref<10240x128xf32, #tpu.memory_space<vmem_shared>>)
      tpu.yield
    }) : () -> ()
    %barrier3A_583 = arith.constant 0 : index
    tpu.barrier barrier_id(%barrier3A_583)
    %mul3A_584 = arith.constant 640 : i32
    %mul3A_585 = arith.muli %arg1, %mul3A_584 : i32
    %mul3A_586 = arith.constant 640 : i32
    %mul3A_587 = arith.muli %arg1, %mul3A_586 : i32
    %run_scoped3A_588 = arith.constant 7 : i32
    "tpu.region"() ({
      %run_scoped3A_589 = tpu.sem_alloc : memref<!tpu.dma_semaphore, #tpu.memory_space<semaphore_mem>>
      %dma_start3A_590 = arith.constant 0 : i32
      %dma_start3A_591 = tpu.memref_slice %arg4[%run_scoped3A_588, %arg0, %mul3A_587, %dma_start3A_590] : memref<8x2x10240x128xf32, #tpu.memory_space<hbm>> -> memref<1x1x640x128xf32, #tpu.memory_space<hbm>>
      %dma_start3A_592 = tpu.memref_squeeze %dma_start3A_591 : memref<1x1x640x128xf32, #tpu.memory_space<hbm>> -> memref<640x128xf32, #tpu.memory_space<hbm>>
      %dma_start3A_593 = arith.constant 0 : i32
      %dma_start3A_594 = tpu.memref_slice %arg5[%mul3A_585, %dma_start3A_593] : memref<10240x128xf32, #tpu.memory_space<vmem_shared>> -> memref<640x128xf32, #tpu.memory_space<vmem_shared>>
      tpu.enqueue_dma source(%dma_start3A_594 : memref<640x128xf32, #tpu.memory_space<vmem_shared>>) target(%dma_start3A_592 : memref<640x128xf32, #tpu.memory_space<hbm>>) target_semaphore(%run_scoped3A_589 : memref<!tpu.dma_semaphore, #tpu.memory_space<semaphore_mem>>)
      %dma_wait3A_595 = arith.constant 0 : i32
      %dma_wait3A_596 = tpu.memref_slice %arg4[%run_scoped3A_588, %arg0, %mul3A_587, %dma_wait3A_595] : memref<8x2x10240x128xf32, #tpu.memory_space<hbm>> -> memref<1x1x640x128xf32, #tpu.memory_space<hbm>>
      %dma_wait3A_597 = tpu.memref_squeeze %dma_wait3A_596 : memref<1x1x640x128xf32, #tpu.memory_space<hbm>> -> memref<640x128xf32, #tpu.memory_space<hbm>>
      %dma_wait3A_598 = arith.constant 0 : i32
      %dma_wait3A_599 = tpu.memref_slice %arg5[%mul3A_585, %dma_wait3A_598] : memref<10240x128xf32, #tpu.memory_space<vmem_shared>> -> memref<640x128xf32, #tpu.memory_space<vmem_shared>>
      tpu.wait_dma2 semaphore(%run_scoped3A_589 : memref<!tpu.dma_semaphore, #tpu.memory_space<semaphore_mem>>) src(%dma_wait3A_599 : memref<640x128xf32, #tpu.memory_space<vmem_shared>>) dst(%dma_wait3A_597 : memref<640x128xf32, #tpu.memory_space<hbm>>)
      tpu.yield
    }) : () -> ()
    return
  }
}

module attributes {stable_mosaic.version = 14 : i64} {
  func.func @_head_kernel(%arg0: i32, %arg1: i32, %arg2: memref<1x8x128x1024xf32, #tpu.memory_space<vmem>>, %arg3: memref<1x1024x512xf32, #tpu.memory_space<vmem>>, %arg4: memref<1x128x512xf32, #tpu.memory_space<vmem>>, %arg5: memref<1x128x512xf32, #tpu.memory_space<vmem>>, %arg6: memref<1x1x1024xi32, #tpu.memory_space<vmem>>, %arg7: memref<1536x1xf32, #tpu.memory_space<vmem>>, %arg8: memref<1x1xf32, #tpu.memory_space<vmem>>, %arg9: memref<1x1024x128xf32, #tpu.memory_space<vmem>>, %arg10: memref<1x1x128xf32, #tpu.memory_space<vmem>>, %arg11: memref<1x1x128xf32, #tpu.memory_space<vmem>>, %arg12: memref<1x1x128xf32, #tpu.memory_space<vmem>>, %arg13: memref<1x1xf32, #tpu.memory_space<vmem>>) attributes {dimension_semantics = [#tpu.dimension_semantics<arbitrary>, #tpu.dimension_semantics<arbitrary>], iteration_bounds = array<i64: 8, 2>, scalar_prefetch = 0 : i64, scratch_operands = 0 : i64, tpu.core_type = #tpu.core_type<tc>, window_params = [{transform_indices = @transform_0, window_bounds = array<i64: 1, 8, 128, 1024>}, {transform_indices = @transform_1, window_bounds = array<i64: 1, 1024, 512>}, {transform_indices = @transform_2, window_bounds = array<i64: 1, 128, 512>}, {transform_indices = @transform_3, window_bounds = array<i64: 1, 128, 512>}, {transform_indices = @transform_4, window_bounds = array<i64: 1, 1, 1024>}, {pipeline_mode = #tpu.pipeline_mode<synchronous>, transform_indices = @transform_5, window_bounds = array<i64: 1536, 1>}, {pipeline_mode = #tpu.pipeline_mode<synchronous>, transform_indices = @transform_6, window_bounds = array<i64: 1, 1>}, {transform_indices = @transform_7, window_bounds = array<i64: 1, 1024, 128>}, {transform_indices = @transform_8, window_bounds = array<i64: 1, 1, 128>}, {transform_indices = @transform_9, window_bounds = array<i64: 1, 1, 128>}, {transform_indices = @transform_10, window_bounds = array<i64: 1, 1, 128>}, {pipeline_mode = #tpu.pipeline_mode<synchronous>, transform_indices = @transform_11, window_bounds = array<i64: 1, 1>}]} {
    %get3A = arith.constant 0 : index
    %get3A_0 = arith.constant 0 : index
    %get3A_1 = arith.constant 0 : index
    %get3A_2 = arith.constant 0 : index
    %get3A_3 = vector.load %arg2[%get3A, %get3A_0, %get3A_1, %get3A_2] : memref<1x8x128x1024xf32, #tpu.memory_space<vmem>>, vector<1x8x128x1024xf32>
    %get3A_4 = vector.shape_cast %get3A_3 : vector<1x8x128x1024xf32> to vector<8x128x1024xf32>
    %reduce_sum3A = arith.constant dense<0.000000e+00> : vector<128x1024xf32>
    %reduce_sum3A_5 = vector.multi_reduction <add>, %get3A_4, %reduce_sum3A [0] : vector<8x128x1024xf32> to vector<128x1024xf32>
    %div3A = arith.constant 8.000000e+00 : f32
    %div3A_6 = vector.broadcast %div3A : f32 to vector<128x1024xf32>
    %div3A_7 = arith.divf %reduce_sum3A_5, %div3A_6 : vector<128x1024xf32>
    %transpose3A = tpu.transpose %div3A_7, [1, 0] : vector<128x1024xf32> -> vector<1024x128xf32>
    %swap3A = arith.constant 0 : index
    %swap3A_8 = arith.constant 0 : index
    %swap3A_9 = arith.constant 0 : index
    %swap3A_10 = vector.load %arg9[%swap3A, %swap3A_8, %swap3A_9] : memref<1x1024x128xf32, #tpu.memory_space<vmem>>, vector<1x1024x128xf32>
    %swap3A_11 = vector.shape_cast %swap3A_10 : vector<1x1024x128xf32> to vector<1024x128xf32>
    %swap3A_12 = vector.shape_cast %transpose3A : vector<1024x128xf32> to vector<1x1024x128xf32>
    tpu.vector_store %arg9[%swap3A, %swap3A_8, %swap3A_9], %swap3A_12 {strides = array<i32>} : memref<1x1024x128xf32, #tpu.memory_space<vmem>>, vector<1x1024x128xf32>,
    %get3A_13 = arith.constant 0 : index
    %get3A_14 = arith.constant 0 : index
    %get3A_15 = arith.constant 0 : index
    %get3A_16 = vector.load %arg3[%get3A_13, %get3A_14, %get3A_15] : memref<1x1024x512xf32, #tpu.memory_space<vmem>>, vector<1x1024x512xf32>
    %get3A_17 = vector.shape_cast %get3A_16 : vector<1x1024x512xf32> to vector<1024x512xf32>
    %dot_general3A = arith.constant dense<0.000000e+00> : vector<128x512xf32>
    %dot_general3A_18 = tpu.matmul %div3A_7, %get3A_17, %dot_general3A {dimension_numbers = #tpu.dot_dimension_numbers<[1], [0], [0], [1], [0, 0, 1, 1], [], []>, transpose_lhs_hint = false} : vector<128x1024xf32>, vector<1024x512xf32>, vector<128x512xf32> -> vector<128x512xf32>
    %get3A_19 = arith.constant 0 : index
    %get3A_20 = arith.constant 0 : index
    %get3A_21 = arith.constant 0 : index
    %get3A_22 = vector.load %arg4[%get3A_19, %get3A_20, %get3A_21] : memref<1x128x512xf32, #tpu.memory_space<vmem>>, vector<1x128x512xf32>
    %get3A_23 = vector.shape_cast %get3A_22 : vector<1x128x512xf32> to vector<128x512xf32>
    %get3A_24 = arith.constant 0 : index
    %get3A_25 = arith.constant 0 : index
    %get3A_26 = arith.constant 0 : index
    %get3A_27 = vector.load %arg5[%get3A_24, %get3A_25, %get3A_26] : memref<1x128x512xf32, #tpu.memory_space<vmem>>, vector<1x128x512xf32>
    %get3A_28 = vector.shape_cast %get3A_27 : vector<1x128x512xf32> to vector<128x512xf32>
    %concatenate3A = tpu.concatenate %dot_general3A_18, %get3A_23, %get3A_28 in 1 : vector<128x512xf32>, vector<128x512xf32>, vector<128x512xf32> -> vector<128x1536xf32>
    %get3A_29 = arith.constant 0 : index
    %get3A_30 = arith.constant 0 : index
    %get3A_31 = vector.load %arg7[%get3A_29, %get3A_30] : memref<1536x1xf32, #tpu.memory_space<vmem>>, vector<1536x1xf32>
    %dot_general3A_32 = arith.constant dense<0.000000e+00> : vector<128x1xf32>
    %dot_general3A_33 = tpu.matmul %concatenate3A, %get3A_31, %dot_general3A_32 {dimension_numbers = #tpu.dot_dimension_numbers<[1], [0], [0], [1], [0, 0, 1, 1], [], []>, transpose_lhs_hint = false} : vector<128x1536xf32>, vector<1536x1xf32>, vector<128x1xf32> -> vector<128x1xf32>
    %get3A_34 = arith.constant 0 : index
    %get3A_35 = arith.constant 0 : index
    %get3A_36 = vector.load %arg8[%get3A_34, %get3A_35] : memref<1x1xf32, #tpu.memory_space<vmem>>, vector<1x1xf32>
    %get3A_37 = vector.extract %get3A_36[0, 0] : f32 from vector<1x1xf32>
    %add3A = vector.broadcast %get3A_37 : f32 to vector<128x1xf32>
    %add3A_38 = arith.addf %dot_general3A_33, %add3A : vector<128x1xf32>
    %logistic3A = arith.negf %add3A_38 : vector<128x1xf32>
    %logistic3A_39 = math.exp %logistic3A : vector<128x1xf32>
    %logistic3A_40 = arith.constant 1.000000e+00 : f32
    %logistic3A_41 = vector.broadcast %logistic3A_40 : f32 to vector<128x1xf32>
    %logistic3A_42 = arith.addf %logistic3A_41, %logistic3A_39 : vector<128x1xf32>
    %logistic3A_43 = arith.divf %logistic3A_41, %logistic3A_42 : vector<128x1xf32>
    %reshape3A = vector.shape_cast %logistic3A_43 : vector<128x1xf32> to vector<1x1x128xf32>
    %swap3A_44 = arith.constant 0 : index
    %swap3A_45 = arith.constant 0 : index
    %swap3A_46 = arith.constant 0 : index
    %swap3A_47 = vector.load %arg10[%swap3A_44, %swap3A_45, %swap3A_46] : memref<1x1x128xf32, #tpu.memory_space<vmem>>, vector<1x1x128xf32>
    tpu.vector_store %arg10[%swap3A_44, %swap3A_45, %swap3A_46], %reshape3A {strides = array<i32>} : memref<1x1x128xf32, #tpu.memory_space<vmem>>, vector<1x1x128xf32>,
    %get3A_48 = arith.constant 0 : index
    %get3A_49 = arith.constant 0 : index
    %get3A_50 = arith.constant 0 : index
    %get3A_51 = vector.load %arg6[%get3A_48, %get3A_49, %get3A_50] : memref<1x1x1024xi32, #tpu.memory_space<vmem>>, vector<1x1x1024xi32>
    %get3A_52 = vector.shape_cast %get3A_51 : vector<1x1x1024xi32> to vector<1x1024xi32>
    %reshape3A_53 = vector.shape_cast %get3A_52 : vector<1x1024xi32> to vector<1024x1xi32>
    %eq3A = vector.broadcast %reshape3A_53 : vector<1024x1xi32> to vector<1024x1024xi32>
    %eq3A_54 = vector.broadcast %get3A_52 : vector<1x1024xi32> to vector<1024x1024xi32>
    %eq3A_55 = arith.cmpi eq, %eq3A, %eq3A_54 : vector<1024x1024xi32>
    %convert_element_type3A = arith.extui %eq3A_55 : vector<1024x1024xi1> to vector<1024x1024xi32>
    %convert_element_type3A_56 = arith.sitofp %convert_element_type3A : vector<1024x1024xi32> to vector<1024x1024xf32>
    %dot_general3A_57 = arith.constant dense<0.000000e+00> : vector<128x1024xf32>
    %dot_general3A_58 = tpu.matmul %div3A_7, %convert_element_type3A_56, %dot_general3A_57 {dimension_numbers = #tpu.dot_dimension_numbers<[1], [0], [0], [1], [0, 0, 1, 1], [], []>, transpose_lhs_hint = false} : vector<128x1024xf32>, vector<1024x1024xf32>, vector<128x1024xf32> -> vector<128x1024xf32>
    %reduce_sum3A_59 = arith.constant dense<0.000000e+00> : vector<1024xf32>
    %reduce_sum3A_60 = vector.multi_reduction <add>, %convert_element_type3A_56, %reduce_sum3A_59 [0] : vector<1024x1024xf32> to vector<1024xf32>
    %broadcast_in_dim3A = vector.shape_cast %reduce_sum3A_60 : vector<1024xf32> to vector<1x1024xf32>
    %div3A_61 = arith.constant 1.000000e+00 : f32
    %div3A_62 = vector.broadcast %div3A_61 : f32 to vector<1x1024xf32>
    %div3A_63 = arith.divf %div3A_62, %broadcast_in_dim3A : vector<1x1024xf32>
    %reduce_sum3A_64 = vector.shape_cast %div3A_63 : vector<1x1024xf32> to vector<1x1x1024xf32>
    %reduce_sum3A_65 = arith.constant dense<0.000000e+00> : vector<1xf32>
    %reduce_sum3A_66 = vector.multi_reduction <add>, %reduce_sum3A_64, %reduce_sum3A_65 [1, 2] : vector<1x1x1024xf32> to vector<1xf32>
    %reduce_sum3A_67 = vector.shape_cast %reduce_sum3A_66 : vector<1xf32> to vector<1x1x1xf32>
    %reduce_sum3A_68 = vector.extract %reduce_sum3A_67[0, 0, 0] : f32 from vector<1x1x1xf32>
    %reduce_max3A = arith.constant dense<0xFF800000> : vector<128xf32>
    %reduce_max3A_69 = vector.multi_reduction <maximumf>, %dot_general3A_58, %reduce_max3A [1] : vector<128x1024xf32> to vector<128xf32>
    %broadcast_in_dim3A_70 = vector.shape_cast %reduce_max3A_69 : vector<128xf32> to vector<128x1xf32>
    %sub3A = vector.broadcast %broadcast_in_dim3A_70 : vector<128x1xf32> to vector<128x1024xf32>
    %sub3A_71 = arith.subf %dot_general3A_58, %sub3A : vector<128x1024xf32>
    %exp3A = math.exp %sub3A_71 : vector<128x1024xf32>
    %mul3A = vector.broadcast %div3A_63 : vector<1x1024xf32> to vector<128x1024xf32>
    %mul3A_72 = arith.mulf %exp3A, %mul3A : vector<128x1024xf32>
    %reduce_sum3A_73 = arith.constant dense<0.000000e+00> : vector<128xf32>
    %reduce_sum3A_74 = vector.multi_reduction <add>, %mul3A_72, %reduce_sum3A_73 [1] : vector<128x1024xf32> to vector<128xf32>
    %broadcast_in_dim3A_75 = vector.shape_cast %reduce_sum3A_74 : vector<128xf32> to vector<128x1xf32>
    %sub3A_76 = arith.constant 1.000000e+04 : f32
    %sub3A_77 = arith.subf %sub3A_76, %reduce_sum3A_68 : f32
    %neg3A = arith.constant 0.000000e+00 : f32
    %neg3A_78 = vector.broadcast %neg3A : f32 to vector<128x1xf32>
    %neg3A_79 = arith.subf %neg3A_78, %broadcast_in_dim3A_70 : vector<128x1xf32>
    %exp3A_80 = math.exp %neg3A_79 : vector<128x1xf32>
    %mul3A_81 = vector.broadcast %sub3A_77 : f32 to vector<128x1xf32>
    %mul3A_82 = arith.mulf %mul3A_81, %exp3A_80 : vector<128x1xf32>
    %add3A_83 = arith.addf %broadcast_in_dim3A_75, %mul3A_82 : vector<128x1xf32>
    %reshape3A_84 = vector.shape_cast %broadcast_in_dim3A_70 : vector<128x1xf32> to vector<1x1x128xf32>
    %swap3A_85 = arith.constant 0 : index
    %swap3A_86 = arith.constant 0 : index
    %swap3A_87 = arith.constant 0 : index
    %swap3A_88 = vector.load %arg11[%swap3A_85, %swap3A_86, %swap3A_87] : memref<1x1x128xf32, #tpu.memory_space<vmem>>, vector<1x1x128xf32>
    tpu.vector_store %arg11[%swap3A_85, %swap3A_86, %swap3A_87], %reshape3A_84 {strides = array<i32>} : memref<1x1x128xf32, #tpu.memory_space<vmem>>, vector<1x1x128xf32>,
    %reshape3A_89 = vector.shape_cast %add3A_83 : vector<128x1xf32> to vector<1x1x128xf32>
    %swap3A_90 = arith.constant 0 : index
    %swap3A_91 = arith.constant 0 : index
    %swap3A_92 = arith.constant 0 : index
    %swap3A_93 = vector.load %arg12[%swap3A_90, %swap3A_91, %swap3A_92] : memref<1x1x128xf32, #tpu.memory_space<vmem>>, vector<1x1x128xf32>
    tpu.vector_store %arg12[%swap3A_90, %swap3A_91, %swap3A_92], %reshape3A_89 {strides = array<i32>} : memref<1x1x128xf32, #tpu.memory_space<vmem>>, vector<1x1x128xf32>,
    %sub3A_94 = arith.constant 5.000000e-01 : f32
    %sub3A_95 = vector.broadcast %sub3A_94 : f32 to vector<128x1xf32>
    %sub3A_96 = arith.subf %logistic3A_43, %sub3A_95 : vector<128x1xf32>
    %abs3A = math.absf %sub3A_96 : vector<128x1xf32>
    %sub3A_97 = arith.constant 4.500000e-01 : f32
    %sub3A_98 = vector.broadcast %sub3A_97 : f32 to vector<128x1xf32>
    %sub3A_99 = arith.subf %abs3A, %sub3A_98 : vector<128x1xf32>
    %max3A = arith.constant 0.000000e+00 : f32
    %max3A_100 = vector.broadcast %max3A : f32 to vector<128x1xf32>
    %max3A_101 = arith.maximumf %sub3A_99, %max3A_100 : vector<128x1xf32>
    %mul3A_102 = arith.constant 1.000000e+01 : f32
    %mul3A_103 = vector.broadcast %mul3A_102 : f32 to vector<128x1xf32>
    %mul3A_104 = arith.mulf %mul3A_103, %max3A_101 : vector<128x1xf32>
    %reduce_sum3A_105 = vector.shape_cast %mul3A_104 : vector<128x1xf32> to vector<1x128x1xf32>
    %reduce_sum3A_106 = arith.constant dense<0.000000e+00> : vector<1xf32>
    %reduce_sum3A_107 = vector.multi_reduction <add>, %reduce_sum3A_105, %reduce_sum3A_106 [1, 2] : vector<1x128x1xf32> to vector<1xf32>
    %reduce_sum3A_108 = vector.shape_cast %reduce_sum3A_107 : vector<1xf32> to vector<1x1x1xf32>
    %reduce_sum3A_109 = vector.extract %reduce_sum3A_108[0, 0, 0] : f32 from vector<1x1x1xf32>
    %eq3A_110 = arith.constant 0 : i32
    %eq3A_111 = arith.cmpi eq, %arg0, %eq3A_110 : i32
    %eq3A_112 = arith.constant 0 : i32
    %eq3A_113 = arith.cmpi eq, %arg1, %eq3A_112 : i32
    %and3A = arith.andi %eq3A_111, %eq3A_113 : i1
    %convert_element_type3A_114 = arith.extui %and3A : i1 to i32
    %cond3A = arith.constant 0 : i32
    %cond3A_115 = arith.cmpi ne, %convert_element_type3A_114, %cond3A : i32
    scf.if %cond3A_115 {
      %broadcast_in_dim3A_127 = arith.constant 0.000000e+00 : f32
      %broadcast_in_dim3A_128 = vector.broadcast %broadcast_in_dim3A_127 : f32 to vector<1x1xf32>
      %swap3A_129 = arith.constant 0 : index
      %swap3A_130 = arith.constant 0 : index
      %swap3A_131 = vector.load %arg13[%swap3A_129, %swap3A_130] : memref<1x1xf32, #tpu.memory_space<vmem>>, vector<1x1xf32>
      tpu.vector_store %arg13[%swap3A_129, %swap3A_130], %broadcast_in_dim3A_128 {strides = array<i32>} : memref<1x1xf32, #tpu.memory_space<vmem>>, vector<1x1xf32>,
    } else {
    }
    %get3A_116 = arith.constant 0 : index
    %get3A_117 = arith.constant 0 : index
    %get3A_118 = vector.load %arg13[%get3A_116, %get3A_117] : memref<1x1xf32, #tpu.memory_space<vmem>>, vector<1x1xf32>
    %reshape3A_119 = vector.broadcast %reduce_sum3A_109 : f32 to vector<1x1xf32>
    %div3A_120 = arith.constant 2.048000e+03 : f32
    %div3A_121 = vector.broadcast %div3A_120 : f32 to vector<1x1xf32>
    %div3A_122 = arith.divf %reshape3A_119, %div3A_121 : vector<1x1xf32>
    %add3A_123 = arith.addf %get3A_118, %div3A_122 : vector<1x1xf32>
    %swap3A_124 = arith.constant 0 : index
    %swap3A_125 = arith.constant 0 : index
    %swap3A_126 = vector.load %arg13[%swap3A_124, %swap3A_125] : memref<1x1xf32, #tpu.memory_space<vmem>>, vector<1x1xf32>
    tpu.vector_store %arg13[%swap3A_124, %swap3A_125], %add3A_123 {strides = array<i32>} : memref<1x1xf32, #tpu.memory_space<vmem>>, vector<1x1xf32>,
    return
  }
  func.func @transform_0(%arg0: i32, %arg1: i32) -> (i32, i32, i32, i32) {
    %c0_i32 = arith.constant 0 : i32
    %c0_i32_0 = arith.constant 0 : i32
    %c0_i32_1 = arith.constant 0 : i32
    return %arg0, %c0_i32, %arg1, %c0_i32_0 : i32, i32, i32, i32
  }
  func.func @transform_1(%arg0: i32, %arg1: i32) -> (i32, i32, i32) {
    %c0_i32 = arith.constant 0 : i32
    %c0_i32_0 = arith.constant 0 : i32
    %c0_i32_1 = arith.constant 0 : i32
    return %arg0, %c0_i32, %c0_i32_0 : i32, i32, i32
  }
  func.func @transform_2(%arg0: i32, %arg1: i32) -> (i32, i32, i32) {
    %c0_i32 = arith.constant 0 : i32
    %c0_i32_0 = arith.constant 0 : i32
    return %arg0, %arg1, %c0_i32 : i32, i32, i32
  }
  func.func @transform_3(%arg0: i32, %arg1: i32) -> (i32, i32, i32) {
    %c0_i32 = arith.constant 0 : i32
    %c0_i32_0 = arith.constant 0 : i32
    return %arg0, %arg1, %c0_i32 : i32, i32, i32
  }
  func.func @transform_4(%arg0: i32, %arg1: i32) -> (i32, i32, i32) {
    %c0_i32 = arith.constant 0 : i32
    %c0_i32_0 = arith.constant 0 : i32
    %c0_i32_1 = arith.constant 0 : i32
    return %arg0, %c0_i32, %c0_i32_0 : i32, i32, i32
  }
  func.func @transform_5(%arg0: i32, %arg1: i32) -> (i32, i32) {
    %c0_i32 = arith.constant 0 : i32
    %c0_i32_0 = arith.constant 0 : i32
    %c0_i32_1 = arith.constant 0 : i32
    return %c0_i32, %c0_i32_0 : i32, i32
  }
  func.func @transform_6(%arg0: i32, %arg1: i32) -> (i32, i32) {
    %c0_i32 = arith.constant 0 : i32
    %c0_i32_0 = arith.constant 0 : i32
    %c0_i32_1 = arith.constant 0 : i32
    return %c0_i32, %c0_i32_0 : i32, i32
  }
  func.func @transform_7(%arg0: i32, %arg1: i32) -> (i32, i32, i32) {
    %c0_i32 = arith.constant 0 : i32
    %c0_i32_0 = arith.constant 0 : i32
    return %arg0, %c0_i32, %arg1 : i32, i32, i32
  }
  func.func @transform_8(%arg0: i32, %arg1: i32) -> (i32, i32, i32) {
    %c0_i32 = arith.constant 0 : i32
    %c0_i32_0 = arith.constant 0 : i32
    return %arg0, %c0_i32, %arg1 : i32, i32, i32
  }
  func.func @transform_9(%arg0: i32, %arg1: i32) -> (i32, i32, i32) {
    %c0_i32 = arith.constant 0 : i32
    %c0_i32_0 = arith.constant 0 : i32
    return %arg0, %c0_i32, %arg1 : i32, i32, i32
  }
  func.func @transform_10(%arg0: i32, %arg1: i32) -> (i32, i32, i32) {
    %c0_i32 = arith.constant 0 : i32
    %c0_i32_0 = arith.constant 0 : i32
    return %arg0, %c0_i32, %arg1 : i32, i32, i32
  }
  func.func @transform_11(%arg0: i32, %arg1: i32) -> (i32, i32) {
    %c0_i32 = arith.constant 0 : i32
    %c0_i32_0 = arith.constant 0 : i32
    %c0_i32_1 = arith.constant 0 : i32
    return %c0_i32, %c0_i32_0 : i32, i32
  }
}

module attributes {stable_mosaic.version = 14 : i64} {
  func.func @_mix_kernel(%arg0: i32, %arg1: i32, %arg2: memref<1x2x2560x128xf32, #tpu.memory_space<vmem>>, %arg3: memref<1x256x2560xf32, #tpu.memory_space<vmem>>, %arg4: memref<1x1x256xf32, #tpu.memory_space<vmem>>, %arg5: memref<1x1x256xf32, #tpu.memory_space<vmem>>, %arg6: memref<1x1x256xf32, #tpu.memory_space<vmem>>, %arg7: memref<1x256x2560xf32, #tpu.memory_space<vmem>>, %arg8: memref<1x256x2560xf32, #tpu.memory_space<vmem>>) attributes {dimension_semantics = [#tpu.dimension_semantics<arbitrary>, #tpu.dimension_semantics<arbitrary>], iteration_bounds = array<i64: 8, 4>, scalar_prefetch = 0 : i64, scratch_operands = 0 : i64, tpu.core_type = #tpu.core_type<tc>, window_params = [{transform_indices = @transform_0, window_bounds = array<i64: 1, 2, 2560, 128>}, {transform_indices = @transform_1, window_bounds = array<i64: 1, 256, 2560>}, {transform_indices = @transform_2, window_bounds = array<i64: 1, 1, 256>}, {transform_indices = @transform_3, window_bounds = array<i64: 1, 1, 256>}, {transform_indices = @transform_4, window_bounds = array<i64: 1, 1, 256>}, {transform_indices = @transform_5, window_bounds = array<i64: 1, 256, 2560>}, {transform_indices = @transform_6, window_bounds = array<i64: 1, 256, 2560>}]} {
    %get3A = arith.constant 0 : index
    %get3A_0 = arith.constant 0 : index
    %get3A_1 = arith.constant 0 : index
    %get3A_2 = vector.load %arg5[%get3A, %get3A_0, %get3A_1] : memref<1x1x256xf32, #tpu.memory_space<vmem>>, vector<1x1x256xf32>
    %get3A_3 = vector.shape_cast %get3A_2 : vector<1x1x256xf32> to vector<256xf32>
    %reshape3A = vector.shape_cast %get3A_3 : vector<256xf32> to vector<256x1xf32>
    %get3A_4 = arith.constant 0 : index
    %get3A_5 = arith.constant 0 : index
    %get3A_6 = arith.constant 0 : index
    %get3A_7 = vector.load %arg6[%get3A_4, %get3A_5, %get3A_6] : memref<1x1x256xf32, #tpu.memory_space<vmem>>, vector<1x1x256xf32>
    %get3A_8 = vector.shape_cast %get3A_7 : vector<1x1x256xf32> to vector<256xf32>
    %reshape3A_9 = vector.shape_cast %get3A_8 : vector<256xf32> to vector<256x1xf32>
    %div3A = arith.constant 1.000000e+00 : f32
    %div3A_10 = vector.broadcast %div3A : f32 to vector<256x1xf32>
    %div3A_11 = arith.divf %div3A_10, %reshape3A_9 : vector<256x1xf32>
    %get3A_12 = arith.constant 0 : index
    %get3A_13 = arith.constant 0 : index
    %get3A_14 = arith.constant 0 : index
    %get3A_15 = vector.load %arg4[%get3A_12, %get3A_13, %get3A_14] : memref<1x1x256xf32, #tpu.memory_space<vmem>>, vector<1x1x256xf32>
    %get3A_16 = vector.shape_cast %get3A_15 : vector<1x1x256xf32> to vector<256xf32>
    %reshape3A_17 = vector.shape_cast %get3A_16 : vector<256xf32> to vector<256x1xf32>
    %get3A_18 = arith.constant 0 : index
    %get3A_19 = arith.constant 0 : index
    %get3A_20 = arith.constant 0 : index
    %get3A_21 = arith.constant 0 : index
    %get3A_22 = vector.load %arg2[%get3A_18, %get3A_19, %get3A_20, %get3A_21] : memref<1x2x2560x128xf32, #tpu.memory_space<vmem>>, vector<1x1x2560x128xf32>
    %get3A_23 = vector.shape_cast %get3A_22 : vector<1x1x2560x128xf32> to vector<2560x128xf32>
    %transpose3A = tpu.transpose %get3A_23, [1, 0] : vector<2560x128xf32> -> vector<128x2560xf32>
    %get3A_24 = arith.constant 0 : index
    %get3A_25 = arith.constant 1 : index
    %get3A_26 = arith.constant 0 : index
    %get3A_27 = arith.constant 0 : index
    %get3A_28 = vector.load %arg2[%get3A_24, %get3A_25, %get3A_26, %get3A_27] : memref<1x2x2560x128xf32, #tpu.memory_space<vmem>>, vector<1x1x2560x128xf32>
    %get3A_29 = vector.shape_cast %get3A_28 : vector<1x1x2560x128xf32> to vector<2560x128xf32>
    %transpose3A_30 = tpu.transpose %get3A_29, [1, 0] : vector<2560x128xf32> -> vector<128x2560xf32>
    %concatenate3A = tpu.concatenate %transpose3A, %transpose3A_30 in 0 : vector<128x2560xf32>, vector<128x2560xf32> -> vector<256x2560xf32>
    %sub3A = vector.broadcast %reshape3A : vector<256x1xf32> to vector<256x2560xf32>
    %sub3A_31 = arith.subf %concatenate3A, %sub3A : vector<256x2560xf32>
    %exp3A = math.exp %sub3A_31 : vector<256x2560xf32>
    %mul3A = vector.broadcast %div3A_11 : vector<256x1xf32> to vector<256x2560xf32>
    %mul3A_32 = arith.mulf %exp3A, %mul3A : vector<256x2560xf32>
    %swap3A = arith.constant 0 : index
    %swap3A_33 = arith.constant 0 : index
    %swap3A_34 = arith.constant 0 : index
    %swap3A_35 = vector.load %arg7[%swap3A, %swap3A_33, %swap3A_34] : memref<1x256x2560xf32, #tpu.memory_space<vmem>>, vector<1x256x2560xf32>
    %swap3A_36 = vector.shape_cast %swap3A_35 : vector<1x256x2560xf32> to vector<256x2560xf32>
    %swap3A_37 = vector.shape_cast %mul3A_32 : vector<256x2560xf32> to vector<1x256x2560xf32>
    tpu.vector_store %arg7[%swap3A, %swap3A_33, %swap3A_34], %swap3A_37 {strides = array<i32>} : memref<1x256x2560xf32, #tpu.memory_space<vmem>>, vector<1x256x2560xf32>,
    %get3A_38 = arith.constant 0 : index
    %get3A_39 = arith.constant 0 : index
    %get3A_40 = arith.constant 0 : index
    %get3A_41 = vector.load %arg3[%get3A_38, %get3A_39, %get3A_40] : memref<1x256x2560xf32, #tpu.memory_space<vmem>>, vector<1x256x2560xf32>
    %get3A_42 = vector.shape_cast %get3A_41 : vector<1x256x2560xf32> to vector<256x2560xf32>
    %mul3A_43 = vector.broadcast %reshape3A_17 : vector<256x1xf32> to vector<256x2560xf32>
    %mul3A_44 = arith.mulf %mul3A_43, %get3A_42 : vector<256x2560xf32>
    %sub3A_45 = arith.constant 1.000000e+00 : f32
    %sub3A_46 = vector.broadcast %sub3A_45 : f32 to vector<256x1xf32>
    %sub3A_47 = arith.subf %sub3A_46, %reshape3A_17 : vector<256x1xf32>
    %mul3A_48 = vector.broadcast %sub3A_47 : vector<256x1xf32> to vector<256x2560xf32>
    %mul3A_49 = arith.mulf %mul3A_48, %mul3A_32 : vector<256x2560xf32>
    %add3A = arith.addf %mul3A_44, %mul3A_49 : vector<256x2560xf32>
    %swap3A_50 = arith.constant 0 : index
    %swap3A_51 = arith.constant 0 : index
    %swap3A_52 = arith.constant 0 : index
    %swap3A_53 = vector.load %arg8[%swap3A_50, %swap3A_51, %swap3A_52] : memref<1x256x2560xf32, #tpu.memory_space<vmem>>, vector<1x256x2560xf32>
    %swap3A_54 = vector.shape_cast %swap3A_53 : vector<1x256x2560xf32> to vector<256x2560xf32>
    %swap3A_55 = vector.shape_cast %add3A : vector<256x2560xf32> to vector<1x256x2560xf32>
    tpu.vector_store %arg8[%swap3A_50, %swap3A_51, %swap3A_52], %swap3A_55 {strides = array<i32>} : memref<1x256x2560xf32, #tpu.memory_space<vmem>>, vector<1x256x2560xf32>,
    return
  }
  func.func @transform_0(%arg0: i32, %arg1: i32) -> (i32, i32, i32, i32) {
    %c0_i32 = arith.constant 0 : i32
    %c0_i32_0 = arith.constant 0 : i32
    %c0_i32_1 = arith.constant 0 : i32
    return %arg0, %c0_i32, %arg1, %c0_i32_0 : i32, i32, i32, i32
  }
  func.func @transform_1(%arg0: i32, %arg1: i32) -> (i32, i32, i32) {
    %c0_i32 = arith.constant 0 : i32
    %c0_i32_0 = arith.constant 0 : i32
    return %arg0, %c0_i32, %arg1 : i32, i32, i32
  }
  func.func @transform_2(%arg0: i32, %arg1: i32) -> (i32, i32, i32) {
    %c0_i32 = arith.constant 0 : i32
    %c0_i32_0 = arith.constant 0 : i32
    %c0_i32_1 = arith.constant 0 : i32
    return %arg0, %c0_i32, %c0_i32_0 : i32, i32, i32
  }
  func.func @transform_3(%arg0: i32, %arg1: i32) -> (i32, i32, i32) {
    %c0_i32 = arith.constant 0 : i32
    %c0_i32_0 = arith.constant 0 : i32
    %c0_i32_1 = arith.constant 0 : i32
    return %arg0, %c0_i32, %c0_i32_0 : i32, i32, i32
  }
  func.func @transform_4(%arg0: i32, %arg1: i32) -> (i32, i32, i32) {
    %c0_i32 = arith.constant 0 : i32
    %c0_i32_0 = arith.constant 0 : i32
    %c0_i32_1 = arith.constant 0 : i32
    return %arg0, %c0_i32, %c0_i32_0 : i32, i32, i32
  }
  func.func @transform_5(%arg0: i32, %arg1: i32) -> (i32, i32, i32) {
    %c0_i32 = arith.constant 0 : i32
    %c0_i32_0 = arith.constant 0 : i32
    return %arg0, %c0_i32, %arg1 : i32, i32, i32
  }
  func.func @transform_6(%arg0: i32, %arg1: i32) -> (i32, i32, i32) {
    %c0_i32 = arith.constant 0 : i32
    %c0_i32_0 = arith.constant 0 : i32
    return %arg0, %c0_i32, %arg1 : i32, i32, i32
  }
}

</mosaic_0001>

<sc_bundles>
// kernel: kernel.5.cloned.1.call-start
scs
__scs_entry_jumppad:
0x0: {  	(pc) =	sbr.rel $0x88, $3  }
0x1: {  	(tag) =	ssettag $0x0;
	lr =	simm.s32 $0x1  }
0x2: {  	[smem:$0x3F99] =	sst lr;
	_ =	strace $0xD0000000  }
0x3: {  	_ = 	snop  }
0x4: {  	_ = 	snop  }
0x5: {  	_ = 	snop  }
0x6: {  	_ = 	snop  }
0x7: {  	_ = 	snop  }
__scs_overlays_trampoline_lowered:
0x8: {  	[smem:$0x3FA8] =	sst s0  }
0x9: {  	[smem:$0x3FA9] =	sst s1  }
0xa: {  	[smem:$0x3FAA] =	sst s2  }
0xb: {  	[smem:$0x3FAB] =	sst s3  }
0xc: {  	[smem:$0x3FAC] =	sst s4  }
0xd: {  	[smem:$0x3FAD] =	sst s5  }
0xe: {  	[smem:$0x3FAE] =	sst s6  }
0xf: {  	[smem:$0x3FAF] =	sst s7  }
0x10: {  	[smem:$0x3FB0] =	sst s8  }
0x11: {  	[smem:$0x3FB1] =	sst s9;
	s0 =	simm.s32 @!p0 $0x0  }
0x12: {  	s1 =	sld [smem:$0x3F97];
	s0 =	simm.s32 @p0 $0x1  }
0x13: {  	[smem:$0x3FB2] =	sst s0;
	s0 =	simm.s32 @!p1 $0x0  }
0x14: {  	s2 =	sld [smem:$0x3F96];
	s0 =	simm.s32 @p1 $0x1  }
0x15: {  	[smem:$0x3FB3] =	sst s0;
	s0 =	simm.s32 @!p2 $0x0  }
0x16: {  	s3 =	sld [smem:$0x3FDB];
	s0 =	simm.s32 @p2 $0x1  }
0x17: {  	s4 =	simm.s32 $0x1BF5;
	[smem:$0x3FB5] =	sst s0  }
0x18: {  	s0 =	sld [smem:$0x3F98];
	_ =	swait.ge [sflag:s4], $0x0  }
0x19: {  	s7 =	sld [smem:$0x3F99]  }
0x1a: {  	s8 =	sadd.s32 $0xFFFFE003, lr  }
0x1b: {  	s9 =	sadd.s32 $0xFFFFFEF7, lr;
	s5 =	simm.s32 $0xFFFFFFFF;
	p2 =	slt.u32 s8, $0xFFFFF086  }
0x1c: {  	p1 =	slt.u32 s9, $0xF7A;
	s5 =	simm.s32 @!p2 $0x0  }
0x1d: {  	s5 =	simm.s32 @p1 $0x1;
	p0 =	seq.s32 s7, s2  }
0x1e: {  	s7 =	smul.u32 @!p0 $0xF7A, s2;
	p2 =	seq.s32 @!p0 s5, $0x0  }
0x1f: {  	s9 =	smul.u32 $0xF7A, s1;
	s8 =	simm.s32 @!p0 $0x1BF5;
	p2 =	por !p2, p0  }
0x20: {  	[sflag:s8] =	ssyncset.s32 @!p0 $0xFFFFF086;
	s6 =	sadd.s32 @!p0 s3, s7;
	s7 =	simm.s32 @!p0 $0x108  }
0x21: {  	s3 =	sadd.s32 s3, s9;
	s6 =	sadd.s32 @!p0 $0x88, s6;
	s7 =	simm.s32 @p2 $0x1082  }
0x22: {  	[simem:s7], [sflag:s8] =	dma.local @!p0 [hbm:s6], $0xF7A  }
0x23: {  	s9 =	sor.u32 $0xD0000000, s2;
	s6 =	simm.s32 $0x108;
	_ =	swait.ge @!p0 [sflag:s8], $0x0  }
0x24: {  	s3 =	sadd.s32 $0x88, s3;
	s6 =	simm.s32 @!p1 $0x1082;
	[sflag:s4] =	ssyncset.s32 $0xFFFFF086  }
0x25: {  	[simem:s6], [sflag:s4] =	dma.local [hbm:s3], $0xF7A  }
0x26: {  	[smem:$0x3F99] =	sst s1;
	(tag) =	ssettag s2;
	_ =	strace s9  }
0x27: {  	s1 =	sld [smem:$0x3FA9]  }
0x28: {  	s2 =	sld [smem:$0x3FAA]  }
0x29: {  	s4 =	sld [smem:$0x3FAC]  }
0x2a: {  	p0 =	seq.s32 s5, $0x0;
	s5 =	sld [smem:$0x3FAD]  }
0x2b: {  	s6 =	sld [smem:$0x3FAE]  }
0x2c: {  	s7 =	sld [smem:$0x3FAF]  }
0x2d: {  	s3 =	simm.s32 $0x108;
	s8 =	sld [smem:$0x3FB0]  }
0x2e: {  	s3 =	simm.s32 @!p0 $0x1082;
	s9 =	sld [smem:$0x3FB1]  }
0x2f: {  	lr =	sadd.s32 s0, s3;
	s0 =	sld [smem:$0x3FA8]  }
0x30: {  	s3 =	sld [smem:$0x3FAB]  }
0x31: {  	[smem:$0x3FB4] =	sst s10  }
0x32: {  	s10 =	sld [smem:$0x3FB2];
	_ =	sdelay $0x3  }
0x33: {  	p0 =	seq.s32 s10, $0x1;
	s10 =	sld [smem:$0x3FB4];
	_ =	sdelay $0x3  }
0x34: {  	[smem:$0x3FB4] =	sst s10  }
0x35: {  	s10 =	sld [smem:$0x3FB3];
	_ =	sdelay $0x3  }
0x36: {  	p1 =	seq.s32 s10, $0x1;
	s10 =	sld [smem:$0x3FB4];
	_ =	sdelay $0x3  }
0x37: {  	[smem:$0x3FB4] =	sst s10  }
0x38: {  	s10 =	sld [smem:$0x3FB5]  }
0x39: {  	_ = 	snop;
	(pc) =	sbr.ind lr, $3  }
0x3a: {  	_ = 	snop  }
0x3b: {  	_ = 	snop  }
0x3c: {  	p2 =	seq.s32 s10, $0x1;
	s10 =	sld [smem:$0x3FB4]  }
0x3d: {  	_ =	shalt  }
0x3e: {  	_ =	shalt  }
0x3f: {  	_ =	shalt  }
0x40: {  	_ =	shalt  }
0x41: {  	_ =	shalt  }
0x42: {  	_ =	shalt  }
0x43: {  	_ =	shalt  }
0x44: {  	_ =	shalt  }
0x45: {  	_ =	shalt  }
0x46: {  	_ =	shalt  }
0x47: {  	_ =	shalt  }
0x48: {  	_ =	shalt  }
0x49: {  	_ =	shalt  }
0x4a: {  	_ =	shalt  }
0x4b: {  	_ =	shalt  }
0x4c: {  	_ =	shalt  }
0x4d: {  	_ =	shalt  }
0x4e: {  	_ =	shalt  }
0x4f: {  	_ =	shalt  }
0x50: {  	_ =	shalt  }
0x51: {  	_ =	shalt  }
0x52: {  	_ =	shalt  }
0x53: {  	_ =	shalt  }
0x54: {  	_ =	shalt  }
0x55: {  	_ =	shalt  }
0x56: {  	_ =	shalt  }
0x57: {  	_ =	shalt  }
0x58: {  	_ =	shalt  }
0x59: {  	_ =	shalt  }
0x5a: {  	_ =	shalt  }
0x5b: {  	_ =	shalt  }
0x5c: {  	_ =	shalt  }
0x5d: {  	_ =	shalt  }
0x5e: {  	_ =	shalt  }
0x5f: {  	_ =	shalt  }
0x60: {  	_ =	shalt  }
0x61: {  	_ =	shalt  }
0x62: {  	_ =	shalt  }
0x63: {  	_ =	shalt  }
0x64: {  	_ =	shalt  }
0x65: {  	_ =	shalt  }
0x66: {  	_ =	shalt  }
0x67: {  	_ =	shalt  }
0x68: {  	_ =	shalt  }
0x69: {  	_ =	shalt  }
0x6a: {  	_ =	shalt  }
0x6b: {  	_ =	shalt  }
0x6c: {  	_ =	shalt  }
0x6d: {  	_ =	shalt  }
0x6e: {  	_ =	shalt  }
0x6f: {  	_ =	shalt  }
0x70: {  	_ =	shalt  }
0x71: {  	_ =	shalt  }
0x72: {  	_ =	shalt  }
0x73: {  	_ =	shalt  }
0x74: {  	_ =	shalt  }
0x75: {  	_ =	shalt  }
0x76: {  	_ =	shalt  }
0x77: {  	_ =	shalt  }
0x78: {  	_ =	shalt  }
0x79: {  	_ =	shalt  }
0x7a: {  	_ =	shalt  }
0x7b: {  	_ =	shalt  }
0x7c: {  	_ =	shalt  }
0x7d: {  	_ =	shalt  }
0x7e: {  	_ =	shalt  }
0x7f: {  	_ =	shalt  }
0x80: {  	_ =	shalt  }
0x81: {  	_ =	shalt  }
0x82: {  	_ =	shalt  }
0x83: {  	_ =	shalt  }
0x84: {  	_ =	shalt  }
0x85: {  	_ =	shalt  }
0x86: {  	_ =	shalt  }
0x87: {  	_ =	shalt  }
.Lfunc_end0:
.L_simem_size_0:
called_computation_lowered:
.L_overlay_start_0:
0x88: {  	s2 =	sld [smem:$0x3FD9]  }
0x89: {  	s3 =	sld [smem:$0x3FFE];
	_ =	sdelay $0x1  }
0x8a: {  	s1 =	srdreg.scid  }
0x8b: {  	s0 =	sand.u32 $0x1, s1  }
0x8c: {  	s14 =	sshll.u32 s0, $0xA;
	s2 =	sadd.s32 s3, s2  }
0x8d: {  	s2 =	sadd.s32 s2, s14  }
0x8e: {  	[smem:$0x3FC0] =	sst s2  }
0x8f: {  	_ = 	snop  }
0x90: {  	s2 =	sld [smem:$0x3FD0];
	_ =	sdelay $0x2  }
0x91: {  	s4 =	simm.s32 $0xA;
	s5 =	simm.s32 $0x10;
	s15 =	sld [smem:$0x3FC9]  }
0x92: {  	[smem:s5], [sflag:s4] =	dma.local [hbm:s2], $0x1  }
0x93: {  	_ =	swait.eq [sflag:s4], $0x1  }
0x94: {  	[sflag:s4] =	ssyncset.done $0x0  }
0x95: {  	[sflag:s4] =	ssyncadd.s32 $0xFFFFFFFF  }
0x96: {  	s16 =	sld [smem:$0x11];
	(tm) =	ssettm $0x1  }
0x97: {  	s17 =	sld [smem:$0x3FFB];
	_ =	sdelay $0x3  }
0x98: {  	_ =	strace s17  }
0x99: {  	s4 =	sld [smem:$0x3FFC];
	_ =	sdelay $0x3  }
0x9a: {  	_ =	strace s4  }
0x9b: {  	s4 =	sld [smem:$0x3FFD];
	_ =	sdelay $0x3  }
0x9c: {  	_ =	strace s4  }
0x9d: {  	_ =	strace $0x8FFFFFFF  }
0x9e: {  	s18 =	sld [smem:$0x3FDB];
	_ =	sdelay $0x1  }
0x9f: {  	s19 =	simm.s32 $_scs_section_size  }
0xa0: {  	s6 =	simm.s32 $_size__tile_overlayer_lowered;
	s7 =	simm.s32 $_tile_overlayer_lowered  }
0xa1: {  	s22 =	simm.s32 $0x1BFF;
	s21 =	sshll.u32 s7, $0x1;
	s4 =	sadd.s32 s19, s18  }
0xa2: {  	s8 =	simm.s32 $0x0;
	s20 =	sshll.u32 s6, $0x1;
	s6 =	sadd.s32 s21, s4  }
0xa3: {  	[timem:s8], [sflag:s22] =	dma.local [hbm:s6], s20  }
0xa4: {  	_ =	swait.ge [sflag:s22], s20  }
0xa5: {  	s5 =	ssub.s32 $0x0, s20;
	[sflag:s22] =	ssyncset.done $0x0  }
0xa6: {  	[sflag:s22] =	ssyncadd.s32 s5;
	_ =	sdelay $0x1  }
0xa7: {  	s23 =	simm.s32 $0x1B8B  }
0xa8: {  	_ =	swait.ge [sflag:s23], $0x1  }
0xa9: {  	[sflag:s23] =	ssyncset.done $0x0  }
0xaa: {  	s25 =	simm.s32 $0x1B8E;
	s24 =	sld [smem:$0x3FFE];
	[sflag:s23] =	ssyncadd.s32 $0xFFFFFFFF  }
0xab: {  	s26 =	simm.s32 $execute0_lowered;
	[smem:$0x3FD2] =	sst s25  }
0xac: {  	s6 =	sshll.u32 s26, $0x1;
	_ =	strace $0x80000046;
	[dreg:$0x1] =	wrdreg $0xFFFFFFFF  }
0xad: {  	s28 =	simm.s32 $_size_execute0_lowered;
	s4 =	sadd.s32 s4, s6;
	[dreg:$0x0] =	wrdreg $0x0  }
0xae: {  	s6 =	sshll.u32 s28, $0x1;
	[dreg:$0x2] =	wrdreg s4  }
0xaf: {  	[dreg:$0x3] =	wrdreg s6  }
0xb0: {  	[dreg:$0x4] =	wrdreg $0xC0  }
0xb1: {  	_ =	task [dreg:s8], $0x5FFFF  }
0xb2: {  	[dreg:$0x1] =	wrdreg $0xFFFFFFFF  }
0xb3: {  	[dreg:$0x0] =	wrdreg $0x60  }
0xb4: {  	[dreg:$0x2] =	wrdreg s16  }
0xb5: {  	[dreg:$0x3] =	wrdreg s15  }
0xb6: {  	[dreg:$0x4] =	wrdreg s24  }
0xb7: {  	[dreg:$0x5] =	wrdreg $0x0  }
0xb8: {  	[dreg:$0x6] =	wrdreg $0x9  }
0xb9: {  	_ =	task.clear_ibuf [dreg:s8], $0x7FFFF;
	_ =	strace $0x90000046  }
0xba: {  	s29 =	simm.s32 $0x9;
	_ =	strace $0x80000048  }
0xbb: {  	_ =	swait.ge [sflag:s29], $0x1  }
0xbc: {  	[sflag:s29] =	ssyncadd.s32 $0xFFFFFFFF  }
0xbd: {  	_ =	strace $0x90000048  }
0xbe: {  	_ =	sfence  }
0xbf: {  	s30 =	sld [smem:$0x0];
	_ =	sdelay $0x2  }
0xc0: {  	s31 =	sshll.u32 s1, $0xD;
	s1 =	sshrl.u32 s1, $0x2  }
0xc1: {  	s3 =	sand.u32 $0x4000, s31;
	s1 =	sadd.s32 s1, s30  }
0xc2: {  	s0 =	sor.u32 s3, s0;
	s1 =	sshll.u32 s1, $0x11  }
0xc3: {  	s0 =	sor.u32 s1, s0  }
0xc4: {  	s0 =	sadd.s32 $0x8F2B, s0  }
0xc5: {  	[sflag:s0] =	ssyncadd.remote.s32 $0x1  }
0xc6: {  	_ =	sfence.sel $0xFFFF  }
0xc7: {  	[dreg:$0x0] =	wrdreg $0xFFFFFFFF;
	(pc) =	sbr.abs _section_cstart, $3  }
0xc8: {  	[dreg:$0x1] =	wrdreg $0xFFFFFFFF  }
0xc9: {  	_ =	task.clear_ibuf [dreg:s8], $0x2FFFF;
	_ =	strace $0x9FFFFFFF  }
0xca: {  	(tm) =	ssettm $0x7FFFFFFF  }
0xcb: {  	_ =	shalt  }
tec
execute0_lowered:
.L_overlay_start_1:
0x0: {  	(tag) =	ssettag $0x1  }
0x1: {  	s0 =	rddreg [dreg:$0x0]  }
0x2: {  	s1 =	rddreg [dreg:$0x1]  }
0x3: {  	s4 =	rddreg [dreg:$0x2];
	s3 =	srdreg.scid  }
0x4: {  	s2 =	rddreg [dreg:$0x3];
	s11 =	stileid.u32;
	s28 =	simm.s32 $0x16000  }
0x5: {  	s5 =	sand.u32 $0x1, s3;
	s3 =	simm.s32 $0x0;
	s7 =	smul.u32 $0x14000, s11  }
0x6: {  	s9 =	sshll.u32 s11, $0x6;
	s13 =	sshll.u32 s11, $0x9;
	s22 =	smul.u32 $0x50000, s11  }
0x7: {  	s24 =	sshll.u32 s11, $0xB;
	s6 =	smul.u32 $0x140000, s5;
	[smem:$0x7FF] =	sst s3  }
0x8: {  	s8 =	sor.u32 s9, s13;
	s14 =	sand.u32 $0x40, s9;
	s15 =	ssub.s32 $0x2, s5  }
0x9: {  	s5 =	sshll.u32 s5, $0x7;
	_ =	strace $0x80000047;
	s8 =	sand.u32 $0x1C40, s8  }
0xa: {  	[dreg:$0x5] =	wrdreg s9;
	s6 =	sadd.s32 s7, s6;
	s8 =	sshrl.u32 s8, $0x3  }
0xb: {  	s25 =	sshrl.u32 s22, $0x2;
	s6 =	sshrl.u32 s6, $0x3;
	s10 =	sadd.s32 s1, s8  }
0xc: {  	s4 =	sadd.s32 s6, s4;
	s8 =	sadd.s32 $0x10, s10;
	[dreg:$0x6] =	wrdreg s10  }
0xd: {  	s6 =	sor.u32 s13, s14;
	s18 =	sadd.s32 $0x20, s10;
	[dreg:$0x7] =	wrdreg s8  }
0xe: {  	s19 =	sadd.s32 $0x30, s10;
	s13 =	sadd.s32 s25, s2;
	[dreg:$0x8] =	wrdreg s18  }
0xf: {  	s26 =	sor.u32 s5, s24;
	[dreg:$0x9] =	wrdreg s19;
	s5 =	sadd.s32 $0x4000, s13  }
0x10: {  	s29 =	simm.s32 $0x1;
	s9 =	sadd.s32 $0xF0E00, s4;
	[dreg:$0xf] =	wrdreg s5  }
0x11: {  	s30 =	simm.s32 $0x40;
	s10 =	sadd.s32 $0xE00, s4;
	[dreg:$0x12] =	wrdreg s9  }
0x12: {  	s31 =	simm.s32 $0x2;
	s11 =	sadd.s32 $0x140E00, s4;
	[dreg:$0x13] =	wrdreg s10  }
0x13: {  	s16 =	sshrl.u32 s15, $0x1;
	s12 =	sadd.s32 $0x190E00, s4;
	[dreg:$0x14] =	wrdreg s11  }
0x14: {  	s7 =	ssub.s32 s15, s16;
	s15 =	sadd.s32 $0x1E0E00, s4;
	[dreg:$0x15] =	wrdreg s12  }
0x15: {  	s14 =	sadd.s32 s0, s26;
	s16 =	sadd.s32 $0x230E00, s4;
	[dreg:$0x16] =	wrdreg s15  }
0x16: {  	s0 =	simm.s32 $0x0;
	s18 =	sadd.s32 $0x6000, s13;
	[dreg:$0x17] =	wrdreg s16  }
0x17: {  	s6 =	sshrl.u32 s6, $0x3;
	s19 =	sadd.s32 $0x8000, s13;
	[dreg:$0x19] =	wrdreg s18  }
0x18: {  	s22 =	sadd.s32 $0xE000, s13;
	s24 =	sadd.s32 $0x12000, s13;
	[dreg:$0x1a] =	wrdreg s19  }
0x19: {  	s25 =	sadd.s32 $0x8000, s14;
	s26 =	sadd.s32 $0x10000, s14;
	[dreg:$0x1d] =	wrdreg s22  }
0x1a: {  	s17 =	sor.u32 $0x40, s6;
	s20 =	sor.u32 $0x50, s6;
	[dreg:$0x1f] =	wrdreg s24  }
0x1b: {  	s21 =	sor.u32 $0x60, s6;
	s6 =	sor.u32 $0x70, s6;
	[smem:$0x7FC] =	sst s25  }
0x1c: {  	[smem:$0x7FD] =	sst s26;
	s9 =	sadd.s32 $0x20000, s14;
	s10 =	sadd.s32 $0x30000, s14  }
0x1d: {  	s11 =	sadd.s32 $0x38000, s14;
	s12 =	simm.s32 $0x1A000;
	s15 =	simm.s32 $0x1A080  }
0x1e: {  	s16 =	simm.s32 $0x1A100;
	s18 =	simm.s32 $0x1A200;
	s8 =	sadd.s32 s1, s17  }
0x1f: {  	s19 =	simm.s32 $0x1A280;
	s23 =	sadd.s32 s1, s21;
	[dreg:$0xa] =	wrdreg s8  }
0x20: {  	s22 =	simm.s32 $0x400;
	s17 =	smax.u32 s7, $0x1;
	[dreg:$0xc] =	wrdreg s23  }
0x21: {  	s5 =	simm.s32 $0x14000;
	s21 =	sadd.s32 $0xC000, s13;
	[dreg:$0x18] =	wrdreg s17  }
0x22: {  	s24 =	simm.s32 $0x18000;
	s8 =	sadd.s32 s1, s20;
	[dreg:$0x1c] =	wrdreg s21  }
0x23: {  	s25 =	simm.s32 $0x4;
	s1 =	sadd.s32 s1, s6;
	[dreg:$0xb] =	wrdreg s8  }
0x24: {  	s26 =	simm.s32 $0x3;
	s6 =	sadd.s32 $0x50E00, s4;
	[dreg:$0xd] =	wrdreg s1  }
0x25: {  	s20 =	sadd.s32 $0xA000, s13;
	s23 =	sadd.s32 $0x10000, s13;
	[dreg:$0x10] =	wrdreg s6  }
0x26: {  	s17 =	simm.s32 $0x1A180;
	s21 =	simm.s32 $0x1A380;
	[dreg:$0x1b] =	wrdreg s20  }
0x27: {  	s1 =	sadd.s32 $0x2000, s13;
	s8 =	sadd.s32 $0xA0E00, s4;
	[dreg:$0x1e] =	wrdreg s23  }
0x28: {  	s4 =	sadd.s32 $0x28000, s14;
	s20 =	simm.s32 $0x1A300;
	[dreg:$0xe] =	wrdreg s1  }
0x29: {  	v0 =	vimm.f32 $0.0e+00;
	s23 =	simm.s32 $0x800;
	[dreg:$0x11] =	wrdreg s8;
	s8 =	sadd.s32 $0x18000, s14  }
.LBB2_1:
0x2a: {  	s1 =	rddreg [dreg:$0x6]  }
0x2b: {  	[tilespmem:s12], [sflag:$0x3] =	stream.linear.gather [hbm4b:s1+s3], $0x40, $0x38;
	[tilespmem:$0x1A400] =	vst v63  }
0x2c: {  	s7 =	rddreg [dreg:$0x7]  }
0x2d: {  	[tilespmem:s15], [sflag:$0x3] =	stream.linear.gather [hbm4b:s7+s3], $0x40, $0x38;
	[tilespmem:$0x1A400] =	vst v63  }
0x2e: {  	s6 =	rddreg [dreg:$0x8]  }
0x2f: {  	[tilespmem:s16], [sflag:$0x3] =	stream.linear.gather [hbm4b:s6+s3], $0x40, $0x38;
	[tilespmem:$0x1A400] =	vst v63  }
0x30: {  	s7 =	rddreg [dreg:$0x9]  }
0x31: {  	[tilespmem:s17], [sflag:$0x3] =	stream.linear.gather [hbm4b:s7+s3], $0x40, $0x38;
	[tilespmem:$0x1A400] =	vst v63  }
0x32: {  	s6 =	rddreg [dreg:$0xa]  }
0x33: {  	[tilespmem:s18], [sflag:$0x3] =	stream.linear.gather [hbm4b:s6+s3], $0x40, $0x38;
	[tilespmem:$0x1A400] =	vst v63  }
0x34: {  	s7 =	rddreg [dreg:$0xb]  }
0x35: {  	[tilespmem:s19], [sflag:$0x3] =	stream.linear.gather [hbm4b:s7+s3], $0x40, $0x38;
	[tilespmem:$0x1A400] =	vst v63  }
0x36: {  	s6 =	rddreg [dreg:$0xc]  }
0x37: {  	[tilespmem:s20], [sflag:$0x3] =	stream.linear.gather [hbm4b:s6+s3], $0x40, $0x38;
	[tilespmem:$0x1A400] =	vst v63  }
0x38: {  	s7 =	rddreg [dreg:$0xd]  }
0x39: {  	[tilespmem:s21], [sflag:$0x3] =	stream.linear.gather [hbm4b:s7+s3], $0x40, $0x38;
	[tilespmem:$0x1A400] =	vst v63  }
0x3a: {  	s1 =	simm.s32 $0x0;
	s6 =	simm.s32 $0x200  }
0x3b: {  	[tilespmem:s5], [sflag:$0x1] =	stream.strided.gather [hbm4b:s14+s22], $0x2000, s23, s22, $0x38;
	[tilespmem:$0x1A400] =	vst v63  }
.LBB2_2:
0x3c: {  	p0 =	sne.s32 s6, $0x7E00;
	[tilespmem:s1+$0x18070] =	vst v0  }
0x3d: {  	[tilespmem:s1+$0x18000] =	vst v0  }
0x3e: {  	[tilespmem:s1+$0x18010] =	vst v0  }
.Ltmp0:
0x3f: {  	[tilespmem:s1+$0x18020] =	vst v0;
	(pc) =	sbr.rel @p0 .LBB2_2-.Ltmp0, $4  }
0x40: {  	[tilespmem:s1+$0x18030] =	vst v0  }
0x41: {  	[tilespmem:s1+$0x18040] =	vst v0  }
0x42: {  	[tilespmem:s1+$0x18050] =	vst v0  }
0x43: {  	[tilespmem:s1+$0x18060] =	vst v0;
	s1 =	sshra.s32 s6, $0x2;
	s6 =	sadd.s32 $0x200, s6  }
0x44: {  	[tilespmem:s1+$0x18070] =	vst v0  }
0x45: {  	[tilespmem:s1+$0x18000] =	vst v0  }
0x46: {  	[tilespmem:s1+$0x18010] =	vst v0  }
0x47: {  	[tilespmem:s1+$0x18020] =	vst v0  }
0x48: {  	[tilespmem:s1+$0x18030] =	vst v0  }
0x49: {  	[tilespmem:s1+$0x18040] =	vst v0  }
0x4a: {  	[tilespmem:s1+$0x18050] =	vst v0  }
0x4b: {  	[tilespmem:s1+$0x18060] =	vst v0  }
0x4c: {  	[spmem:s13] =	stream.linear.scatter [tilespmem:s24], [sflag:$0x4], $0x2000, $0x38;
	[tilespmem:$0x1A400] =	vst v63  }
0x4d: {  	_ =	swait.ge [sflag:s25], $0x2000  }
0x4e: {  	[sflag:s25] =	ssyncset.done $0x0  }
0x4f: {  	s6 =	rddreg [dreg:$0xe];
	[sflag:s25] =	ssyncadd.s32 $0xFFFFE000  }
0x50: {  	[spmem:s6] =	stream.linear.scatter [tilespmem:s24], [sflag:$0x4], $0x2000, $0x38;
	[tilespmem:$0x1A400] =	vst v63  }
0x51: {  	_ =	swait.ge [sflag:s25], $0x2000  }
0x52: {  	[sflag:s25] =	ssyncset.done $0x0  }
0x53: {  	s7 =	rddreg [dreg:$0xf];
	[sflag:s25] =	ssyncadd.s32 $0xFFFFE000  }
0x54: {  	[spmem:s7] =	stream.linear.scatter [tilespmem:s24], [sflag:$0x4], $0x2000, $0x38;
	[tilespmem:$0x1A400] =	vst v63  }
0x55: {  	_ =	swait.ge [sflag:s25], $0x2000  }
0x56: {  	[sflag:s25] =	ssyncset.done $0x0  }
0x57: {  	s6 =	rddreg [dreg:$0x19];
	[sflag:s25] =	ssyncadd.s32 $0xFFFFE000  }
0x58: {  	[spmem:s6] =	stream.linear.scatter [tilespmem:s24], [sflag:$0x4], $0x2000, $0x38;
	[tilespmem:$0x1A400] =	vst v63  }
0x59: {  	_ =	swait.ge [sflag:s25], $0x2000  }
0x5a: {  	[sflag:s25] =	ssyncset.done $0x0  }
0x5b: {  	s7 =	rddreg [dreg:$0x1a];
	[sflag:s25] =	ssyncadd.s32 $0xFFFFE000  }
0x5c: {  	[spmem:s7] =	stream.linear.scatter [tilespmem:s24], [sflag:$0x4], $0x2000, $0x38;
	[tilespmem:$0x1A400] =	vst v63  }
0x5d: {  	_ =	swait.ge [sflag:s25], $0x2000  }
0x5e: {  	[sflag:s25] =	ssyncset.done $0x0  }
0x5f: {  	s6 =	rddreg [dreg:$0x1b];
	[sflag:s25] =	ssyncadd.s32 $0xFFFFE000  }
0x60: {  	[spmem:s6] =	stream.linear.scatter [tilespmem:s24], [sflag:$0x4], $0x2000, $0x38;
	[tilespmem:$0x1A400] =	vst v63  }
0x61: {  	_ =	swait.ge [sflag:s25], $0x2000  }
0x62: {  	[sflag:s25] =	ssyncset.done $0x0  }
0x63: {  	s7 =	rddreg [dreg:$0x1c];
	[sflag:s25] =	ssyncadd.s32 $0xFFFFE000  }
0x64: {  	[spmem:s7] =	stream.linear.scatter [tilespmem:s24], [sflag:$0x4], $0x2000, $0x38;
	[tilespmem:$0x1A400] =	vst v63  }
0x65: {  	_ =	swait.ge [sflag:s25], $0x2000  }
0x66: {  	[sflag:s25] =	ssyncset.done $0x0  }
0x67: {  	s6 =	rddreg [dreg:$0x1d];
	[sflag:s25] =	ssyncadd.s32 $0xFFFFE000  }
0x68: {  	[spmem:s6] =	stream.linear.scatter [tilespmem:s24], [sflag:$0x4], $0x2000, $0x38;
	[tilespmem:$0x1A400] =	vst v63  }
0x69: {  	_ =	swait.ge [sflag:s25], $0x2000  }
0x6a: {  	[sflag:s25] =	ssyncset.done $0x0  }
0x6b: {  	s7 =	rddreg [dreg:$0x1e];
	[sflag:s25] =	ssyncadd.s32 $0xFFFFE000  }
0x6c: {  	[spmem:s7] =	stream.linear.scatter [tilespmem:s24], [sflag:$0x4], $0x2000, $0x38;
	[tilespmem:$0x1A400] =	vst v63  }
0x6d: {  	_ =	swait.ge [sflag:s25], $0x2000  }
0x6e: {  	[sflag:s25] =	ssyncset.done $0x0  }
0x6f: {  	s6 =	rddreg [dreg:$0x1f];
	[sflag:s25] =	ssyncadd.s32 $0xFFFFE000  }
0x70: {  	[spmem:s6] =	stream.linear.scatter [tilespmem:s24], [sflag:$0x4], $0x2000, $0x38;
	[tilespmem:$0x1A400] =	vst v63  }
0x71: {  	_ =	swait.ge [sflag:s25], $0x2000  }
0x72: {  	[sflag:s25] =	ssyncset.done $0x0  }
0x73: {  	[sflag:s25] =	ssyncadd.s32 $0xFFFFE000  }
0x74: {  	_ =	swait.ge [sflag:s26], $0x40  }
0x75: {  	[sflag:s26] =	ssyncset.done $0x0  }
0x76: {  	[sflag:s26] =	ssyncadd.s32 $0xFFFFFFC0  }
0x77: {  	_ =	swait.ge [sflag:s26], $0x40  }
0x78: {  	[sflag:s26] =	ssyncset.done $0x0  }
0x79: {  	[sflag:s26] =	ssyncadd.s32 $0xFFFFFFC0  }
0x7a: {  	_ =	swait.ge [sflag:s26], $0x40  }
0x7b: {  	[sflag:s26] =	ssyncset.done $0x0  }
0x7c: {  	[sflag:s26] =	ssyncadd.s32 $0xFFFFFFC0  }
0x7d: {  	_ =	swait.ge [sflag:s26], $0x40  }
0x7e: {  	[sflag:s26] =	ssyncset.done $0x0  }
0x7f: {  	[sflag:s26] =	ssyncadd.s32 $0xFFFFFFC0  }
0x80: {  	_ =	swait.ge [sflag:s26], $0x40  }
0x81: {  	[sflag:s26] =	ssyncset.done $0x0  }
0x82: {  	[sflag:s26] =	ssyncadd.s32 $0xFFFFFFC0  }
0x83: {  	_ =	swait.ge [sflag:s26], $0x40  }
0x84: {  	[sflag:s26] =	ssyncset.done $0x0  }
0x85: {  	[sflag:s26] =	ssyncadd.s32 $0xFFFFFFC0  }
0x86: {  	_ =	swait.ge [sflag:s26], $0x40  }
0x87: {  	[sflag:s26] =	ssyncset.done $0x0  }
0x88: {  	[sflag:s26] =	ssyncadd.s32 $0xFFFFFFC0  }
0x89: {  	_ =	swait.ge [sflag:s26], $0x40  }
0x8a: {  	[sflag:s26] =	ssyncset.done $0x0  }
0x8b: {  	[sflag:s26] =	ssyncadd.s32 $0xFFFFFFC0  }
0x8c: {  	[bflag:$0x0] =	sbarrier.arrive $0xFFFF  }
0x8d: {  	s7 =	sld [smem:$0x7FC];
	_ =	sdelay $0x2  }
0x8e: {  	[tilespmem:s28], [sflag:$0x2] =	stream.strided.gather [hbm4b:s7+s22], $0x2000, s23, s22, $0x38;
	[tilespmem:$0x1A400] =	vst v63  }
0x8f: {  	_ =	swait.ge [sflag:s29], $0x2000  }
0x90: {  	[sflag:s29] =	ssyncset.done $0x0  }
0x91: {  	[sflag:s29] =	ssyncadd.s32 $0xFFFFE000  }
0x92: {  	[spmem:s2] =	stream.indirect.scatter.add.f32 [tilespmem:s5], [sflag:$0x4], $0x80, s12, s30, $0xb8;
	[tilespmem:$0x1A400] =	vst v63  }
0x93: {  	_ =	swait.ge [sflag:s25], $0x2000  }
0x94: {  	[sflag:s25] =	ssyncset.done $0x0  }
0x95: {  	[sflag:s25] =	ssyncadd.s32 $0xFFFFE000  }
0x96: {  	[bflag:$0x0] =	sbarrier.arrive $0xFFFF  }
0x97: {  	s6 =	rddreg [dreg:$0x5]  }
0x98: {  	s7 =	rddreg [dreg:$0x13];
	s1 =	sor.u32 $0x1C04, s6;
	s6 =	sshrl.u32 s13, $0x3  }
0x99: {  	[hbm:s7], [sflag:s1] =	dma.local [spmem:s6], $0x2800  }
0x9a: {  	_ =	swait.ge [sflag:s25], $0x2800  }
0x9b: {  	[sflag:s25] =	ssyncset.done $0x0  }
0x9c: {  	[sflag:s25] =	ssyncadd.s32 $0xFFFFD800  }
0x9d: {  	[bflag:$0x0] =	sbarrier.arrive $0xFFFF  }
0x9e: {  	[spmem:s2] =	stream.indirect.scatter [tilespmem:s24], [sflag:$0x4], $0x80, s12, s30, $0xb8;
	[tilespmem:$0x1A400] =	vst v63  }
0x9f: {  	_ =	swait.ge [sflag:s25], $0x2000  }
0xa0: {  	[sflag:s25] =	ssyncset.done $0x0  }
0xa1: {  	[sflag:s25] =	ssyncadd.s32 $0xFFFFE000  }
0xa2: {  	[bflag:$0x0] =	sbarrier.arrive $0xFFFF  }
0xa3: {  	s7 =	sld [smem:$0x7FD];
	_ =	sdelay $0x2  }
0xa4: {  	[tilespmem:s5], [sflag:$0x1] =	stream.strided.gather [hbm4b:s7+s22], $0x2000, s23, s22, $0x38;
	[tilespmem:$0x1A400] =	vst v63  }
0xa5: {  	_ =	swait.ge [sflag:s31], $0x2000  }
0xa6: {  	[sflag:s31] =	ssyncset.done $0x0  }
0xa7: {  	[sflag:s31] =	ssyncadd.s32 $0xFFFFE000  }
0xa8: {  	[spmem:s2] =	stream.indirect.scatter.add.f32 [tilespmem:s28], [sflag:$0x4], $0x80, s15, s30, $0xb8;
	[tilespmem:$0x1A400] =	vst v63  }
0xa9: {  	_ =	swait.ge [sflag:s25], $0x2000  }
0xaa: {  	[sflag:s25] =	ssyncset.done $0x0  }
0xab: {  	[sflag:s25] =	ssyncadd.s32 $0xFFFFE000  }
0xac: {  	[bflag:$0x0] =	sbarrier.arrive $0xFFFF  }
0xad: {  	s7 =	rddreg [dreg:$0x10]  }
0xae: {  	[hbm:s7], [sflag:s1] =	dma.local [spmem:s6], $0x2800  }
0xaf: {  	_ =	swait.ge [sflag:s25], $0x2800  }
0xb0: {  	[sflag:s25] =	ssyncset.done $0x0  }
0xb1: {  	[sflag:s25] =	ssyncadd.s32 $0xFFFFD800  }
0xb2: {  	[bflag:$0x0] =	sbarrier.arrive $0xFFFF  }
0xb3: {  	[spmem:s2] =	stream.indirect.scatter [tilespmem:s24], [sflag:$0x4], $0x80, s15, s30, $0xb8;
	[tilespmem:$0x1A400] =	vst v63  }
0xb4: {  	_ =	swait.ge [sflag:s25], $0x2000  }
0xb5: {  	[sflag:s25] =	ssyncset.done $0x0  }
0xb6: {  	[sflag:s25] =	ssyncadd.s32 $0xFFFFE000  }
0xb7: {  	[bflag:$0x0] =	sbarrier.arrive $0xFFFF  }
0xb8: {  	[tilespmem:s28], [sflag:$0x2] =	stream.strided.gather [hbm4b:s8+s22], $0x2000, s23, s22, $0x38;
	[tilespmem:$0x1A400] =	vst v63  }
0xb9: {  	_ =	swait.ge [sflag:s29], $0x2000  }
0xba: {  	[sflag:s29] =	ssyncset.done $0x0  }
0xbb: {  	[sflag:s29] =	ssyncadd.s32 $0xFFFFE000  }
0xbc: {  	[spmem:s2] =	stream.indirect.scatter.add.f32 [tilespmem:s5], [sflag:$0x4], $0x80, s16, s30, $0xb8;
	[tilespmem:$0x1A400] =	vst v63  }
0xbd: {  	_ =	swait.ge [sflag:s25], $0x2000  }
0xbe: {  	[sflag:s25] =	ssyncset.done $0x0  }
0xbf: {  	[sflag:s25] =	ssyncadd.s32 $0xFFFFE000  }
0xc0: {  	[bflag:$0x0] =	sbarrier.arrive $0xFFFF  }
0xc1: {  	s7 =	rddreg [dreg:$0x11]  }
0xc2: {  	[hbm:s7], [sflag:s1] =	dma.local [spmem:s6], $0x2800  }
0xc3: {  	_ =	swait.ge [sflag:s25], $0x2800  }
0xc4: {  	[sflag:s25] =	ssyncset.done $0x0  }
0xc5: {  	[sflag:s25] =	ssyncadd.s32 $0xFFFFD800  }
0xc6: {  	[bflag:$0x0] =	sbarrier.arrive $0xFFFF  }
0xc7: {  	[spmem:s2] =	stream.indirect.scatter [tilespmem:s24], [sflag:$0x4], $0x80, s16, s30, $0xb8;
	[tilespmem:$0x1A400] =	vst v63  }
0xc8: {  	_ =	swait.ge [sflag:s25], $0x2000  }
0xc9: {  	[sflag:s25] =	ssyncset.done $0x0  }
0xca: {  	[sflag:s25] =	ssyncadd.s32 $0xFFFFE000  }
0xcb: {  	[bflag:$0x0] =	sbarrier.arrive $0xFFFF  }
0xcc: {  	[tilespmem:s5], [sflag:$0x1] =	stream.strided.gather [hbm4b:s9+s22], $0x2000, s23, s22, $0x38;
	[tilespmem:$0x1A400] =	vst v63  }
0xcd: {  	_ =	swait.ge [sflag:s31], $0x2000  }
0xce: {  	[sflag:s31] =	ssyncset.done $0x0  }
0xcf: {  	[sflag:s31] =	ssyncadd.s32 $0xFFFFE000  }
0xd0: {  	[spmem:s2] =	stream.indirect.scatter.add.f32 [tilespmem:s28], [sflag:$0x4], $0x80, s17, s30, $0xb8;
	[tilespmem:$0x1A400] =	vst v63  }
0xd1: {  	_ =	swait.ge [sflag:s25], $0x2000  }
0xd2: {  	[sflag:s25] =	ssyncset.done $0x0  }
0xd3: {  	[sflag:s25] =	ssyncadd.s32 $0xFFFFE000  }
0xd4: {  	[bflag:$0x0] =	sbarrier.arrive $0xFFFF  }
0xd5: {  	s7 =	rddreg [dreg:$0x12]  }
0xd6: {  	[hbm:s7], [sflag:s1] =	dma.local [spmem:s6], $0x2800  }
0xd7: {  	_ =	swait.ge [sflag:s25], $0x2800  }
0xd8: {  	[sflag:s25] =	ssyncset.done $0x0  }
0xd9: {  	[sflag:s25] =	ssyncadd.s32 $0xFFFFD800  }
0xda: {  	[bflag:$0x0] =	sbarrier.arrive $0xFFFF  }
0xdb: {  	[spmem:s2] =	stream.indirect.scatter [tilespmem:s24], [sflag:$0x4], $0x80, s17, s30, $0xb8;
	[tilespmem:$0x1A400] =	vst v63  }
0xdc: {  	_ =	swait.ge [sflag:s25], $0x2000  }
0xdd: {  	[sflag:s25] =	ssyncset.done $0x0  }
0xde: {  	[sflag:s25] =	ssyncadd.s32 $0xFFFFE000  }
0xdf: {  	[bflag:$0x0] =	sbarrier.arrive $0xFFFF  }
0xe0: {  	[tilespmem:s28], [sflag:$0x2] =	stream.strided.gather [hbm4b:s4+s22], $0x2000, s23, s22, $0x38;
	[tilespmem:$0x1A400] =	vst v63  }
0xe1: {  	_ =	swait.ge [sflag:s29], $0x2000  }
0xe2: {  	[sflag:s29] =	ssyncset.done $0x0  }
0xe3: {  	[sflag:s29] =	ssyncadd.s32 $0xFFFFE000  }
0xe4: {  	[spmem:s2] =	stream.indirect.scatter.add.f32 [tilespmem:s5], [sflag:$0x4], $0x80, s18, s30, $0xb8;
	[tilespmem:$0x1A400] =	vst v63  }
0xe5: {  	_ =	swait.ge [sflag:s25], $0x2000  }
0xe6: {  	[sflag:s25] =	ssyncset.done $0x0  }
0xe7: {  	[sflag:s25] =	ssyncadd.s32 $0xFFFFE000  }
0xe8: {  	[bflag:$0x0] =	sbarrier.arrive $0xFFFF  }
0xe9: {  	s7 =	rddreg [dreg:$0x14]  }
0xea: {  	[hbm:s7], [sflag:s1] =	dma.local [spmem:s6], $0x2800  }
0xeb: {  	_ =	swait.ge [sflag:s25], $0x2800  }
0xec: {  	[sflag:s25] =	ssyncset.done $0x0  }
0xed: {  	[sflag:s25] =	ssyncadd.s32 $0xFFFFD800  }
0xee: {  	[bflag:$0x0] =	sbarrier.arrive $0xFFFF  }
0xef: {  	[spmem:s2] =	stream.indirect.scatter [tilespmem:s24], [sflag:$0x4], $0x80, s18, s30, $0xb8;
	[tilespmem:$0x1A400] =	vst v63  }
0xf0: {  	_ =	swait.ge [sflag:s25], $0x2000  }
0xf1: {  	[sflag:s25] =	ssyncset.done $0x0  }
0xf2: {  	[sflag:s25] =	ssyncadd.s32 $0xFFFFE000  }
0xf3: {  	[bflag:$0x0] =	sbarrier.arrive $0xFFFF  }
0xf4: {  	[tilespmem:s5], [sflag:$0x1] =	stream.strided.gather [hbm4b:s10+s22], $0x2000, s23, s22, $0x38;
	[tilespmem:$0x1A400] =	vst v63  }
0xf5: {  	_ =	swait.ge [sflag:s31], $0x2000  }
0xf6: {  	[sflag:s31] =	ssyncset.done $0x0  }
0xf7: {  	[sflag:s31] =	ssyncadd.s32 $0xFFFFE000  }
0xf8: {  	[spmem:s2] =	stream.indirect.scatter.add.f32 [tilespmem:s28], [sflag:$0x4], $0x80, s19, s30, $0xb8;
	[tilespmem:$0x1A400] =	vst v63  }
0xf9: {  	_ =	swait.ge [sflag:s25], $0x2000  }
0xfa: {  	[sflag:s25] =	ssyncset.done $0x0  }
0xfb: {  	[sflag:s25] =	ssyncadd.s32 $0xFFFFE000  }
0xfc: {  	[bflag:$0x0] =	sbarrier.arrive $0xFFFF  }
0xfd: {  	s7 =	rddreg [dreg:$0x15]  }
0xfe: {  	[hbm:s7], [sflag:s1] =	dma.local [spmem:s6], $0x2800  }
0xff: {  	_ =	swait.ge [sflag:s25], $0x2800  }
0x100: {  	[sflag:s25] =	ssyncset.done $0x0  }
0x101: {  	[sflag:s25] =	ssyncadd.s32 $0xFFFFD800  }
0x102: {  	[bflag:$0x0] =	sbarrier.arrive $0xFFFF  }
0x103: {  	[spmem:s2] =	stream.indirect.scatter [tilespmem:s24], [sflag:$0x4], $0x80, s19, s30, $0xb8;
	[tilespmem:$0x1A400] =	vst v63  }
0x104: {  	_ =	swait.ge [sflag:s25], $0x2000  }
0x105: {  	[sflag:s25] =	ssyncset.done $0x0  }
0x106: {  	[sflag:s25] =	ssyncadd.s32 $0xFFFFE000  }
0x107: {  	[bflag:$0x0] =	sbarrier.arrive $0xFFFF  }
0x108: {  	[tilespmem:s28], [sflag:$0x2] =	stream.strided.gather [hbm4b:s11+s22], $0x2000, s23, s22, $0x38;
	[tilespmem:$0x1A400] =	vst v63  }
0x109: {  	_ =	swait.ge [sflag:s29], $0x2000  }
0x10a: {  	[sflag:s29] =	ssyncset.done $0x0  }
0x10b: {  	[sflag:s29] =	ssyncadd.s32 $0xFFFFE000  }
0x10c: {  	[spmem:s2] =	stream.indirect.scatter.add.f32 [tilespmem:s5], [sflag:$0x4], $0x80, s20, s30, $0xb8;
	[tilespmem:$0x1A400] =	vst v63  }
0x10d: {  	_ =	swait.ge [sflag:s25], $0x2000  }
0x10e: {  	[sflag:s25] =	ssyncset.done $0x0  }
0x10f: {  	[sflag:s25] =	ssyncadd.s32 $0xFFFFE000  }
0x110: {  	[bflag:$0x0] =	sbarrier.arrive $0xFFFF  }
0x111: {  	s7 =	rddreg [dreg:$0x16]  }
0x112: {  	[hbm:s7], [sflag:s1] =	dma.local [spmem:s6], $0x2800  }
0x113: {  	_ =	swait.ge [sflag:s25], $0x2800  }
0x114: {  	[sflag:s25] =	ssyncset.done $0x0  }
0x115: {  	[sflag:s25] =	ssyncadd.s32 $0xFFFFD800  }
0x116: {  	[bflag:$0x0] =	sbarrier.arrive $0xFFFF  }
0x117: {  	[spmem:s2] =	stream.indirect.scatter [tilespmem:s24], [sflag:$0x4], $0x80, s20, s30, $0xb8;
	[tilespmem:$0x1A400] =	vst v63  }
0x118: {  	_ =	swait.ge [sflag:s25], $0x2000  }
0x119: {  	[sflag:s25] =	ssyncset.done $0x0  }
0x11a: {  	[sflag:s25] =	ssyncadd.s32 $0xFFFFE000  }
0x11b: {  	[bflag:$0x0] =	sbarrier.arrive $0xFFFF  }
0x11c: {  	_ =	swait.ge [sflag:s31], $0x2000  }
0x11d: {  	[sflag:s31] =	ssyncset.done $0x0  }
0x11e: {  	[sflag:s31] =	ssyncadd.s32 $0xFFFFE000  }
0x11f: {  	[spmem:s2] =	stream.indirect.scatter.add.f32 [tilespmem:s28], [sflag:$0x4], $0x80, s21, s30, $0xb8;
	[tilespmem:$0x1A400] =	vst v63  }
0x120: {  	_ =	swait.ge [sflag:s25], $0x2000  }
0x121: {  	[sflag:s25] =	ssyncset.done $0x0  }
0x122: {  	[sflag:s25] =	ssyncadd.s32 $0xFFFFE000  }
0x123: {  	[bflag:$0x0] =	sbarrier.arrive $0xFFFF  }
0x124: {  	s7 =	rddreg [dreg:$0x17]  }
0x125: {  	[hbm:s7], [sflag:s1] =	dma.local [spmem:s6], $0x2800  }
0x126: {  	_ =	swait.ge [sflag:s25], $0x2800  }
0x127: {  	s0 =	sadd.s32 $0x1, s0;
	s7 =	rddreg [dreg:$0x18]  }
0x128: {  	p0 =	sne.s32 s0, s7  }
.Ltmp1:
0x129: {  	_ = 	snop;
	(pc) =	sbr.rel @p0 .LBB2_1-.Ltmp1, $3  }
0x12a: {  	_ =	sdelay $0x1  }
0x12b: {  	[sflag:s25] =	ssyncset.done $0x0  }
0x12c: {  	[sflag:s25] =	ssyncadd.s32 $0xFFFFD800  }
0x12d: {  	_ =	sfence.sel $0x180000  }
0x12e: {  	[bflag:$0x0] =	sbarrier.arrive $0xFFFF  }
0x12f: {  	_ =	strace $0x90000047  }
0x130: {  	s0 =	stileid.u32;
	[bflag:$0x2] =	sbarrier.arrive $0xFFFF  }
0x131: {  	p0 =	sne.s32 s0, $0x0;
	s0 =	rddreg [dreg:$0x4]  }
0x132: {  	s0 =	sadd.s32 @!p0 $0x100000, s0  }
0x133: {  	[sflag:s0] =	ssyncadd.tile.s32 @!p0 $0x1;
	_ =	shalt  }
.Lfunc_end2:
_tile_overlayer_lowered:
.L_overlay_start_2:
0x134: {  	(tag) =	ssettag $0x2  }
0x135: {  	s0 =	rddreg [dreg:$0x0];
	s2 =	stileid.u32  }
0x136: {  	s1 =	rddreg [dreg:$0x1];
	p0 =	sne.s32 s2, $0x0  }
0x137: {  	s3 =	rddreg [dreg:$0x2];
	[bflag:$0x3] =	sbarrier.arrive $0xFFFF;
	s2 =	simm.s32 @!p0 $0x1C04  }
0x138: {  	[timem:s3], [sflag:s2] =	dma.local @!p0 [hbm:s0], s1  }
0x139: {  	s0 =	simm.s32 @!p0 $0x4  }
0x13a: {  	_ =	swait.ge @!p0 [sflag:s0], s1  }
0x13b: {  	s1 =	ssub.s32 @!p0 $0x0, s1;
	[sflag:s0] =	ssyncset.done @!p0 $0x0  }
0x13c: {  	[sflag:s0] =	ssyncadd.s32 @!p0 s1  }
0x13d: {  	[bflag:$0x3] =	sbarrier.arrive $0xFFFF  }
0x13e: {  	_ =	shalt  }

</sc_bundles>
